<compile_context>
chip_gen: v7x
topology: tpu7x:2x2x1
jax: 0.10.2.dev20260603
libtpu: 0.0.44.dev20260713+nightly
codegen_flags: <defaults>
</compile_context>

<pallas_src>
import jax
import jax.numpy as jnp
from jax import lax
from jax.experimental import pallas as pl
from jax.experimental.pallas import tpu as pltpu
from jax.experimental.pallas import tpu_sc as plsc

N = 10000
E = 320000
D = 128
H0 = 64
H1 = 32
G = 16

NCORES = 2
NSUB = 16
NW = NCORES * NSUB
NP = 10240
RPT = NP // NSUB
CHUNK = 128
NCH = E // CHUNK
CPW = NCH // NW
XTRA = NCH - CPW * NW

_F32 = jnp.float32
_HIGH = lax.Precision.DEFAULT
_sc_params = pltpu.CompilerParams(needs_layout_passes=False,
                                  use_tc_tiling_on_sc=False)


def _mesh():
  return plsc.VectorSubcoreMesh(core_axis_name="c", subcore_axis_name="s",
                                num_cores=NCORES, num_subcores=NSUB)



def _deg_body(e2d_hbm, out_hbm, hist_v, dbuf_v, tbuf_v):
  cid = lax.axis_index("c")
  sid = lax.axis_index("s")
  wid = cid * NSUB + sid

  @pl.loop(0, NP // 16)
  def _(i):
    hist_v[pl.ds(i * 16, 16)] = jnp.zeros((16,), _F32)

  pltpu.sync_copy(e2d_hbm.at[1, pl.ds(wid * CPW, CPW)], dbuf_v)
  ones = jnp.ones((16,), _F32)

  @pl.loop(0, CPW)
  def _(k):
    @pl.loop(0, CHUNK // 16)
    def _(j):
      plsc.addupdate_scatter(hist_v, [dbuf_v[k, pl.ds(j * 16, 16)]], ones)

  @pl.when(wid < XTRA)
  def _():
    pltpu.sync_copy(e2d_hbm.at[1, NW * CPW + wid], tbuf_v)

    @pl.loop(0, CHUNK // 16)
    def _(j):
      plsc.addupdate_scatter(hist_v, [tbuf_v[pl.ds(j * 16, 16)]], ones)

  pltpu.sync_copy(hist_v, out_hbm.at[wid])


_deg_call = pl.kernel(
    _deg_body,
    out_type=jax.ShapeDtypeStruct((NW, NP), _F32),
    mesh=_mesh(),
    compiler_params=_sc_params,
    scratch_types=[
        pltpu.VMEM((NP,), _F32),
        pltpu.VMEM((CPW, CHUNK), jnp.int32),
        pltpu.VMEM((CHUNK,), jnp.int32),
    ],
)


def _make_conv(width, nbuf):
  NBUF = nbuf

  n_iter = -(-CPW // NBUF) * NBUF

  def body(y_hbm, e2d_hbm, out_hbm, acc_sh, si2_v, di2_v, rows_bufs,
           tis_v, tid_v, gsem_bufs, isem0, isem1):
    cid = lax.axis_index("c")
    sid = lax.axis_index("s")
    wid = cid * NSUB + sid
    r0 = sid * RPT

    rows = list(rows_bufs)
    gsems = list(gsem_bufs)

    c0 = wid * CPW
    pltpu.async_copy(e2d_hbm.at[0, pl.ds(c0, CPW)], si2_v, isem0)
    pltpu.async_copy(e2d_hbm.at[1, pl.ds(c0, CPW)], di2_v, isem1)

    @pl.loop(0, CHUNK)
    def _(r):
      @pl.loop(0, width // 16)
      def _(c):
        rows[0][r, pl.ds(c * 16, 16)] = jnp.zeros((16,), _F32)

    for j in range(RPT // CHUNK):
      pltpu.sync_copy(rows[0], acc_sh.at[pl.ds(r0 + j * CHUNK, CHUNK)])
    pltpu.make_async_copy(e2d_hbm.at[0, pl.ds(c0, CPW)], si2_v, isem0).wait()
    pltpu.make_async_copy(e2d_hbm.at[1, pl.ds(c0, CPW)], di2_v, isem1).wait()
    plsc.subcore_barrier()

    for b in range(NBUF):
      pltpu.async_copy(y_hbm.at[si2_v.at[b]], rows[b], gsems[b])

    @pl.loop(0, n_iter, step=NBUF)
    def _(k0):
      for b in range(NBUF):
        k = k0 + b

        @pl.when(k < CPW)
        def _():
          pltpu.make_async_copy(y_hbm.at[si2_v.at[k]], rows[b], gsems[b]).wait()
          pltpu.sync_copy(rows[b], acc_sh.at[di2_v.at[k]], add=True)

          @pl.when(k + NBUF < CPW)
          def _():
            pltpu.async_copy(y_hbm.at[si2_v.at[k + NBUF]], rows[b], gsems[b])

    @pl.when(wid < XTRA)
    def _():
      ce = NW * CPW + wid
      pltpu.sync_copy(e2d_hbm.at[0, ce], tis_v)
      pltpu.sync_copy(e2d_hbm.at[1, ce], tid_v)
      pltpu.async_copy(y_hbm.at[tis_v], rows[0], gsems[0]).wait()
      pltpu.sync_copy(rows[0], acc_sh.at[tid_v], add=True)

    plsc.subcore_barrier()
    pltpu.sync_copy(acc_sh.at[pl.ds(r0, RPT)], out_hbm.at[cid, pl.ds(r0, RPT)])

  return pl.kernel(
      body,
      out_type=jax.ShapeDtypeStruct((NCORES, NP, width), _F32),
      mesh=_mesh(),
      compiler_params=_sc_params,
      scratch_types=[
          pltpu.VMEM_SHARED((NP, width), _F32),
          pltpu.VMEM((CPW, CHUNK), jnp.int32),
          pltpu.VMEM((CPW, CHUNK), jnp.int32),
          tuple(pltpu.VMEM((CHUNK, width), _F32) for _ in range(NBUF)),
          pltpu.VMEM((CHUNK,), jnp.int32),
          pltpu.VMEM((CHUNK,), jnp.int32),
          tuple(pltpu.SemaphoreType.DMA for _ in range(NBUF)),
          pltpu.SemaphoreType.DMA,
          pltpu.SemaphoreType.DMA,
      ],
  )


_conv64 = _make_conv(H0, 8)
_conv32 = _make_conv(H1, 8)



def _mm_body(a_ref, b_ref, o_ref):
  o_ref[...] = lax.dot_general(
      a_ref[...], b_ref[...], (((1,), (0,)), ((), ())),
      precision=_HIGH, preferred_element_type=_F32)


def _tc_mm(a, b):
  return pl.pallas_call(
      _mm_body,
      out_shape=jax.ShapeDtypeStruct((a.shape[0], b.shape[1]), _F32),
  )(a, b)


def _scale_body(xw_ref, degp_ref, y_ref, dinv_ref):
  deg = jnp.sum(degp_ref[...], axis=0)[:, None] + 1.0
  dinv = lax.rsqrt(deg)
  dinv_ref[...] = dinv
  y_ref[...] = dinv * xw_ref[...]


_tc_scale = pl.pallas_call(
    _scale_body,
    out_shape=(
        jax.ShapeDtypeStruct((N, H0), _F32),
        jax.ShapeDtypeStruct((N, 1), _F32),
    ),
)


def _mid_body(accp_ref, y0_ref, dinv_ref, b0_ref, g0_ref, be0_ref, w1_ref,
              y1_ref):
  acc = accp_ref[0, pl.ds(0, N), :] + accp_ref[1, pl.ds(0, N), :]
  dinv = dinv_ref[...]
  h = dinv * (acc + y0_ref[...]) + b0_ref[...]
  mu = jnp.mean(h, axis=0, keepdims=True)
  var = jnp.mean((h - mu) ** 2, axis=0, keepdims=True)
  h = jnp.maximum((h - mu) * lax.rsqrt(var + 1e-5) * g0_ref[...] + be0_ref[...],
                  0.0)
  xw1 = lax.dot_general(h, w1_ref[...], (((1,), (0,)), ((), ())),
                        precision=_HIGH, preferred_element_type=_F32)
  y1_ref[...] = dinv * xw1


_tc_mid = pl.pallas_call(
    _mid_body,
    out_shape=jax.ShapeDtypeStruct((N, H1), _F32),
)


def _head_body(accp_ref, y1_ref, dinv_ref, b1_ref, g1_ref, be1_ref,
               batch_ref, wc1_ref, bc1_ref, wc2_ref, bc2_ref, o_ref):
  acc = accp_ref[0, pl.ds(0, N), :] + accp_ref[1, pl.ds(0, N), :]
  h = dinv_ref[...] * (acc + y1_ref[...]) + b1_ref[...]
  mu = jnp.mean(h, axis=0, keepdims=True)
  var = jnp.mean((h - mu) ** 2, axis=0, keepdims=True)
  h = jnp.maximum((h - mu) * lax.rsqrt(var + 1e-5) * g1_ref[...] + be1_ref[...],
                  0.0)
  gi = lax.broadcasted_iota(jnp.int32, (1, G), 1)
  onehot = (batch_ref[...] == gi).astype(_F32)
  sums = lax.dot_general(onehot, h, (((0,), (0,)), ((), ())),
                         precision=_HIGH, preferred_element_type=_F32)
  counts = jnp.sum(onehot, axis=0)[:, None]
  pooled = sums / jnp.maximum(counts, 1.0)
  z = jnp.maximum(
      lax.dot_general(pooled, wc1_ref[...], (((1,), (0,)), ((), ())),
                      precision=_HIGH, preferred_element_type=_F32)
      + bc1_ref[...], 0.0)
  o_ref[...] = lax.dot_general(z, wc2_ref[...], (((1,), (0,)), ((), ())),
                               precision=_HIGH, preferred_element_type=_F32) \
      + bc2_ref[...]


_tc_head = pl.pallas_call(
    _head_body,
    out_shape=jax.ShapeDtypeStruct((G, 2), _F32),
)



def kernel(x, edge_index, batch, W0, b0, g0, be0, W1, b1, g1, be1,
           Wc1, bc1, Wc2, bc2):
  e2d = edge_index.reshape(2, NCH, CHUNK)

  degp = _deg_call(e2d)
  xw0 = _tc_mm(x, W0)
  y0, dinv = _tc_scale(xw0, degp[:, :N])
  accp0 = _conv64(y0, e2d)
  y1 = _tc_mid(accp0, y0, dinv, b0[None, :], g0[None, :], be0[None, :], W1)
  accp1 = _conv32(y1, e2d)
  return _tc_head(accp1, y1, dinv, b1[None, :], g1[None, :], be1[None, :],
                  batch[:, None], Wc1, bc1[None, :], Wc2, bc2[None, :])

# --- scband reference (transcript-rebuilt; emitter-appended) ---
"""Pipeline reference for scband-graph-diffusion-63299228008754 (READ-ONLY COPY).

The authoritative reference and input builder live on the scoring server;
editing this copy changes nothing except your own understanding.
"""

import jax, jax.numpy as jnp
import numpy as np

N = 10000
E = 320000
D = 128
H0 = 64
H1 = 32
G = 16
NC = 2


def setup_inputs(seed: int = 0) -> dict:
    key = jax.random.key(seed)
    ks = jax.random.split(key, 12)
    x = jax.random.normal(ks[0], (N, D), dtype=jnp.float32)
    edge_index = jax.random.randint(ks[1], (2, E), 0, N, dtype=jnp.int32)
    batch = jnp.sort(jax.random.randint(ks[2], (N,), 0, G, dtype=jnp.int32))
    W0 = jax.random.normal(ks[3], (D, H0), dtype=jnp.float32) / np.sqrt(D)
    b0 = jnp.zeros((H0,), dtype=jnp.float32)
    g0 = jnp.ones((H0,), dtype=jnp.float32)
    be0 = jnp.zeros((H0,), dtype=jnp.float32)
    W1 = jax.random.normal(ks[4], (H0, H1), dtype=jnp.float32) / np.sqrt(H0)
    b1 = jnp.zeros((H1,), dtype=jnp.float32)
    g1 = jnp.ones((H1,), dtype=jnp.float32)
    be1 = jnp.zeros((H1,), dtype=jnp.float32)
    Wc1 = jax.random.normal(ks[5], (H1, H1 // 2), dtype=jnp.float32) / np.sqrt(H1)
    bc1 = jnp.zeros((H1 // 2,), dtype=jnp.float32)
    Wc2 = jax.random.normal(ks[6], (H1 // 2, NC), dtype=jnp.float32) / np.sqrt(H1 // 2)
    bc2 = jnp.zeros((NC,), dtype=jnp.float32)
    return {"x": x, "edge_index": edge_index, "batch": batch,
            "W0": W0, "b0": b0, "g0": g0, "be0": be0,
            "W1": W1, "b1": b1, "g1": g1, "be1": be1,
            "Wc1": Wc1, "bc1": bc1, "Wc2": Wc2, "bc2": bc2}


def _gcn_conv(x, src, dst, W, b, n):
    # PyG GCNConv: lin -> add self loops -> sym-normalized scatter-add -> +bias
    xw = x @ W
    sl = jnp.arange(n, dtype=src.dtype)
    s = jnp.concatenate([src, sl])
    d = jnp.concatenate([dst, sl])
    deg = jnp.zeros((n,), dtype=xw.dtype).at[d].add(1.0)
    dinv = jnp.where(deg > 0, 1.0 / jnp.sqrt(deg), 0.0)
    norm = dinv[s] * dinv[d]
    out = jnp.zeros((n, xw.shape[1]), dtype=xw.dtype).at[d].add(norm[:, None] * xw[s])
    return out + b


def _bn(h, gamma, beta, eps=1e-5):
    mu = jnp.mean(h, axis=0)
    var = jnp.var(h, axis=0)
    return (h - mu) / jnp.sqrt(var + eps) * gamma + beta


def reference(x, edge_index, batch, W0, b0, g0, be0, W1, b1, g1, be1, Wc1, bc1, Wc2, bc2):
    src, dst = edge_index[0], edge_index[1]
    n = x.shape[0]
    h = _gcn_conv(x, src, dst, W0, b0, n)
    h = jax.nn.relu(_bn(h, g0, be0))
    h = _gcn_conv(h, src, dst, W1, b1, n)
    h = jax.nn.relu(_bn(h, g1, be1))
    # global mean pool over graphs (dropout is identity in eval mode)
    sums = jax.ops.segment_sum(h, batch, num_segments=G)
    counts = jax.ops.segment_sum(jnp.ones((n,), dtype=h.dtype), batch, num_segments=G)
    pooled = sums / jnp.clip(counts, 1.0)[:, None]
    z = jax.nn.relu(pooled @ Wc1 + bc1)
    logits = z @ Wc2 + bc2
    return logits

if __name__ == "__main__":
    import jax
    _d = setup_inputs()
    print(jax.jit(kernel)(*tuple(_d.values())))

</pallas_src>

<mosaic_0001>
#map = affine_map<(d0, d1) -> (0, 0, 0)>
#map1 = affine_map<(d0, d1) -> (0, 0)>
module attributes {stable_mosaic.version = 14 : i64} {
  func.func @_deg_body(%arg0: i32, %arg1: i32, %arg2: memref<2x2500x128xi32, #tpu.memory_space<hbm>>, %arg3: memref<32x10240xf32, #tpu.memory_space<hbm>>, %arg4: memref<10240xf32, #tpu.memory_space<vmem>>, %arg5: memref<78x128xi32, #tpu.memory_space<vmem>>, %arg6: memref<128xi32, #tpu.memory_space<vmem>>) attributes {dimension_semantics = [#tpu.dimension_semantics<core_parallel>, #tpu.dimension_semantics<subcore_parallel>], iteration_bounds = array<i64: 2, 16>, scalar_prefetch = 0 : i64, scratch_operands = 3 : i64, tpu.core_type = #tpu.core_type<sc_vector_subcore>, window_params = [{transform_indices = #map}, {transform_indices = #map1}]} {
    %mul3A = arith.constant 16 : i32
    %mul3A_0 = arith.muli %arg0, %mul3A : i32
    %add3A = arith.addi %mul3A_0, %arg1 : i32
    %scan3A = arith.constant 0 : i32
    %scan3A_1 = arith.constant 640 : i32
    %scan3A_2 = arith.addi %scan3A, %scan3A_1 : i32
    %scan3A_3 = arith.constant 1 : i32
    scf.for %scan3A_15 = %scan3A to %scan3A_2 step %scan3A_3  : i32 {
      %mul3A_16 = arith.constant 1 : i32
      %mul3A_17 = arith.muli %scan3A_15, %mul3A_16 : i32
      %add3A_18 = arith.constant 0 : i32
      %add3A_19 = arith.addi %add3A_18, %mul3A_17 : i32
      %broadcast_in_dim3A_20 = arith.constant 0.000000e+00 : f32
      %broadcast_in_dim3A_21 = vector.broadcast %broadcast_in_dim3A_20 : f32 to vector<16xf32>
      %mul3A_22 = arith.constant 16 : i32
      %mul3A_23 = arith.muli %add3A_19, %mul3A_22 : i32
      %swap3A = arith.index_cast %mul3A_23 : i32 to index
      %swap3A_24 = tpu.vector_load %arg4[%swap3A] {strides = array<i32>} : memref<10240xf32, #tpu.memory_space<vmem>>, vector<16xf32>,
      tpu.vector_store %arg4[%swap3A], %broadcast_in_dim3A_21 {strides = array<i32>} : memref<10240xf32, #tpu.memory_space<vmem>>, vector<16xf32>,
    }
    %scan3A_4 = arith.constant 640 : i32
    %mul3A_5 = arith.constant 78 : i32
    %mul3A_6 = arith.muli %add3A, %mul3A_5 : i32
    %run_scoped3A = arith.constant 1 : i32
    "tpu.region"() ({
      %run_scoped3A_15 = tpu.sem_alloc : memref<!tpu.dma_semaphore, #tpu.memory_space<semaphore_mem>>
      %dma_start3A = arith.constant 0 : i32
      %dma_start3A_16 = tpu.memref_slice %arg2[%run_scoped3A, %mul3A_6, %dma_start3A] : memref<2x2500x128xi32, #tpu.memory_space<hbm>> -> memref<1x78x128xi32, #tpu.memory_space<hbm>>
      %dma_start3A_17 = tpu.memref_squeeze %dma_start3A_16 : memref<1x78x128xi32, #tpu.memory_space<hbm>> -> memref<78x128xi32, #tpu.memory_space<hbm>>
      %dma_start3A_18 = arith.constant 0 : i32
      %dma_start3A_19 = tpu.memref_slice %arg2[%run_scoped3A, %mul3A_6, %dma_start3A_18] : memref<2x2500x128xi32, #tpu.memory_space<hbm>> -> memref<1x78x128xi32, #tpu.memory_space<hbm>>
      %dma_start3A_20 = tpu.memref_squeeze %dma_start3A_19 : memref<1x78x128xi32, #tpu.memory_space<hbm>> -> memref<78x128xi32, #tpu.memory_space<hbm>>
      tpu.enqueue_dma source(%dma_start3A_20 : memref<78x128xi32, #tpu.memory_space<hbm>>) target(%arg5 : memref<78x128xi32, #tpu.memory_space<vmem>>) target_semaphore(%run_scoped3A_15 : memref<!tpu.dma_semaphore, #tpu.memory_space<semaphore_mem>>)
      %dma_wait3A = arith.constant 0 : i32
      %dma_wait3A_21 = tpu.memref_slice %arg2[%run_scoped3A, %mul3A_6, %dma_wait3A] : memref<2x2500x128xi32, #tpu.memory_space<hbm>> -> memref<1x78x128xi32, #tpu.memory_space<hbm>>
      %dma_wait3A_22 = tpu.memref_squeeze %dma_wait3A_21 : memref<1x78x128xi32, #tpu.memory_space<hbm>> -> memref<78x128xi32, #tpu.memory_space<hbm>>
      %dma_wait3A_23 = arith.constant 0 : i32
      %dma_wait3A_24 = tpu.memref_slice %arg2[%run_scoped3A, %mul3A_6, %dma_wait3A_23] : memref<2x2500x128xi32, #tpu.memory_space<hbm>> -> memref<1x78x128xi32, #tpu.memory_space<hbm>>
      %dma_wait3A_25 = tpu.memref_squeeze %dma_wait3A_24 : memref<1x78x128xi32, #tpu.memory_space<hbm>> -> memref<78x128xi32, #tpu.memory_space<hbm>>
      tpu.wait_dma2 semaphore(%run_scoped3A_15 : memref<!tpu.dma_semaphore, #tpu.memory_space<semaphore_mem>>) src(%dma_wait3A_25 : memref<78x128xi32, #tpu.memory_space<hbm>>) dst(%arg5 : memref<78x128xi32, #tpu.memory_space<vmem>>)
      tpu.yield
    }) : () -> ()
    %broadcast_in_dim3A = arith.constant 1.000000e+00 : f32
    %broadcast_in_dim3A_7 = vector.broadcast %broadcast_in_dim3A : f32 to vector<16xf32>
    %scan3A_8 = arith.constant 0 : i32
    %scan3A_9 = arith.constant 78 : i32
    %scan3A_10 = arith.addi %scan3A_8, %scan3A_9 : i32
    %scan3A_11 = arith.constant 1 : i32
    scf.for %scan3A_15 = %scan3A_8 to %scan3A_10 step %scan3A_11  : i32 {
      %mul3A_16 = arith.constant 1 : i32
      %mul3A_17 = arith.muli %scan3A_15, %mul3A_16 : i32
      %add3A_18 = arith.constant 0 : i32
      %add3A_19 = arith.addi %add3A_18, %mul3A_17 : i32
      %scan3A_20 = arith.constant 0 : i32
      %scan3A_21 = arith.constant 8 : i32
      %scan3A_22 = arith.addi %scan3A_20, %scan3A_21 : i32
      %scan3A_23 = arith.constant 1 : i32
      scf.for %scan3A_25 = %scan3A_20 to %scan3A_22 step %scan3A_23  : i32 {
        %mul3A_26 = arith.constant 1 : i32
        %mul3A_27 = arith.muli %scan3A_25, %mul3A_26 : i32
        %add3A_28 = arith.constant 0 : i32
        %add3A_29 = arith.addi %add3A_28, %mul3A_27 : i32
        %mul3A_30 = arith.constant 16 : i32
        %mul3A_31 = arith.muli %add3A_29, %mul3A_30 : i32
        %get3A = arith.index_cast %add3A_19 : i32 to index
        %get3A_32 = arith.index_cast %mul3A_31 : i32 to index
        %get3A_33 = tpu.vector_load %arg5[%get3A, %get3A_32] {strides = array<i32>} : memref<78x128xi32, #tpu.memory_space<vmem>>, vector<16xi32>,
        tpu.vector_store_idx %arg4[%get3A_33], %broadcast_in_dim3A_7 {add = true} : memref<10240xf32, #tpu.memory_space<vmem>>[vector<16xi32>], vector<16xf32>,
      }
      %scan3A_24 = arith.constant 8 : i32
    }
    %scan3A_12 = arith.constant 78 : i32
    %lt3A = arith.constant 4 : i32
    %lt3A_13 = arith.cmpi slt, %add3A, %lt3A : i32
    %convert_element_type3A = arith.extui %lt3A_13 : i1 to i32
    %cond3A = arith.constant 0 : i32
    %cond3A_14 = arith.cmpi ne, %convert_element_type3A, %cond3A : i32
    scf.if %cond3A_14 {
      %add3A_15 = arith.constant 2496 : i32
      %add3A_16 = arith.addi %add3A_15, %add3A : i32
      %run_scoped3A_17 = arith.constant 1 : i32
      "tpu.region"() ({
        %run_scoped3A_23 = tpu.sem_alloc : memref<!tpu.dma_semaphore, #tpu.memory_space<semaphore_mem>>
        %dma_start3A = arith.constant 0 : i32
        %dma_start3A_24 = tpu.memref_slice %arg2[%run_scoped3A_17, %add3A_16, %dma_start3A] : memref<2x2500x128xi32, #tpu.memory_space<hbm>> -> memref<1x1x128xi32, #tpu.memory_space<hbm>>
        %dma_start3A_25 = tpu.memref_squeeze %dma_start3A_24 : memref<1x1x128xi32, #tpu.memory_space<hbm>> -> memref<128xi32, #tpu.memory_space<hbm>>
        %dma_start3A_26 = arith.constant 0 : i32
        %dma_start3A_27 = tpu.memref_slice %arg2[%run_scoped3A_17, %add3A_16, %dma_start3A_26] : memref<2x2500x128xi32, #tpu.memory_space<hbm>> -> memref<1x1x128xi32, #tpu.memory_space<hbm>>
        %dma_start3A_28 = tpu.memref_squeeze %dma_start3A_27 : memref<1x1x128xi32, #tpu.memory_space<hbm>> -> memref<128xi32, #tpu.memory_space<hbm>>
        tpu.enqueue_dma source(%dma_start3A_28 : memref<128xi32, #tpu.memory_space<hbm>>) target(%arg6 : memref<128xi32, #tpu.memory_space<vmem>>) target_semaphore(%run_scoped3A_23 : memref<!tpu.dma_semaphore, #tpu.memory_space<semaphore_mem>>)
        %dma_wait3A = arith.constant 0 : i32
        %dma_wait3A_29 = tpu.memref_slice %arg2[%run_scoped3A_17, %add3A_16, %dma_wait3A] : memref<2x2500x128xi32, #tpu.memory_space<hbm>> -> memref<1x1x128xi32, #tpu.memory_space<hbm>>
        %dma_wait3A_30 = tpu.memref_squeeze %dma_wait3A_29 : memref<1x1x128xi32, #tpu.memory_space<hbm>> -> memref<128xi32, #tpu.memory_space<hbm>>
        %dma_wait3A_31 = arith.constant 0 : i32
        %dma_wait3A_32 = tpu.memref_slice %arg2[%run_scoped3A_17, %add3A_16, %dma_wait3A_31] : memref<2x2500x128xi32, #tpu.memory_space<hbm>> -> memref<1x1x128xi32, #tpu.memory_space<hbm>>
        %dma_wait3A_33 = tpu.memref_squeeze %dma_wait3A_32 : memref<1x1x128xi32, #tpu.memory_space<hbm>> -> memref<128xi32, #tpu.memory_space<hbm>>
        tpu.wait_dma2 semaphore(%run_scoped3A_23 : memref<!tpu.dma_semaphore, #tpu.memory_space<semaphore_mem>>) src(%dma_wait3A_33 : memref<128xi32, #tpu.memory_space<hbm>>) dst(%arg6 : memref<128xi32, #tpu.memory_space<vmem>>)
        tpu.yield
      }) : () -> ()
      %scan3A_18 = arith.constant 0 : i32
      %scan3A_19 = arith.constant 8 : i32
      %scan3A_20 = arith.addi %scan3A_18, %scan3A_19 : i32
      %scan3A_21 = arith.constant 1 : i32
      scf.for %scan3A_23 = %scan3A_18 to %scan3A_20 step %scan3A_21  : i32 {
        %mul3A_24 = arith.constant 1 : i32
        %mul3A_25 = arith.muli %scan3A_23, %mul3A_24 : i32
        %add3A_26 = arith.constant 0 : i32
        %add3A_27 = arith.addi %add3A_26, %mul3A_25 : i32
        %mul3A_28 = arith.constant 16 : i32
        %mul3A_29 = arith.muli %add3A_27, %mul3A_28 : i32
        %get3A = arith.index_cast %mul3A_29 : i32 to index
        %get3A_30 = tpu.vector_load %arg6[%get3A] {strides = array<i32>} : memref<128xi32, #tpu.memory_space<vmem>>, vector<16xi32>,
        tpu.vector_store_idx %arg4[%get3A_30], %broadcast_in_dim3A_7 {add = true} : memref<10240xf32, #tpu.memory_space<vmem>>[vector<16xi32>], vector<16xf32>,
      }
      %scan3A_22 = arith.constant 8 : i32
    } else {
    }
    "tpu.region"() ({
      %run_scoped3A_15 = tpu.sem_alloc : memref<!tpu.dma_semaphore, #tpu.memory_space<semaphore_mem>>
      %dma_start3A = arith.constant 0 : i32
      %dma_start3A_16 = tpu.memref_slice %arg3[%add3A, %dma_start3A] : memref<32x10240xf32, #tpu.memory_space<hbm>> -> memref<1x10240xf32, #tpu.memory_space<hbm>>
      %dma_start3A_17 = tpu.memref_squeeze %dma_start3A_16 : memref<1x10240xf32, #tpu.memory_space<hbm>> -> memref<10240xf32, #tpu.memory_space<hbm>>
      %dma_start3A_18 = arith.constant 0 : i32
      %dma_start3A_19 = tpu.memref_slice %arg3[%add3A, %dma_start3A_18] : memref<32x10240xf32, #tpu.memory_space<hbm>> -> memref<1x10240xf32, #tpu.memory_space<hbm>>
      %dma_start3A_20 = tpu.memref_squeeze %dma_start3A_19 : memref<1x10240xf32, #tpu.memory_space<hbm>> -> memref<10240xf32, #tpu.memory_space<hbm>>
      tpu.enqueue_dma source(%arg4 : memref<10240xf32, #tpu.memory_space<vmem>>) target(%dma_start3A_20 : memref<10240xf32, #tpu.memory_space<hbm>>) target_semaphore(%run_scoped3A_15 : memref<!tpu.dma_semaphore, #tpu.memory_space<semaphore_mem>>)
      %dma_wait3A = arith.constant 0 : i32
      %dma_wait3A_21 = tpu.memref_slice %arg3[%add3A, %dma_wait3A] : memref<32x10240xf32, #tpu.memory_space<hbm>> -> memref<1x10240xf32, #tpu.memory_space<hbm>>
      %dma_wait3A_22 = tpu.memref_squeeze %dma_wait3A_21 : memref<1x10240xf32, #tpu.memory_space<hbm>> -> memref<10240xf32, #tpu.memory_space<hbm>>
      %dma_wait3A_23 = arith.constant 0 : i32
      %dma_wait3A_24 = tpu.memref_slice %arg3[%add3A, %dma_wait3A_23] : memref<32x10240xf32, #tpu.memory_space<hbm>> -> memref<1x10240xf32, #tpu.memory_space<hbm>>
      %dma_wait3A_25 = tpu.memref_squeeze %dma_wait3A_24 : memref<1x10240xf32, #tpu.memory_space<hbm>> -> memref<10240xf32, #tpu.memory_space<hbm>>
      tpu.wait_dma2 semaphore(%run_scoped3A_15 : memref<!tpu.dma_semaphore, #tpu.memory_space<semaphore_mem>>) src(%arg4 : memref<10240xf32, #tpu.memory_space<vmem>>) dst(%dma_wait3A_25 : memref<10240xf32, #tpu.memory_space<hbm>>)
      tpu.yield
    }) : () -> ()
    return
  }
}

#map = affine_map<(d0, d1) -> (0, 0)>
#map1 = affine_map<(d0, d1) -> (0, 0, 0)>
module attributes {stable_mosaic.version = 14 : i64} {
  func.func @body(%arg0: i32, %arg1: i32, %arg2: memref<10000x32xf32, #tpu.memory_space<hbm>>, %arg3: memref<2x2500x128xi32, #tpu.memory_space<hbm>>, %arg4: memref<2x10240x32xf32, #tpu.memory_space<hbm>>, %arg5: memref<10240x32xf32, #tpu.memory_space<vmem_shared>>, %arg6: memref<78x128xi32, #tpu.memory_space<vmem>>, %arg7: memref<78x128xi32, #tpu.memory_space<vmem>>, %arg8: memref<128x32xf32, #tpu.memory_space<vmem>>, %arg9: memref<128x32xf32, #tpu.memory_space<vmem>>, %arg10: memref<128x32xf32, #tpu.memory_space<vmem>>, %arg11: memref<128x32xf32, #tpu.memory_space<vmem>>, %arg12: memref<128x32xf32, #tpu.memory_space<vmem>>, %arg13: memref<128x32xf32, #tpu.memory_space<vmem>>, %arg14: memref<128x32xf32, #tpu.memory_space<vmem>>, %arg15: memref<128x32xf32, #tpu.memory_space<vmem>>, %arg16: memref<128xi32, #tpu.memory_space<vmem>>, %arg17: memref<128xi32, #tpu.memory_space<vmem>>, %arg18: memref<!tpu.dma_semaphore, #tpu.memory_space<semaphore_mem>>, %arg19: memref<!tpu.dma_semaphore, #tpu.memory_space<semaphore_mem>>, %arg20: memref<!tpu.dma_semaphore, #tpu.memory_space<semaphore_mem>>, %arg21: memref<!tpu.dma_semaphore, #tpu.memory_space<semaphore_mem>>, %arg22: memref<!tpu.dma_semaphore, #tpu.memory_space<semaphore_mem>>, %arg23: memref<!tpu.dma_semaphore, #tpu.memory_space<semaphore_mem>>, %arg24: memref<!tpu.dma_semaphore, #tpu.memory_space<semaphore_mem>>, %arg25: memref<!tpu.dma_semaphore, #tpu.memory_space<semaphore_mem>>, %arg26: memref<!tpu.dma_semaphore, #tpu.memory_space<semaphore_mem>>, %arg27: memref<!tpu.dma_semaphore, #tpu.memory_space<semaphore_mem>>) attributes {dimension_semantics = [#tpu.dimension_semantics<core_parallel>, #tpu.dimension_semantics<subcore_parallel>], iteration_bounds = array<i64: 2, 16>, scalar_prefetch = 0 : i64, scratch_operands = 23 : i64, tpu.core_type = #tpu.core_type<sc_vector_subcore>, window_params = [{transform_indices = #map}, {transform_indices = #map1}, {transform_indices = #map1}]} {
    %mul3A = arith.constant 16 : i32
    %mul3A_0 = arith.muli %arg0, %mul3A : i32
    %add3A = arith.addi %mul3A_0, %arg1 : i32
    %mul3A_1 = arith.constant 640 : i32
    %mul3A_2 = arith.muli %arg1, %mul3A_1 : i32
    %mul3A_3 = arith.constant 78 : i32
    %mul3A_4 = arith.muli %add3A, %mul3A_3 : i32
    %dma_start3A = arith.constant 0 : i32
    %dma_start3A_5 = arith.constant 0 : i32
    %dma_start3A_6 = tpu.memref_slice %arg3[%dma_start3A, %mul3A_4, %dma_start3A_5] : memref<2x2500x128xi32, #tpu.memory_space<hbm>> -> memref<1x78x128xi32, #tpu.memory_space<hbm>>
    %dma_start3A_7 = tpu.memref_squeeze %dma_start3A_6 : memref<1x78x128xi32, #tpu.memory_space<hbm>> -> memref<78x128xi32, #tpu.memory_space<hbm>>
    %dma_start3A_8 = arith.constant 0 : i32
    %dma_start3A_9 = tpu.memref_slice %arg3[%dma_start3A, %mul3A_4, %dma_start3A_8] : memref<2x2500x128xi32, #tpu.memory_space<hbm>> -> memref<1x78x128xi32, #tpu.memory_space<hbm>>
    %dma_start3A_10 = tpu.memref_squeeze %dma_start3A_9 : memref<1x78x128xi32, #tpu.memory_space<hbm>> -> memref<78x128xi32, #tpu.memory_space<hbm>>
    tpu.enqueue_dma source(%dma_start3A_10 : memref<78x128xi32, #tpu.memory_space<hbm>>) target(%arg6 : memref<78x128xi32, #tpu.memory_space<vmem>>) target_semaphore(%arg26 : memref<!tpu.dma_semaphore, #tpu.memory_space<semaphore_mem>>)
    %dma_start3A_11 = arith.constant 1 : i32
    %dma_start3A_12 = arith.constant 0 : i32
    %dma_start3A_13 = tpu.memref_slice %arg3[%dma_start3A_11, %mul3A_4, %dma_start3A_12] : memref<2x2500x128xi32, #tpu.memory_space<hbm>> -> memref<1x78x128xi32, #tpu.memory_space<hbm>>
    %dma_start3A_14 = tpu.memref_squeeze %dma_start3A_13 : memref<1x78x128xi32, #tpu.memory_space<hbm>> -> memref<78x128xi32, #tpu.memory_space<hbm>>
    %dma_start3A_15 = arith.constant 0 : i32
    %dma_start3A_16 = tpu.memref_slice %arg3[%dma_start3A_11, %mul3A_4, %dma_start3A_15] : memref<2x2500x128xi32, #tpu.memory_space<hbm>> -> memref<1x78x128xi32, #tpu.memory_space<hbm>>
    %dma_start3A_17 = tpu.memref_squeeze %dma_start3A_16 : memref<1x78x128xi32, #tpu.memory_space<hbm>> -> memref<78x128xi32, #tpu.memory_space<hbm>>
    tpu.enqueue_dma source(%dma_start3A_17 : memref<78x128xi32, #tpu.memory_space<hbm>>) target(%arg7 : memref<78x128xi32, #tpu.memory_space<vmem>>) target_semaphore(%arg27 : memref<!tpu.dma_semaphore, #tpu.memory_space<semaphore_mem>>)
    %scan3A = arith.constant 0 : i32
    %scan3A_18 = arith.constant 128 : i32
    %scan3A_19 = arith.addi %scan3A, %scan3A_18 : i32
    %scan3A_20 = arith.constant 1 : i32
    scf.for %scan3A_109 = %scan3A to %scan3A_19 step %scan3A_20  : i32 {
      %mul3A_110 = arith.constant 1 : i32
      %mul3A_111 = arith.muli %scan3A_109, %mul3A_110 : i32
      %add3A_112 = arith.constant 0 : i32
      %add3A_113 = arith.addi %add3A_112, %mul3A_111 : i32
      %scan3A_114 = arith.constant 0 : i32
      %scan3A_115 = arith.constant 2 : i32
      %scan3A_116 = arith.addi %scan3A_114, %scan3A_115 : i32
      %scan3A_117 = arith.constant 1 : i32
      scf.for %scan3A_119 = %scan3A_114 to %scan3A_116 step %scan3A_117  : i32 {
        %mul3A_120 = arith.constant 1 : i32
        %mul3A_121 = arith.muli %scan3A_119, %mul3A_120 : i32
        %add3A_122 = arith.constant 0 : i32
        %add3A_123 = arith.addi %add3A_122, %mul3A_121 : i32
        %broadcast_in_dim3A = arith.constant 0.000000e+00 : f32
        %broadcast_in_dim3A_124 = vector.broadcast %broadcast_in_dim3A : f32 to vector<16xf32>
        %mul3A_125 = arith.constant 16 : i32
        %mul3A_126 = arith.muli %add3A_123, %mul3A_125 : i32
        %swap3A = arith.index_cast %add3A_113 : i32 to index
        %swap3A_127 = arith.index_cast %mul3A_126 : i32 to index
        %swap3A_128 = tpu.vector_load %arg8[%swap3A, %swap3A_127] {strides = array<i32>} : memref<128x32xf32, #tpu.memory_space<vmem>>, vector<16xf32>,
        tpu.vector_store %arg8[%swap3A, %swap3A_127], %broadcast_in_dim3A_124 {strides = array<i32>} : memref<128x32xf32, #tpu.memory_space<vmem>>, vector<16xf32>,
      }
      %scan3A_118 = arith.constant 2 : i32
    }
    %scan3A_21 = arith.constant 128 : i32
    %add3A_22 = arith.constant 0 : i32
    %add3A_23 = arith.addi %mul3A_2, %add3A_22 : i32
    "tpu.region"() ({
      %run_scoped3A = tpu.sem_alloc : memref<!tpu.dma_semaphore, #tpu.memory_space<semaphore_mem>>
      %dma_start3A_109 = arith.constant 0 : i32
      %dma_start3A_110 = tpu.memref_slice %arg5[%add3A_23, %dma_start3A_109] : memref<10240x32xf32, #tpu.memory_space<vmem_shared>> -> memref<128x32xf32, #tpu.memory_space<vmem_shared>>
      %dma_start3A_111 = arith.constant 0 : i32
      %dma_start3A_112 = tpu.memref_slice %arg5[%add3A_23, %dma_start3A_111] : memref<10240x32xf32, #tpu.memory_space<vmem_shared>> -> memref<128x32xf32, #tpu.memory_space<vmem_shared>>
      tpu.enqueue_dma source(%arg8 : memref<128x32xf32, #tpu.memory_space<vmem>>) target(%dma_start3A_112 : memref<128x32xf32, #tpu.memory_space<vmem_shared>>) target_semaphore(%run_scoped3A : memref<!tpu.dma_semaphore, #tpu.memory_space<semaphore_mem>>)
      %dma_wait3A_113 = arith.constant 0 : i32
      %dma_wait3A_114 = tpu.memref_slice %arg5[%add3A_23, %dma_wait3A_113] : memref<10240x32xf32, #tpu.memory_space<vmem_shared>> -> memref<128x32xf32, #tpu.memory_space<vmem_shared>>
      %dma_wait3A_115 = arith.constant 0 : i32
      %dma_wait3A_116 = tpu.memref_slice %arg5[%add3A_23, %dma_wait3A_115] : memref<10240x32xf32, #tpu.memory_space<vmem_shared>> -> memref<128x32xf32, #tpu.memory_space<vmem_shared>>
      tpu.wait_dma2 semaphore(%run_scoped3A : memref<!tpu.dma_semaphore, #tpu.memory_space<semaphore_mem>>) src(%arg8 : memref<128x32xf32, #tpu.memory_space<vmem>>) dst(%dma_wait3A_116 : memref<128x32xf32, #tpu.memory_space<vmem_shared>>)
      tpu.yield
    }) : () -> ()
    %add3A_24 = arith.constant 128 : i32
    %add3A_25 = arith.addi %mul3A_2, %add3A_24 : i32
    "tpu.region"() ({
      %run_scoped3A = tpu.sem_alloc : memref<!tpu.dma_semaphore, #tpu.memory_space<semaphore_mem>>
      %dma_start3A_109 = arith.constant 0 : i32
      %dma_start3A_110 = tpu.memref_slice %arg5[%add3A_25, %dma_start3A_109] : memref<10240x32xf32, #tpu.memory_space<vmem_shared>> -> memref<128x32xf32, #tpu.memory_space<vmem_shared>>
      %dma_start3A_111 = arith.constant 0 : i32
      %dma_start3A_112 = tpu.memref_slice %arg5[%add3A_25, %dma_start3A_111] : memref<10240x32xf32, #tpu.memory_space<vmem_shared>> -> memref<128x32xf32, #tpu.memory_space<vmem_shared>>
      tpu.enqueue_dma source(%arg8 : memref<128x32xf32, #tpu.memory_space<vmem>>) target(%dma_start3A_112 : memref<128x32xf32, #tpu.memory_space<vmem_shared>>) target_semaphore(%run_scoped3A : memref<!tpu.dma_semaphore, #tpu.memory_space<semaphore_mem>>)
      %dma_wait3A_113 = arith.constant 0 : i32
      %dma_wait3A_114 = tpu.memref_slice %arg5[%add3A_25, %dma_wait3A_113] : memref<10240x32xf32, #tpu.memory_space<vmem_shared>> -> memref<128x32xf32, #tpu.memory_space<vmem_shared>>
      %dma_wait3A_115 = arith.constant 0 : i32
      %dma_wait3A_116 = tpu.memref_slice %arg5[%add3A_25, %dma_wait3A_115] : memref<10240x32xf32, #tpu.memory_space<vmem_shared>> -> memref<128x32xf32, #tpu.memory_space<vmem_shared>>
      tpu.wait_dma2 semaphore(%run_scoped3A : memref<!tpu.dma_semaphore, #tpu.memory_space<semaphore_mem>>) src(%arg8 : memref<128x32xf32, #tpu.memory_space<vmem>>) dst(%dma_wait3A_116 : memref<128x32xf32, #tpu.memory_space<vmem_shared>>)
      tpu.yield
    }) : () -> ()
    %add3A_26 = arith.constant 256 : i32
    %add3A_27 = arith.addi %mul3A_2, %add3A_26 : i32
    "tpu.region"() ({
      %run_scoped3A = tpu.sem_alloc : memref<!tpu.dma_semaphore, #tpu.memory_space<semaphore_mem>>
      %dma_start3A_109 = arith.constant 0 : i32
      %dma_start3A_110 = tpu.memref_slice %arg5[%add3A_27, %dma_start3A_109] : memref<10240x32xf32, #tpu.memory_space<vmem_shared>> -> memref<128x32xf32, #tpu.memory_space<vmem_shared>>
      %dma_start3A_111 = arith.constant 0 : i32
      %dma_start3A_112 = tpu.memref_slice %arg5[%add3A_27, %dma_start3A_111] : memref<10240x32xf32, #tpu.memory_space<vmem_shared>> -> memref<128x32xf32, #tpu.memory_space<vmem_shared>>
      tpu.enqueue_dma source(%arg8 : memref<128x32xf32, #tpu.memory_space<vmem>>) target(%dma_start3A_112 : memref<128x32xf32, #tpu.memory_space<vmem_shared>>) target_semaphore(%run_scoped3A : memref<!tpu.dma_semaphore, #tpu.memory_space<semaphore_mem>>)
      %dma_wait3A_113 = arith.constant 0 : i32
      %dma_wait3A_114 = tpu.memref_slice %arg5[%add3A_27, %dma_wait3A_113] : memref<10240x32xf32, #tpu.memory_space<vmem_shared>> -> memref<128x32xf32, #tpu.memory_space<vmem_shared>>
      %dma_wait3A_115 = arith.constant 0 : i32
      %dma_wait3A_116 = tpu.memref_slice %arg5[%add3A_27, %dma_wait3A_115] : memref<10240x32xf32, #tpu.memory_space<vmem_shared>> -> memref<128x32xf32, #tpu.memory_space<vmem_shared>>
      tpu.wait_dma2 semaphore(%run_scoped3A : memref<!tpu.dma_semaphore, #tpu.memory_space<semaphore_mem>>) src(%arg8 : memref<128x32xf32, #tpu.memory_space<vmem>>) dst(%dma_wait3A_116 : memref<128x32xf32, #tpu.memory_space<vmem_shared>>)
      tpu.yield
    }) : () -> ()
    %add3A_28 = arith.constant 384 : i32
    %add3A_29 = arith.addi %mul3A_2, %add3A_28 : i32
    "tpu.region"() ({
      %run_scoped3A = tpu.sem_alloc : memref<!tpu.dma_semaphore, #tpu.memory_space<semaphore_mem>>
      %dma_start3A_109 = arith.constant 0 : i32
      %dma_start3A_110 = tpu.memref_slice %arg5[%add3A_29, %dma_start3A_109] : memref<10240x32xf32, #tpu.memory_space<vmem_shared>> -> memref<128x32xf32, #tpu.memory_space<vmem_shared>>
      %dma_start3A_111 = arith.constant 0 : i32
      %dma_start3A_112 = tpu.memref_slice %arg5[%add3A_29, %dma_start3A_111] : memref<10240x32xf32, #tpu.memory_space<vmem_shared>> -> memref<128x32xf32, #tpu.memory_space<vmem_shared>>
      tpu.enqueue_dma source(%arg8 : memref<128x32xf32, #tpu.memory_space<vmem>>) target(%dma_start3A_112 : memref<128x32xf32, #tpu.memory_space<vmem_shared>>) target_semaphore(%run_scoped3A : memref<!tpu.dma_semaphore, #tpu.memory_space<semaphore_mem>>)
      %dma_wait3A_113 = arith.constant 0 : i32
      %dma_wait3A_114 = tpu.memref_slice %arg5[%add3A_29, %dma_wait3A_113] : memref<10240x32xf32, #tpu.memory_space<vmem_shared>> -> memref<128x32xf32, #tpu.memory_space<vmem_shared>>
      %dma_wait3A_115 = arith.constant 0 : i32
      %dma_wait3A_116 = tpu.memref_slice %arg5[%add3A_29, %dma_wait3A_115] : memref<10240x32xf32, #tpu.memory_space<vmem_shared>> -> memref<128x32xf32, #tpu.memory_space<vmem_shared>>
      tpu.wait_dma2 semaphore(%run_scoped3A : memref<!tpu.dma_semaphore, #tpu.memory_space<semaphore_mem>>) src(%arg8 : memref<128x32xf32, #tpu.memory_space<vmem>>) dst(%dma_wait3A_116 : memref<128x32xf32, #tpu.memory_space<vmem_shared>>)
      tpu.yield
    }) : () -> ()
    %add3A_30 = arith.constant 512 : i32
    %add3A_31 = arith.addi %mul3A_2, %add3A_30 : i32
    "tpu.region"() ({
      %run_scoped3A = tpu.sem_alloc : memref<!tpu.dma_semaphore, #tpu.memory_space<semaphore_mem>>
      %dma_start3A_109 = arith.constant 0 : i32
      %dma_start3A_110 = tpu.memref_slice %arg5[%add3A_31, %dma_start3A_109] : memref<10240x32xf32, #tpu.memory_space<vmem_shared>> -> memref<128x32xf32, #tpu.memory_space<vmem_shared>>
      %dma_start3A_111 = arith.constant 0 : i32
      %dma_start3A_112 = tpu.memref_slice %arg5[%add3A_31, %dma_start3A_111] : memref<10240x32xf32, #tpu.memory_space<vmem_shared>> -> memref<128x32xf32, #tpu.memory_space<vmem_shared>>
      tpu.enqueue_dma source(%arg8 : memref<128x32xf32, #tpu.memory_space<vmem>>) target(%dma_start3A_112 : memref<128x32xf32, #tpu.memory_space<vmem_shared>>) target_semaphore(%run_scoped3A : memref<!tpu.dma_semaphore, #tpu.memory_space<semaphore_mem>>)
      %dma_wait3A_113 = arith.constant 0 : i32
      %dma_wait3A_114 = tpu.memref_slice %arg5[%add3A_31, %dma_wait3A_113] : memref<10240x32xf32, #tpu.memory_space<vmem_shared>> -> memref<128x32xf32, #tpu.memory_space<vmem_shared>>
      %dma_wait3A_115 = arith.constant 0 : i32
      %dma_wait3A_116 = tpu.memref_slice %arg5[%add3A_31, %dma_wait3A_115] : memref<10240x32xf32, #tpu.memory_space<vmem_shared>> -> memref<128x32xf32, #tpu.memory_space<vmem_shared>>
      tpu.wait_dma2 semaphore(%run_scoped3A : memref<!tpu.dma_semaphore, #tpu.memory_space<semaphore_mem>>) src(%arg8 : memref<128x32xf32, #tpu.memory_space<vmem>>) dst(%dma_wait3A_116 : memref<128x32xf32, #tpu.memory_space<vmem_shared>>)
      tpu.yield
    }) : () -> ()
    %dma_wait3A = arith.constant 0 : i32
    %dma_wait3A_32 = arith.constant 0 : i32
    %dma_wait3A_33 = tpu.memref_slice %arg3[%dma_wait3A, %mul3A_4, %dma_wait3A_32] : memref<2x2500x128xi32, #tpu.memory_space<hbm>> -> memref<1x78x128xi32, #tpu.memory_space<hbm>>
    %dma_wait3A_34 = tpu.memref_squeeze %dma_wait3A_33 : memref<1x78x128xi32, #tpu.memory_space<hbm>> -> memref<78x128xi32, #tpu.memory_space<hbm>>
    %dma_wait3A_35 = arith.constant 0 : i32
    %dma_wait3A_36 = tpu.memref_slice %arg3[%dma_wait3A, %mul3A_4, %dma_wait3A_35] : memref<2x2500x128xi32, #tpu.memory_space<hbm>> -> memref<1x78x128xi32, #tpu.memory_space<hbm>>
    %dma_wait3A_37 = tpu.memref_squeeze %dma_wait3A_36 : memref<1x78x128xi32, #tpu.memory_space<hbm>> -> memref<78x128xi32, #tpu.memory_space<hbm>>
    tpu.wait_dma2 semaphore(%arg26 : memref<!tpu.dma_semaphore, #tpu.memory_space<semaphore_mem>>) src(%dma_wait3A_37 : memref<78x128xi32, #tpu.memory_space<hbm>>) dst(%arg6 : memref<78x128xi32, #tpu.memory_space<vmem>>)
    %dma_wait3A_38 = arith.constant 1 : i32
    %dma_wait3A_39 = arith.constant 0 : i32
    %dma_wait3A_40 = tpu.memref_slice %arg3[%dma_wait3A_38, %mul3A_4, %dma_wait3A_39] : memref<2x2500x128xi32, #tpu.memory_space<hbm>> -> memref<1x78x128xi32, #tpu.memory_space<hbm>>
    %dma_wait3A_41 = tpu.memref_squeeze %dma_wait3A_40 : memref<1x78x128xi32, #tpu.memory_space<hbm>> -> memref<78x128xi32, #tpu.memory_space<hbm>>
    %dma_wait3A_42 = arith.constant 0 : i32
    %dma_wait3A_43 = tpu.memref_slice %arg3[%dma_wait3A_38, %mul3A_4, %dma_wait3A_42] : memref<2x2500x128xi32, #tpu.memory_space<hbm>> -> memref<1x78x128xi32, #tpu.memory_space<hbm>>
    %dma_wait3A_44 = tpu.memref_squeeze %dma_wait3A_43 : memref<1x78x128xi32, #tpu.memory_space<hbm>> -> memref<78x128xi32, #tpu.memory_space<hbm>>
    tpu.wait_dma2 semaphore(%arg27 : memref<!tpu.dma_semaphore, #tpu.memory_space<semaphore_mem>>) src(%dma_wait3A_44 : memref<78x128xi32, #tpu.memory_space<hbm>>) dst(%arg7 : memref<78x128xi32, #tpu.memory_space<vmem>>)
    %barrier3A = arith.constant 0 : index
    tpu.barrier barrier_id(%barrier3A)
    %dma_start3A_45 = arith.constant 0 : i32
    %dma_start3A_46 = arith.constant 0 : i32
    %dma_start3A_47 = tpu.memref_slice %arg6[%dma_start3A_45, %dma_start3A_46] : memref<78x128xi32, #tpu.memory_space<vmem>> -> memref<1x128xi32, #tpu.memory_space<vmem>>
    %dma_start3A_48 = tpu.memref_squeeze %dma_start3A_47 : memref<1x128xi32, #tpu.memory_space<vmem>> -> memref<128xi32, #tpu.memory_space<vmem>>
    %dma_start3A_49 = arith.constant 0 : i32
    %dma_start3A_50 = arith.constant 0 : i32
    %dma_start3A_51 = tpu.memref_slice %arg2[%dma_start3A_49, %dma_start3A_50] : memref<10000x32xf32, #tpu.memory_space<hbm>> -> memref<10000x32xf32, #tpu.memory_space<hbm>>
    tpu.enqueue_indirect_dma source(%dma_start3A_51 : memref<10000x32xf32, #tpu.memory_space<hbm>>) target(%arg8 : memref<128x32xf32, #tpu.memory_space<vmem>>) offsets(%dma_start3A_48 : memref<128xi32, #tpu.memory_space<vmem>>) semaphore(%arg18 : memref<!tpu.dma_semaphore, #tpu.memory_space<semaphore_mem>>)
    %dma_start3A_52 = arith.constant 1 : i32
    %dma_start3A_53 = arith.constant 0 : i32
    %dma_start3A_54 = tpu.memref_slice %arg6[%dma_start3A_52, %dma_start3A_53] : memref<78x128xi32, #tpu.memory_space<vmem>> -> memref<1x128xi32, #tpu.memory_space<vmem>>
    %dma_start3A_55 = tpu.memref_squeeze %dma_start3A_54 : memref<1x128xi32, #tpu.memory_space<vmem>> -> memref<128xi32, #tpu.memory_space<vmem>>
    %dma_start3A_56 = arith.constant 0 : i32
    %dma_start3A_57 = arith.constant 0 : i32
    %dma_start3A_58 = tpu.memref_slice %arg2[%dma_start3A_56, %dma_start3A_57] : memref<10000x32xf32, #tpu.memory_space<hbm>> -> memref<10000x32xf32, #tpu.memory_space<hbm>>
    tpu.enqueue_indirect_dma source(%dma_start3A_58 : memref<10000x32xf32, #tpu.memory_space<hbm>>) target(%arg9 : memref<128x32xf32, #tpu.memory_space<vmem>>) offsets(%dma_start3A_55 : memref<128xi32, #tpu.memory_space<vmem>>) semaphore(%arg19 : memref<!tpu.dma_semaphore, #tpu.memory_space<semaphore_mem>>)
    %dma_start3A_59 = arith.constant 2 : i32
    %dma_start3A_60 = arith.constant 0 : i32
    %dma_start3A_61 = tpu.memref_slice %arg6[%dma_start3A_59, %dma_start3A_60] : memref<78x128xi32, #tpu.memory_space<vmem>> -> memref<1x128xi32, #tpu.memory_space<vmem>>
    %dma_start3A_62 = tpu.memref_squeeze %dma_start3A_61 : memref<1x128xi32, #tpu.memory_space<vmem>> -> memref<128xi32, #tpu.memory_space<vmem>>
    %dma_start3A_63 = arith.constant 0 : i32
    %dma_start3A_64 = arith.constant 0 : i32
    %dma_start3A_65 = tpu.memref_slice %arg2[%dma_start3A_63, %dma_start3A_64] : memref<10000x32xf32, #tpu.memory_space<hbm>> -> memref<10000x32xf32, #tpu.memory_space<hbm>>
    tpu.enqueue_indirect_dma source(%dma_start3A_65 : memref<10000x32xf32, #tpu.memory_space<hbm>>) target(%arg10 : memref<128x32xf32, #tpu.memory_space<vmem>>) offsets(%dma_start3A_62 : memref<128xi32, #tpu.memory_space<vmem>>) semaphore(%arg20 : memref<!tpu.dma_semaphore, #tpu.memory_space<semaphore_mem>>)
    %dma_start3A_66 = arith.constant 3 : i32
    %dma_start3A_67 = arith.constant 0 : i32
    %dma_start3A_68 = tpu.memref_slice %arg6[%dma_start3A_66, %dma_start3A_67] : memref<78x128xi32, #tpu.memory_space<vmem>> -> memref<1x128xi32, #tpu.memory_space<vmem>>
    %dma_start3A_69 = tpu.memref_squeeze %dma_start3A_68 : memref<1x128xi32, #tpu.memory_space<vmem>> -> memref<128xi32, #tpu.memory_space<vmem>>
    %dma_start3A_70 = arith.constant 0 : i32
    %dma_start3A_71 = arith.constant 0 : i32
    %dma_start3A_72 = tpu.memref_slice %arg2[%dma_start3A_70, %dma_start3A_71] : memref<10000x32xf32, #tpu.memory_space<hbm>> -> memref<10000x32xf32, #tpu.memory_space<hbm>>
    tpu.enqueue_indirect_dma source(%dma_start3A_72 : memref<10000x32xf32, #tpu.memory_space<hbm>>) target(%arg11 : memref<128x32xf32, #tpu.memory_space<vmem>>) offsets(%dma_start3A_69 : memref<128xi32, #tpu.memory_space<vmem>>) semaphore(%arg21 : memref<!tpu.dma_semaphore, #tpu.memory_space<semaphore_mem>>)
    %dma_start3A_73 = arith.constant 4 : i32
    %dma_start3A_74 = arith.constant 0 : i32
    %dma_start3A_75 = tpu.memref_slice %arg6[%dma_start3A_73, %dma_start3A_74] : memref<78x128xi32, #tpu.memory_space<vmem>> -> memref<1x128xi32, #tpu.memory_space<vmem>>
    %dma_start3A_76 = tpu.memref_squeeze %dma_start3A_75 : memref<1x128xi32, #tpu.memory_space<vmem>> -> memref<128xi32, #tpu.memory_space<vmem>>
    %dma_start3A_77 = arith.constant 0 : i32
    %dma_start3A_78 = arith.constant 0 : i32
    %dma_start3A_79 = tpu.memref_slice %arg2[%dma_start3A_77, %dma_start3A_78] : memref<10000x32xf32, #tpu.memory_space<hbm>> -> memref<10000x32xf32, #tpu.memory_space<hbm>>
    tpu.enqueue_indirect_dma source(%dma_start3A_79 : memref<10000x32xf32, #tpu.memory_space<hbm>>) target(%arg12 : memref<128x32xf32, #tpu.memory_space<vmem>>) offsets(%dma_start3A_76 : memref<128xi32, #tpu.memory_space<vmem>>) semaphore(%arg22 : memref<!tpu.dma_semaphore, #tpu.memory_space<semaphore_mem>>)
    %dma_start3A_80 = arith.constant 5 : i32
    %dma_start3A_81 = arith.constant 0 : i32
    %dma_start3A_82 = tpu.memref_slice %arg6[%dma_start3A_80, %dma_start3A_81] : memref<78x128xi32, #tpu.memory_space<vmem>> -> memref<1x128xi32, #tpu.memory_space<vmem>>
    %dma_start3A_83 = tpu.memref_squeeze %dma_start3A_82 : memref<1x128xi32, #tpu.memory_space<vmem>> -> memref<128xi32, #tpu.memory_space<vmem>>
    %dma_start3A_84 = arith.constant 0 : i32
    %dma_start3A_85 = arith.constant 0 : i32
    %dma_start3A_86 = tpu.memref_slice %arg2[%dma_start3A_84, %dma_start3A_85] : memref<10000x32xf32, #tpu.memory_space<hbm>> -> memref<10000x32xf32, #tpu.memory_space<hbm>>
    tpu.enqueue_indirect_dma source(%dma_start3A_86 : memref<10000x32xf32, #tpu.memory_space<hbm>>) target(%arg13 : memref<128x32xf32, #tpu.memory_space<vmem>>) offsets(%dma_start3A_83 : memref<128xi32, #tpu.memory_space<vmem>>) semaphore(%arg23 : memref<!tpu.dma_semaphore, #tpu.memory_space<semaphore_mem>>)
    %dma_start3A_87 = arith.constant 6 : i32
    %dma_start3A_88 = arith.constant 0 : i32
    %dma_start3A_89 = tpu.memref_slice %arg6[%dma_start3A_87, %dma_start3A_88] : memref<78x128xi32, #tpu.memory_space<vmem>> -> memref<1x128xi32, #tpu.memory_space<vmem>>
    %dma_start3A_90 = tpu.memref_squeeze %dma_start3A_89 : memref<1x128xi32, #tpu.memory_space<vmem>> -> memref<128xi32, #tpu.memory_space<vmem>>
    %dma_start3A_91 = arith.constant 0 : i32
    %dma_start3A_92 = arith.constant 0 : i32
    %dma_start3A_93 = tpu.memref_slice %arg2[%dma_start3A_91, %dma_start3A_92] : memref<10000x32xf32, #tpu.memory_space<hbm>> -> memref<10000x32xf32, #tpu.memory_space<hbm>>
    tpu.enqueue_indirect_dma source(%dma_start3A_93 : memref<10000x32xf32, #tpu.memory_space<hbm>>) target(%arg14 : memref<128x32xf32, #tpu.memory_space<vmem>>) offsets(%dma_start3A_90 : memref<128xi32, #tpu.memory_space<vmem>>) semaphore(%arg24 : memref<!tpu.dma_semaphore, #tpu.memory_space<semaphore_mem>>)
    %dma_start3A_94 = arith.constant 7 : i32
    %dma_start3A_95 = arith.constant 0 : i32
    %dma_start3A_96 = tpu.memref_slice %arg6[%dma_start3A_94, %dma_start3A_95] : memref<78x128xi32, #tpu.memory_space<vmem>> -> memref<1x128xi32, #tpu.memory_space<vmem>>
    %dma_start3A_97 = tpu.memref_squeeze %dma_start3A_96 : memref<1x128xi32, #tpu.memory_space<vmem>> -> memref<128xi32, #tpu.memory_space<vmem>>
    %dma_start3A_98 = arith.constant 0 : i32
    %dma_start3A_99 = arith.constant 0 : i32
    %dma_start3A_100 = tpu.memref_slice %arg2[%dma_start3A_98, %dma_start3A_99] : memref<10000x32xf32, #tpu.memory_space<hbm>> -> memref<10000x32xf32, #tpu.memory_space<hbm>>
    tpu.enqueue_indirect_dma source(%dma_start3A_100 : memref<10000x32xf32, #tpu.memory_space<hbm>>) target(%arg15 : memref<128x32xf32, #tpu.memory_space<vmem>>) offsets(%dma_start3A_97 : memref<128xi32, #tpu.memory_space<vmem>>) semaphore(%arg25 : memref<!tpu.dma_semaphore, #tpu.memory_space<semaphore_mem>>)
    %scan3A_101 = arith.constant 0 : i32
    %scan3A_102 = arith.constant 10 : i32
    %scan3A_103 = arith.addi %scan3A_101, %scan3A_102 : i32
    %scan3A_104 = arith.constant 1 : i32
    scf.for %scan3A_109 = %scan3A_101 to %scan3A_103 step %scan3A_104  : i32 {
      %mul3A_110 = arith.constant 8 : i32
      %mul3A_111 = arith.muli %scan3A_109, %mul3A_110 : i32
      %add3A_112 = arith.constant 0 : i32
      %add3A_113 = arith.addi %add3A_112, %mul3A_111 : i32
      %add3A_114 = arith.constant 0 : i32
      %add3A_115 = arith.addi %add3A_113, %add3A_114 : i32
      %lt3A_116 = arith.constant 78 : i32
      %lt3A_117 = arith.cmpi slt, %add3A_115, %lt3A_116 : i32
      %convert_element_type3A_118 = arith.extui %lt3A_117 : i1 to i32
      %cond3A_119 = arith.constant 0 : i32
      %cond3A_120 = arith.cmpi ne, %convert_element_type3A_118, %cond3A_119 : i32
      scf.if %cond3A_120 {
        %dma_wait3A_170 = arith.constant 0 : i32
        %dma_wait3A_171 = tpu.memref_slice %arg6[%add3A_115, %dma_wait3A_170] : memref<78x128xi32, #tpu.memory_space<vmem>> -> memref<1x128xi32, #tpu.memory_space<vmem>>
        %dma_wait3A_172 = tpu.memref_squeeze %dma_wait3A_171 : memref<1x128xi32, #tpu.memory_space<vmem>> -> memref<128xi32, #tpu.memory_space<vmem>>
        %dma_wait3A_173 = arith.constant 0 : i32
        %dma_wait3A_174 = arith.constant 0 : i32
        %dma_wait3A_175 = tpu.memref_slice %arg2[%dma_wait3A_173, %dma_wait3A_174] : memref<10000x32xf32, #tpu.memory_space<hbm>> -> memref<10000x32xf32, #tpu.memory_space<hbm>>
        tpu.wait_indirect_dma semaphore(%arg18 : memref<!tpu.dma_semaphore, #tpu.memory_space<semaphore_mem>>) src(%dma_wait3A_175 : memref<10000x32xf32, #tpu.memory_space<hbm>>) dst(%arg8 : memref<128x32xf32, #tpu.memory_space<vmem>>)
        "tpu.region"() ({
          %run_scoped3A = tpu.sem_alloc : memref<!tpu.dma_semaphore, #tpu.memory_space<semaphore_mem>>
          %dma_start3A_183 = arith.constant 0 : i32
          %dma_start3A_184 = tpu.memref_slice %arg7[%add3A_115, %dma_start3A_183] : memref<78x128xi32, #tpu.memory_space<vmem>> -> memref<1x128xi32, #tpu.memory_space<vmem>>
          %dma_start3A_185 = tpu.memref_squeeze %dma_start3A_184 : memref<1x128xi32, #tpu.memory_space<vmem>> -> memref<128xi32, #tpu.memory_space<vmem>>
          %dma_start3A_186 = arith.constant 0 : i32
          %dma_start3A_187 = arith.constant 0 : i32
          %dma_start3A_188 = tpu.memref_slice %arg5[%dma_start3A_186, %dma_start3A_187] : memref<10240x32xf32, #tpu.memory_space<vmem_shared>> -> memref<10240x32xf32, #tpu.memory_space<vmem_shared>>
          tpu.enqueue_indirect_dma source(%arg8 : memref<128x32xf32, #tpu.memory_space<vmem>>) target(%dma_start3A_188 : memref<10240x32xf32, #tpu.memory_space<vmem_shared>>) offsets(%dma_start3A_185 : memref<128xi32, #tpu.memory_space<vmem>>) semaphore(%run_scoped3A : memref<!tpu.dma_semaphore, #tpu.memory_space<semaphore_mem>>) {add = true}
          %dma_wait3A_189 = arith.constant 0 : i32
          %dma_wait3A_190 = tpu.memref_slice %arg7[%add3A_115, %dma_wait3A_189] : memref<78x128xi32, #tpu.memory_space<vmem>> -> memref<1x128xi32, #tpu.memory_space<vmem>>
          %dma_wait3A_191 = tpu.memref_squeeze %dma_wait3A_190 : memref<1x128xi32, #tpu.memory_space<vmem>> -> memref<128xi32, #tpu.memory_space<vmem>>
          %dma_wait3A_192 = arith.constant 0 : i32
          %dma_wait3A_193 = arith.constant 0 : i32
          %dma_wait3A_194 = tpu.memref_slice %arg5[%dma_wait3A_192, %dma_wait3A_193] : memref<10240x32xf32, #tpu.memory_space<vmem_shared>> -> memref<10240x32xf32, #tpu.memory_space<vmem_shared>>
          tpu.wait_indirect_dma semaphore(%run_scoped3A : memref<!tpu.dma_semaphore, #tpu.memory_space<semaphore_mem>>) src(%arg8 : memref<128x32xf32, #tpu.memory_space<vmem>>) dst(%dma_wait3A_194 : memref<10240x32xf32, #tpu.memory_space<vmem_shared>>)
          tpu.yield
        }) : () -> ()
        %add3A_176 = arith.constant 8 : i32
        %add3A_177 = arith.addi %add3A_115, %add3A_176 : i32
        %lt3A_178 = arith.constant 78 : i32
        %lt3A_179 = arith.cmpi slt, %add3A_177, %lt3A_178 : i32
        %convert_element_type3A_180 = arith.extui %lt3A_179 : i1 to i32
        %cond3A_181 = arith.constant 0 : i32
        %cond3A_182 = arith.cmpi ne, %convert_element_type3A_180, %cond3A_181 : i32
        scf.if %cond3A_182 {
          %add3A_183 = arith.constant 8 : i32
          %add3A_184 = arith.addi %add3A_115, %add3A_183 : i32
          %dma_start3A_185 = arith.constant 0 : i32
          %dma_start3A_186 = tpu.memref_slice %arg6[%add3A_184, %dma_start3A_185] : memref<78x128xi32, #tpu.memory_space<vmem>> -> memref<1x128xi32, #tpu.memory_space<vmem>>
          %dma_start3A_187 = tpu.memref_squeeze %dma_start3A_186 : memref<1x128xi32, #tpu.memory_space<vmem>> -> memref<128xi32, #tpu.memory_space<vmem>>
          %dma_start3A_188 = arith.constant 0 : i32
          %dma_start3A_189 = arith.constant 0 : i32
          %dma_start3A_190 = tpu.memref_slice %arg2[%dma_start3A_188, %dma_start3A_189] : memref<10000x32xf32, #tpu.memory_space<hbm>> -> memref<10000x32xf32, #tpu.memory_space<hbm>>
          tpu.enqueue_indirect_dma source(%dma_start3A_190 : memref<10000x32xf32, #tpu.memory_space<hbm>>) target(%arg8 : memref<128x32xf32, #tpu.memory_space<vmem>>) offsets(%dma_start3A_187 : memref<128xi32, #tpu.memory_space<vmem>>) semaphore(%arg18 : memref<!tpu.dma_semaphore, #tpu.memory_space<semaphore_mem>>)
        } else {
        }
      } else {
      }
      %add3A_121 = arith.constant 1 : i32
      %add3A_122 = arith.addi %add3A_113, %add3A_121 : i32
      %lt3A_123 = arith.constant 78 : i32
      %lt3A_124 = arith.cmpi slt, %add3A_122, %lt3A_123 : i32
      %convert_element_type3A_125 = arith.extui %lt3A_124 : i1 to i32
      %cond3A_126 = arith.constant 0 : i32
      %cond3A_127 = arith.cmpi ne, %convert_element_type3A_125, %cond3A_126 : i32
      scf.if %cond3A_127 {
        %dma_wait3A_170 = arith.constant 0 : i32
        %dma_wait3A_171 = tpu.memref_slice %arg6[%add3A_122, %dma_wait3A_170] : memref<78x128xi32, #tpu.memory_space<vmem>> -> memref<1x128xi32, #tpu.memory_space<vmem>>
        %dma_wait3A_172 = tpu.memref_squeeze %dma_wait3A_171 : memref<1x128xi32, #tpu.memory_space<vmem>> -> memref<128xi32, #tpu.memory_space<vmem>>
        %dma_wait3A_173 = arith.constant 0 : i32
        %dma_wait3A_174 = arith.constant 0 : i32
        %dma_wait3A_175 = tpu.memref_slice %arg2[%dma_wait3A_173, %dma_wait3A_174] : memref<10000x32xf32, #tpu.memory_space<hbm>> -> memref<10000x32xf32, #tpu.memory_space<hbm>>
        tpu.wait_indirect_dma semaphore(%arg19 : memref<!tpu.dma_semaphore, #tpu.memory_space<semaphore_mem>>) src(%dma_wait3A_175 : memref<10000x32xf32, #tpu.memory_space<hbm>>) dst(%arg9 : memref<128x32xf32, #tpu.memory_space<vmem>>)
        "tpu.region"() ({
          %run_scoped3A = tpu.sem_alloc : memref<!tpu.dma_semaphore, #tpu.memory_space<semaphore_mem>>
          %dma_start3A_183 = arith.constant 0 : i32
          %dma_start3A_184 = tpu.memref_slice %arg7[%add3A_122, %dma_start3A_183] : memref<78x128xi32, #tpu.memory_space<vmem>> -> memref<1x128xi32, #tpu.memory_space<vmem>>
          %dma_start3A_185 = tpu.memref_squeeze %dma_start3A_184 : memref<1x128xi32, #tpu.memory_space<vmem>> -> memref<128xi32, #tpu.memory_space<vmem>>
          %dma_start3A_186 = arith.constant 0 : i32
          %dma_start3A_187 = arith.constant 0 : i32
          %dma_start3A_188 = tpu.memref_slice %arg5[%dma_start3A_186, %dma_start3A_187] : memref<10240x32xf32, #tpu.memory_space<vmem_shared>> -> memref<10240x32xf32, #tpu.memory_space<vmem_shared>>
          tpu.enqueue_indirect_dma source(%arg9 : memref<128x32xf32, #tpu.memory_space<vmem>>) target(%dma_start3A_188 : memref<10240x32xf32, #tpu.memory_space<vmem_shared>>) offsets(%dma_start3A_185 : memref<128xi32, #tpu.memory_space<vmem>>) semaphore(%run_scoped3A : memref<!tpu.dma_semaphore, #tpu.memory_space<semaphore_mem>>) {add = true}
          %dma_wait3A_189 = arith.constant 0 : i32
          %dma_wait3A_190 = tpu.memref_slice %arg7[%add3A_122, %dma_wait3A_189] : memref<78x128xi32, #tpu.memory_space<vmem>> -> memref<1x128xi32, #tpu.memory_space<vmem>>
          %dma_wait3A_191 = tpu.memref_squeeze %dma_wait3A_190 : memref<1x128xi32, #tpu.memory_space<vmem>> -> memref<128xi32, #tpu.memory_space<vmem>>
          %dma_wait3A_192 = arith.constant 0 : i32
          %dma_wait3A_193 = arith.constant 0 : i32
          %dma_wait3A_194 = tpu.memref_slice %arg5[%dma_wait3A_192, %dma_wait3A_193] : memref<10240x32xf32, #tpu.memory_space<vmem_shared>> -> memref<10240x32xf32, #tpu.memory_space<vmem_shared>>
          tpu.wait_indirect_dma semaphore(%run_scoped3A : memref<!tpu.dma_semaphore, #tpu.memory_space<semaphore_mem>>) src(%arg9 : memref<128x32xf32, #tpu.memory_space<vmem>>) dst(%dma_wait3A_194 : memref<10240x32xf32, #tpu.memory_space<vmem_shared>>)
          tpu.yield
        }) : () -> ()
        %add3A_176 = arith.constant 8 : i32
        %add3A_177 = arith.addi %add3A_122, %add3A_176 : i32
        %lt3A_178 = arith.constant 78 : i32
        %lt3A_179 = arith.cmpi slt, %add3A_177, %lt3A_178 : i32
        %convert_element_type3A_180 = arith.extui %lt3A_179 : i1 to i32
        %cond3A_181 = arith.constant 0 : i32
        %cond3A_182 = arith.cmpi ne, %convert_element_type3A_180, %cond3A_181 : i32
        scf.if %cond3A_182 {
          %add3A_183 = arith.constant 8 : i32
          %add3A_184 = arith.addi %add3A_122, %add3A_183 : i32
          %dma_start3A_185 = arith.constant 0 : i32
          %dma_start3A_186 = tpu.memref_slice %arg6[%add3A_184, %dma_start3A_185] : memref<78x128xi32, #tpu.memory_space<vmem>> -> memref<1x128xi32, #tpu.memory_space<vmem>>
          %dma_start3A_187 = tpu.memref_squeeze %dma_start3A_186 : memref<1x128xi32, #tpu.memory_space<vmem>> -> memref<128xi32, #tpu.memory_space<vmem>>
          %dma_start3A_188 = arith.constant 0 : i32
          %dma_start3A_189 = arith.constant 0 : i32
          %dma_start3A_190 = tpu.memref_slice %arg2[%dma_start3A_188, %dma_start3A_189] : memref<10000x32xf32, #tpu.memory_space<hbm>> -> memref<10000x32xf32, #tpu.memory_space<hbm>>
          tpu.enqueue_indirect_dma source(%dma_start3A_190 : memref<10000x32xf32, #tpu.memory_space<hbm>>) target(%arg9 : memref<128x32xf32, #tpu.memory_space<vmem>>) offsets(%dma_start3A_187 : memref<128xi32, #tpu.memory_space<vmem>>) semaphore(%arg19 : memref<!tpu.dma_semaphore, #tpu.memory_space<semaphore_mem>>)
        } else {
        }
      } else {
      }
      %add3A_128 = arith.constant 2 : i32
      %add3A_129 = arith.addi %add3A_113, %add3A_128 : i32
      %lt3A_130 = arith.constant 78 : i32
      %lt3A_131 = arith.cmpi slt, %add3A_129, %lt3A_130 : i32
      %convert_element_type3A_132 = arith.extui %lt3A_131 : i1 to i32
      %cond3A_133 = arith.constant 0 : i32
      %cond3A_134 = arith.cmpi ne, %convert_element_type3A_132, %cond3A_133 : i32
      scf.if %cond3A_134 {
        %dma_wait3A_170 = arith.constant 0 : i32
        %dma_wait3A_171 = tpu.memref_slice %arg6[%add3A_129, %dma_wait3A_170] : memref<78x128xi32, #tpu.memory_space<vmem>> -> memref<1x128xi32, #tpu.memory_space<vmem>>
        %dma_wait3A_172 = tpu.memref_squeeze %dma_wait3A_171 : memref<1x128xi32, #tpu.memory_space<vmem>> -> memref<128xi32, #tpu.memory_space<vmem>>
        %dma_wait3A_173 = arith.constant 0 : i32
        %dma_wait3A_174 = arith.constant 0 : i32
        %dma_wait3A_175 = tpu.memref_slice %arg2[%dma_wait3A_173, %dma_wait3A_174] : memref<10000x32xf32, #tpu.memory_space<hbm>> -> memref<10000x32xf32, #tpu.memory_space<hbm>>
        tpu.wait_indirect_dma semaphore(%arg20 : memref<!tpu.dma_semaphore, #tpu.memory_space<semaphore_mem>>) src(%dma_wait3A_175 : memref<10000x32xf32, #tpu.memory_space<hbm>>) dst(%arg10 : memref<128x32xf32, #tpu.memory_space<vmem>>)
        "tpu.region"() ({
          %run_scoped3A = tpu.sem_alloc : memref<!tpu.dma_semaphore, #tpu.memory_space<semaphore_mem>>
          %dma_start3A_183 = arith.constant 0 : i32
          %dma_start3A_184 = tpu.memref_slice %arg7[%add3A_129, %dma_start3A_183] : memref<78x128xi32, #tpu.memory_space<vmem>> -> memref<1x128xi32, #tpu.memory_space<vmem>>
          %dma_start3A_185 = tpu.memref_squeeze %dma_start3A_184 : memref<1x128xi32, #tpu.memory_space<vmem>> -> memref<128xi32, #tpu.memory_space<vmem>>
          %dma_start3A_186 = arith.constant 0 : i32
          %dma_start3A_187 = arith.constant 0 : i32
          %dma_start3A_188 = tpu.memref_slice %arg5[%dma_start3A_186, %dma_start3A_187] : memref<10240x32xf32, #tpu.memory_space<vmem_shared>> -> memref<10240x32xf32, #tpu.memory_space<vmem_shared>>
          tpu.enqueue_indirect_dma source(%arg10 : memref<128x32xf32, #tpu.memory_space<vmem>>) target(%dma_start3A_188 : memref<10240x32xf32, #tpu.memory_space<vmem_shared>>) offsets(%dma_start3A_185 : memref<128xi32, #tpu.memory_space<vmem>>) semaphore(%run_scoped3A : memref<!tpu.dma_semaphore, #tpu.memory_space<semaphore_mem>>) {add = true}
          %dma_wait3A_189 = arith.constant 0 : i32
          %dma_wait3A_190 = tpu.memref_slice %arg7[%add3A_129, %dma_wait3A_189] : memref<78x128xi32, #tpu.memory_space<vmem>> -> memref<1x128xi32, #tpu.memory_space<vmem>>
          %dma_wait3A_191 = tpu.memref_squeeze %dma_wait3A_190 : memref<1x128xi32, #tpu.memory_space<vmem>> -> memref<128xi32, #tpu.memory_space<vmem>>
          %dma_wait3A_192 = arith.constant 0 : i32
          %dma_wait3A_193 = arith.constant 0 : i32
          %dma_wait3A_194 = tpu.memref_slice %arg5[%dma_wait3A_192, %dma_wait3A_193] : memref<10240x32xf32, #tpu.memory_space<vmem_shared>> -> memref<10240x32xf32, #tpu.memory_space<vmem_shared>>
          tpu.wait_indirect_dma semaphore(%run_scoped3A : memref<!tpu.dma_semaphore, #tpu.memory_space<semaphore_mem>>) src(%arg10 : memref<128x32xf32, #tpu.memory_space<vmem>>) dst(%dma_wait3A_194 : memref<10240x32xf32, #tpu.memory_space<vmem_shared>>)
          tpu.yield
        }) : () -> ()
        %add3A_176 = arith.constant 8 : i32
        %add3A_177 = arith.addi %add3A_129, %add3A_176 : i32
        %lt3A_178 = arith.constant 78 : i32
        %lt3A_179 = arith.cmpi slt, %add3A_177, %lt3A_178 : i32
        %convert_element_type3A_180 = arith.extui %lt3A_179 : i1 to i32
        %cond3A_181 = arith.constant 0 : i32
        %cond3A_182 = arith.cmpi ne, %convert_element_type3A_180, %cond3A_181 : i32
        scf.if %cond3A_182 {
          %add3A_183 = arith.constant 8 : i32
          %add3A_184 = arith.addi %add3A_129, %add3A_183 : i32
          %dma_start3A_185 = arith.constant 0 : i32
          %dma_start3A_186 = tpu.memref_slice %arg6[%add3A_184, %dma_start3A_185] : memref<78x128xi32, #tpu.memory_space<vmem>> -> memref<1x128xi32, #tpu.memory_space<vmem>>
          %dma_start3A_187 = tpu.memref_squeeze %dma_start3A_186 : memref<1x128xi32, #tpu.memory_space<vmem>> -> memref<128xi32, #tpu.memory_space<vmem>>
          %dma_start3A_188 = arith.constant 0 : i32
          %dma_start3A_189 = arith.constant 0 : i32
          %dma_start3A_190 = tpu.memref_slice %arg2[%dma_start3A_188, %dma_start3A_189] : memref<10000x32xf32, #tpu.memory_space<hbm>> -> memref<10000x32xf32, #tpu.memory_space<hbm>>
          tpu.enqueue_indirect_dma source(%dma_start3A_190 : memref<10000x32xf32, #tpu.memory_space<hbm>>) target(%arg10 : memref<128x32xf32, #tpu.memory_space<vmem>>) offsets(%dma_start3A_187 : memref<128xi32, #tpu.memory_space<vmem>>) semaphore(%arg20 : memref<!tpu.dma_semaphore, #tpu.memory_space<semaphore_mem>>)
        } else {
        }
      } else {
      }
      %add3A_135 = arith.constant 3 : i32
      %add3A_136 = arith.addi %add3A_113, %add3A_135 : i32
      %lt3A_137 = arith.constant 78 : i32
      %lt3A_138 = arith.cmpi slt, %add3A_136, %lt3A_137 : i32
      %convert_element_type3A_139 = arith.extui %lt3A_138 : i1 to i32
      %cond3A_140 = arith.constant 0 : i32
      %cond3A_141 = arith.cmpi ne, %convert_element_type3A_139, %cond3A_140 : i32
      scf.if %cond3A_141 {
        %dma_wait3A_170 = arith.constant 0 : i32
        %dma_wait3A_171 = tpu.memref_slice %arg6[%add3A_136, %dma_wait3A_170] : memref<78x128xi32, #tpu.memory_space<vmem>> -> memref<1x128xi32, #tpu.memory_space<vmem>>
        %dma_wait3A_172 = tpu.memref_squeeze %dma_wait3A_171 : memref<1x128xi32, #tpu.memory_space<vmem>> -> memref<128xi32, #tpu.memory_space<vmem>>
        %dma_wait3A_173 = arith.constant 0 : i32
        %dma_wait3A_174 = arith.constant 0 : i32
        %dma_wait3A_175 = tpu.memref_slice %arg2[%dma_wait3A_173, %dma_wait3A_174] : memref<10000x32xf32, #tpu.memory_space<hbm>> -> memref<10000x32xf32, #tpu.memory_space<hbm>>
        tpu.wait_indirect_dma semaphore(%arg21 : memref<!tpu.dma_semaphore, #tpu.memory_space<semaphore_mem>>) src(%dma_wait3A_175 : memref<10000x32xf32, #tpu.memory_space<hbm>>) dst(%arg11 : memref<128x32xf32, #tpu.memory_space<vmem>>)
        "tpu.region"() ({
          %run_scoped3A = tpu.sem_alloc : memref<!tpu.dma_semaphore, #tpu.memory_space<semaphore_mem>>
          %dma_start3A_183 = arith.constant 0 : i32
          %dma_start3A_184 = tpu.memref_slice %arg7[%add3A_136, %dma_start3A_183] : memref<78x128xi32, #tpu.memory_space<vmem>> -> memref<1x128xi32, #tpu.memory_space<vmem>>
          %dma_start3A_185 = tpu.memref_squeeze %dma_start3A_184 : memref<1x128xi32, #tpu.memory_space<vmem>> -> memref<128xi32, #tpu.memory_space<vmem>>
          %dma_start3A_186 = arith.constant 0 : i32
          %dma_start3A_187 = arith.constant 0 : i32
          %dma_start3A_188 = tpu.memref_slice %arg5[%dma_start3A_186, %dma_start3A_187] : memref<10240x32xf32, #tpu.memory_space<vmem_shared>> -> memref<10240x32xf32, #tpu.memory_space<vmem_shared>>
          tpu.enqueue_indirect_dma source(%arg11 : memref<128x32xf32, #tpu.memory_space<vmem>>) target(%dma_start3A_188 : memref<10240x32xf32, #tpu.memory_space<vmem_shared>>) offsets(%dma_start3A_185 : memref<128xi32, #tpu.memory_space<vmem>>) semaphore(%run_scoped3A : memref<!tpu.dma_semaphore, #tpu.memory_space<semaphore_mem>>) {add = true}
          %dma_wait3A_189 = arith.constant 0 : i32
          %dma_wait3A_190 = tpu.memref_slice %arg7[%add3A_136, %dma_wait3A_189] : memref<78x128xi32, #tpu.memory_space<vmem>> -> memref<1x128xi32, #tpu.memory_space<vmem>>
          %dma_wait3A_191 = tpu.memref_squeeze %dma_wait3A_190 : memref<1x128xi32, #tpu.memory_space<vmem>> -> memref<128xi32, #tpu.memory_space<vmem>>
          %dma_wait3A_192 = arith.constant 0 : i32
          %dma_wait3A_193 = arith.constant 0 : i32
          %dma_wait3A_194 = tpu.memref_slice %arg5[%dma_wait3A_192, %dma_wait3A_193] : memref<10240x32xf32, #tpu.memory_space<vmem_shared>> -> memref<10240x32xf32, #tpu.memory_space<vmem_shared>>
          tpu.wait_indirect_dma semaphore(%run_scoped3A : memref<!tpu.dma_semaphore, #tpu.memory_space<semaphore_mem>>) src(%arg11 : memref<128x32xf32, #tpu.memory_space<vmem>>) dst(%dma_wait3A_194 : memref<10240x32xf32, #tpu.memory_space<vmem_shared>>)
          tpu.yield
        }) : () -> ()
        %add3A_176 = arith.constant 8 : i32
        %add3A_177 = arith.addi %add3A_136, %add3A_176 : i32
        %lt3A_178 = arith.constant 78 : i32
        %lt3A_179 = arith.cmpi slt, %add3A_177, %lt3A_178 : i32
        %convert_element_type3A_180 = arith.extui %lt3A_179 : i1 to i32
        %cond3A_181 = arith.constant 0 : i32
        %cond3A_182 = arith.cmpi ne, %convert_element_type3A_180, %cond3A_181 : i32
        scf.if %cond3A_182 {
          %add3A_183 = arith.constant 8 : i32
          %add3A_184 = arith.addi %add3A_136, %add3A_183 : i32
          %dma_start3A_185 = arith.constant 0 : i32
          %dma_start3A_186 = tpu.memref_slice %arg6[%add3A_184, %dma_start3A_185] : memref<78x128xi32, #tpu.memory_space<vmem>> -> memref<1x128xi32, #tpu.memory_space<vmem>>
          %dma_start3A_187 = tpu.memref_squeeze %dma_start3A_186 : memref<1x128xi32, #tpu.memory_space<vmem>> -> memref<128xi32, #tpu.memory_space<vmem>>
          %dma_start3A_188 = arith.constant 0 : i32
          %dma_start3A_189 = arith.constant 0 : i32
          %dma_start3A_190 = tpu.memref_slice %arg2[%dma_start3A_188, %dma_start3A_189] : memref<10000x32xf32, #tpu.memory_space<hbm>> -> memref<10000x32xf32, #tpu.memory_space<hbm>>
          tpu.enqueue_indirect_dma source(%dma_start3A_190 : memref<10000x32xf32, #tpu.memory_space<hbm>>) target(%arg11 : memref<128x32xf32, #tpu.memory_space<vmem>>) offsets(%dma_start3A_187 : memref<128xi32, #tpu.memory_space<vmem>>) semaphore(%arg21 : memref<!tpu.dma_semaphore, #tpu.memory_space<semaphore_mem>>)
        } else {
        }
      } else {
      }
      %add3A_142 = arith.constant 4 : i32
      %add3A_143 = arith.addi %add3A_113, %add3A_142 : i32
      %lt3A_144 = arith.constant 78 : i32
      %lt3A_145 = arith.cmpi slt, %add3A_143, %lt3A_144 : i32
      %convert_element_type3A_146 = arith.extui %lt3A_145 : i1 to i32
      %cond3A_147 = arith.constant 0 : i32
      %cond3A_148 = arith.cmpi ne, %convert_element_type3A_146, %cond3A_147 : i32
      scf.if %cond3A_148 {
        %dma_wait3A_170 = arith.constant 0 : i32
        %dma_wait3A_171 = tpu.memref_slice %arg6[%add3A_143, %dma_wait3A_170] : memref<78x128xi32, #tpu.memory_space<vmem>> -> memref<1x128xi32, #tpu.memory_space<vmem>>
        %dma_wait3A_172 = tpu.memref_squeeze %dma_wait3A_171 : memref<1x128xi32, #tpu.memory_space<vmem>> -> memref<128xi32, #tpu.memory_space<vmem>>
        %dma_wait3A_173 = arith.constant 0 : i32
        %dma_wait3A_174 = arith.constant 0 : i32
        %dma_wait3A_175 = tpu.memref_slice %arg2[%dma_wait3A_173, %dma_wait3A_174] : memref<10000x32xf32, #tpu.memory_space<hbm>> -> memref<10000x32xf32, #tpu.memory_space<hbm>>
        tpu.wait_indirect_dma semaphore(%arg22 : memref<!tpu.dma_semaphore, #tpu.memory_space<semaphore_mem>>) src(%dma_wait3A_175 : memref<10000x32xf32, #tpu.memory_space<hbm>>) dst(%arg12 : memref<128x32xf32, #tpu.memory_space<vmem>>)
        "tpu.region"() ({
          %run_scoped3A = tpu.sem_alloc : memref<!tpu.dma_semaphore, #tpu.memory_space<semaphore_mem>>
          %dma_start3A_183 = arith.constant 0 : i32
          %dma_start3A_184 = tpu.memref_slice %arg7[%add3A_143, %dma_start3A_183] : memref<78x128xi32, #tpu.memory_space<vmem>> -> memref<1x128xi32, #tpu.memory_space<vmem>>
          %dma_start3A_185 = tpu.memref_squeeze %dma_start3A_184 : memref<1x128xi32, #tpu.memory_space<vmem>> -> memref<128xi32, #tpu.memory_space<vmem>>
          %dma_start3A_186 = arith.constant 0 : i32
          %dma_start3A_187 = arith.constant 0 : i32
          %dma_start3A_188 = tpu.memref_slice %arg5[%dma_start3A_186, %dma_start3A_187] : memref<10240x32xf32, #tpu.memory_space<vmem_shared>> -> memref<10240x32xf32, #tpu.memory_space<vmem_shared>>
          tpu.enqueue_indirect_dma source(%arg12 : memref<128x32xf32, #tpu.memory_space<vmem>>) target(%dma_start3A_188 : memref<10240x32xf32, #tpu.memory_space<vmem_shared>>) offsets(%dma_start3A_185 : memref<128xi32, #tpu.memory_space<vmem>>) semaphore(%run_scoped3A : memref<!tpu.dma_semaphore, #tpu.memory_space<semaphore_mem>>) {add = true}
          %dma_wait3A_189 = arith.constant 0 : i32
          %dma_wait3A_190 = tpu.memref_slice %arg7[%add3A_143, %dma_wait3A_189] : memref<78x128xi32, #tpu.memory_space<vmem>> -> memref<1x128xi32, #tpu.memory_space<vmem>>
          %dma_wait3A_191 = tpu.memref_squeeze %dma_wait3A_190 : memref<1x128xi32, #tpu.memory_space<vmem>> -> memref<128xi32, #tpu.memory_space<vmem>>
          %dma_wait3A_192 = arith.constant 0 : i32
          %dma_wait3A_193 = arith.constant 0 : i32
          %dma_wait3A_194 = tpu.memref_slice %arg5[%dma_wait3A_192, %dma_wait3A_193] : memref<10240x32xf32, #tpu.memory_space<vmem_shared>> -> memref<10240x32xf32, #tpu.memory_space<vmem_shared>>
          tpu.wait_indirect_dma semaphore(%run_scoped3A : memref<!tpu.dma_semaphore, #tpu.memory_space<semaphore_mem>>) src(%arg12 : memref<128x32xf32, #tpu.memory_space<vmem>>) dst(%dma_wait3A_194 : memref<10240x32xf32, #tpu.memory_space<vmem_shared>>)
          tpu.yield
        }) : () -> ()
        %add3A_176 = arith.constant 8 : i32
        %add3A_177 = arith.addi %add3A_143, %add3A_176 : i32
        %lt3A_178 = arith.constant 78 : i32
        %lt3A_179 = arith.cmpi slt, %add3A_177, %lt3A_178 : i32
        %convert_element_type3A_180 = arith.extui %lt3A_179 : i1 to i32
        %cond3A_181 = arith.constant 0 : i32
        %cond3A_182 = arith.cmpi ne, %convert_element_type3A_180, %cond3A_181 : i32
        scf.if %cond3A_182 {
          %add3A_183 = arith.constant 8 : i32
          %add3A_184 = arith.addi %add3A_143, %add3A_183 : i32
          %dma_start3A_185 = arith.constant 0 : i32
          %dma_start3A_186 = tpu.memref_slice %arg6[%add3A_184, %dma_start3A_185] : memref<78x128xi32, #tpu.memory_space<vmem>> -> memref<1x128xi32, #tpu.memory_space<vmem>>
          %dma_start3A_187 = tpu.memref_squeeze %dma_start3A_186 : memref<1x128xi32, #tpu.memory_space<vmem>> -> memref<128xi32, #tpu.memory_space<vmem>>
          %dma_start3A_188 = arith.constant 0 : i32
          %dma_start3A_189 = arith.constant 0 : i32
          %dma_start3A_190 = tpu.memref_slice %arg2[%dma_start3A_188, %dma_start3A_189] : memref<10000x32xf32, #tpu.memory_space<hbm>> -> memref<10000x32xf32, #tpu.memory_space<hbm>>
          tpu.enqueue_indirect_dma source(%dma_start3A_190 : memref<10000x32xf32, #tpu.memory_space<hbm>>) target(%arg12 : memref<128x32xf32, #tpu.memory_space<vmem>>) offsets(%dma_start3A_187 : memref<128xi32, #tpu.memory_space<vmem>>) semaphore(%arg22 : memref<!tpu.dma_semaphore, #tpu.memory_space<semaphore_mem>>)
        } else {
        }
      } else {
      }
      %add3A_149 = arith.constant 5 : i32
      %add3A_150 = arith.addi %add3A_113, %add3A_149 : i32
      %lt3A_151 = arith.constant 78 : i32
      %lt3A_152 = arith.cmpi slt, %add3A_150, %lt3A_151 : i32
      %convert_element_type3A_153 = arith.extui %lt3A_152 : i1 to i32
      %cond3A_154 = arith.constant 0 : i32
      %cond3A_155 = arith.cmpi ne, %convert_element_type3A_153, %cond3A_154 : i32
      scf.if %cond3A_155 {
        %dma_wait3A_170 = arith.constant 0 : i32
        %dma_wait3A_171 = tpu.memref_slice %arg6[%add3A_150, %dma_wait3A_170] : memref<78x128xi32, #tpu.memory_space<vmem>> -> memref<1x128xi32, #tpu.memory_space<vmem>>
        %dma_wait3A_172 = tpu.memref_squeeze %dma_wait3A_171 : memref<1x128xi32, #tpu.memory_space<vmem>> -> memref<128xi32, #tpu.memory_space<vmem>>
        %dma_wait3A_173 = arith.constant 0 : i32
        %dma_wait3A_174 = arith.constant 0 : i32
        %dma_wait3A_175 = tpu.memref_slice %arg2[%dma_wait3A_173, %dma_wait3A_174] : memref<10000x32xf32, #tpu.memory_space<hbm>> -> memref<10000x32xf32, #tpu.memory_space<hbm>>
        tpu.wait_indirect_dma semaphore(%arg23 : memref<!tpu.dma_semaphore, #tpu.memory_space<semaphore_mem>>) src(%dma_wait3A_175 : memref<10000x32xf32, #tpu.memory_space<hbm>>) dst(%arg13 : memref<128x32xf32, #tpu.memory_space<vmem>>)
        "tpu.region"() ({
          %run_scoped3A = tpu.sem_alloc : memref<!tpu.dma_semaphore, #tpu.memory_space<semaphore_mem>>
          %dma_start3A_183 = arith.constant 0 : i32
          %dma_start3A_184 = tpu.memref_slice %arg7[%add3A_150, %dma_start3A_183] : memref<78x128xi32, #tpu.memory_space<vmem>> -> memref<1x128xi32, #tpu.memory_space<vmem>>
          %dma_start3A_185 = tpu.memref_squeeze %dma_start3A_184 : memref<1x128xi32, #tpu.memory_space<vmem>> -> memref<128xi32, #tpu.memory_space<vmem>>
          %dma_start3A_186 = arith.constant 0 : i32
          %dma_start3A_187 = arith.constant 0 : i32
          %dma_start3A_188 = tpu.memref_slice %arg5[%dma_start3A_186, %dma_start3A_187] : memref<10240x32xf32, #tpu.memory_space<vmem_shared>> -> memref<10240x32xf32, #tpu.memory_space<vmem_shared>>
          tpu.enqueue_indirect_dma source(%arg13 : memref<128x32xf32, #tpu.memory_space<vmem>>) target(%dma_start3A_188 : memref<10240x32xf32, #tpu.memory_space<vmem_shared>>) offsets(%dma_start3A_185 : memref<128xi32, #tpu.memory_space<vmem>>) semaphore(%run_scoped3A : memref<!tpu.dma_semaphore, #tpu.memory_space<semaphore_mem>>) {add = true}
          %dma_wait3A_189 = arith.constant 0 : i32
          %dma_wait3A_190 = tpu.memref_slice %arg7[%add3A_150, %dma_wait3A_189] : memref<78x128xi32, #tpu.memory_space<vmem>> -> memref<1x128xi32, #tpu.memory_space<vmem>>
          %dma_wait3A_191 = tpu.memref_squeeze %dma_wait3A_190 : memref<1x128xi32, #tpu.memory_space<vmem>> -> memref<128xi32, #tpu.memory_space<vmem>>
          %dma_wait3A_192 = arith.constant 0 : i32
          %dma_wait3A_193 = arith.constant 0 : i32
          %dma_wait3A_194 = tpu.memref_slice %arg5[%dma_wait3A_192, %dma_wait3A_193] : memref<10240x32xf32, #tpu.memory_space<vmem_shared>> -> memref<10240x32xf32, #tpu.memory_space<vmem_shared>>
          tpu.wait_indirect_dma semaphore(%run_scoped3A : memref<!tpu.dma_semaphore, #tpu.memory_space<semaphore_mem>>) src(%arg13 : memref<128x32xf32, #tpu.memory_space<vmem>>) dst(%dma_wait3A_194 : memref<10240x32xf32, #tpu.memory_space<vmem_shared>>)
          tpu.yield
        }) : () -> ()
        %add3A_176 = arith.constant 8 : i32
        %add3A_177 = arith.addi %add3A_150, %add3A_176 : i32
        %lt3A_178 = arith.constant 78 : i32
        %lt3A_179 = arith.cmpi slt, %add3A_177, %lt3A_178 : i32
        %convert_element_type3A_180 = arith.extui %lt3A_179 : i1 to i32
        %cond3A_181 = arith.constant 0 : i32
        %cond3A_182 = arith.cmpi ne, %convert_element_type3A_180, %cond3A_181 : i32
        scf.if %cond3A_182 {
          %add3A_183 = arith.constant 8 : i32
          %add3A_184 = arith.addi %add3A_150, %add3A_183 : i32
          %dma_start3A_185 = arith.constant 0 : i32
          %dma_start3A_186 = tpu.memref_slice %arg6[%add3A_184, %dma_start3A_185] : memref<78x128xi32, #tpu.memory_space<vmem>> -> memref<1x128xi32, #tpu.memory_space<vmem>>
          %dma_start3A_187 = tpu.memref_squeeze %dma_start3A_186 : memref<1x128xi32, #tpu.memory_space<vmem>> -> memref<128xi32, #tpu.memory_space<vmem>>
          %dma_start3A_188 = arith.constant 0 : i32
          %dma_start3A_189 = arith.constant 0 : i32
          %dma_start3A_190 = tpu.memref_slice %arg2[%dma_start3A_188, %dma_start3A_189] : memref<10000x32xf32, #tpu.memory_space<hbm>> -> memref<10000x32xf32, #tpu.memory_space<hbm>>
          tpu.enqueue_indirect_dma source(%dma_start3A_190 : memref<10000x32xf32, #tpu.memory_space<hbm>>) target(%arg13 : memref<128x32xf32, #tpu.memory_space<vmem>>) offsets(%dma_start3A_187 : memref<128xi32, #tpu.memory_space<vmem>>) semaphore(%arg23 : memref<!tpu.dma_semaphore, #tpu.memory_space<semaphore_mem>>)
        } else {
        }
      } else {
      }
      %add3A_156 = arith.constant 6 : i32
      %add3A_157 = arith.addi %add3A_113, %add3A_156 : i32
      %lt3A_158 = arith.constant 78 : i32
      %lt3A_159 = arith.cmpi slt, %add3A_157, %lt3A_158 : i32
      %convert_element_type3A_160 = arith.extui %lt3A_159 : i1 to i32
      %cond3A_161 = arith.constant 0 : i32
      %cond3A_162 = arith.cmpi ne, %convert_element_type3A_160, %cond3A_161 : i32
      scf.if %cond3A_162 {
        %dma_wait3A_170 = arith.constant 0 : i32
        %dma_wait3A_171 = tpu.memref_slice %arg6[%add3A_157, %dma_wait3A_170] : memref<78x128xi32, #tpu.memory_space<vmem>> -> memref<1x128xi32, #tpu.memory_space<vmem>>
        %dma_wait3A_172 = tpu.memref_squeeze %dma_wait3A_171 : memref<1x128xi32, #tpu.memory_space<vmem>> -> memref<128xi32, #tpu.memory_space<vmem>>
        %dma_wait3A_173 = arith.constant 0 : i32
        %dma_wait3A_174 = arith.constant 0 : i32
        %dma_wait3A_175 = tpu.memref_slice %arg2[%dma_wait3A_173, %dma_wait3A_174] : memref<10000x32xf32, #tpu.memory_space<hbm>> -> memref<10000x32xf32, #tpu.memory_space<hbm>>
        tpu.wait_indirect_dma semaphore(%arg24 : memref<!tpu.dma_semaphore, #tpu.memory_space<semaphore_mem>>) src(%dma_wait3A_175 : memref<10000x32xf32, #tpu.memory_space<hbm>>) dst(%arg14 : memref<128x32xf32, #tpu.memory_space<vmem>>)
        "tpu.region"() ({
          %run_scoped3A = tpu.sem_alloc : memref<!tpu.dma_semaphore, #tpu.memory_space<semaphore_mem>>
          %dma_start3A_183 = arith.constant 0 : i32
          %dma_start3A_184 = tpu.memref_slice %arg7[%add3A_157, %dma_start3A_183] : memref<78x128xi32, #tpu.memory_space<vmem>> -> memref<1x128xi32, #tpu.memory_space<vmem>>
          %dma_start3A_185 = tpu.memref_squeeze %dma_start3A_184 : memref<1x128xi32, #tpu.memory_space<vmem>> -> memref<128xi32, #tpu.memory_space<vmem>>
          %dma_start3A_186 = arith.constant 0 : i32
          %dma_start3A_187 = arith.constant 0 : i32
          %dma_start3A_188 = tpu.memref_slice %arg5[%dma_start3A_186, %dma_start3A_187] : memref<10240x32xf32, #tpu.memory_space<vmem_shared>> -> memref<10240x32xf32, #tpu.memory_space<vmem_shared>>
          tpu.enqueue_indirect_dma source(%arg14 : memref<128x32xf32, #tpu.memory_space<vmem>>) target(%dma_start3A_188 : memref<10240x32xf32, #tpu.memory_space<vmem_shared>>) offsets(%dma_start3A_185 : memref<128xi32, #tpu.memory_space<vmem>>) semaphore(%run_scoped3A : memref<!tpu.dma_semaphore, #tpu.memory_space<semaphore_mem>>) {add = true}
          %dma_wait3A_189 = arith.constant 0 : i32
          %dma_wait3A_190 = tpu.memref_slice %arg7[%add3A_157, %dma_wait3A_189] : memref<78x128xi32, #tpu.memory_space<vmem>> -> memref<1x128xi32, #tpu.memory_space<vmem>>
          %dma_wait3A_191 = tpu.memref_squeeze %dma_wait3A_190 : memref<1x128xi32, #tpu.memory_space<vmem>> -> memref<128xi32, #tpu.memory_space<vmem>>
          %dma_wait3A_192 = arith.constant 0 : i32
          %dma_wait3A_193 = arith.constant 0 : i32
          %dma_wait3A_194 = tpu.memref_slice %arg5[%dma_wait3A_192, %dma_wait3A_193] : memref<10240x32xf32, #tpu.memory_space<vmem_shared>> -> memref<10240x32xf32, #tpu.memory_space<vmem_shared>>
          tpu.wait_indirect_dma semaphore(%run_scoped3A : memref<!tpu.dma_semaphore, #tpu.memory_space<semaphore_mem>>) src(%arg14 : memref<128x32xf32, #tpu.memory_space<vmem>>) dst(%dma_wait3A_194 : memref<10240x32xf32, #tpu.memory_space<vmem_shared>>)
          tpu.yield
        }) : () -> ()
        %add3A_176 = arith.constant 8 : i32
        %add3A_177 = arith.addi %add3A_157, %add3A_176 : i32
        %lt3A_178 = arith.constant 78 : i32
        %lt3A_179 = arith.cmpi slt, %add3A_177, %lt3A_178 : i32
        %convert_element_type3A_180 = arith.extui %lt3A_179 : i1 to i32
        %cond3A_181 = arith.constant 0 : i32
        %cond3A_182 = arith.cmpi ne, %convert_element_type3A_180, %cond3A_181 : i32
        scf.if %cond3A_182 {
          %add3A_183 = arith.constant 8 : i32
          %add3A_184 = arith.addi %add3A_157, %add3A_183 : i32
          %dma_start3A_185 = arith.constant 0 : i32
          %dma_start3A_186 = tpu.memref_slice %arg6[%add3A_184, %dma_start3A_185] : memref<78x128xi32, #tpu.memory_space<vmem>> -> memref<1x128xi32, #tpu.memory_space<vmem>>
          %dma_start3A_187 = tpu.memref_squeeze %dma_start3A_186 : memref<1x128xi32, #tpu.memory_space<vmem>> -> memref<128xi32, #tpu.memory_space<vmem>>
          %dma_start3A_188 = arith.constant 0 : i32
          %dma_start3A_189 = arith.constant 0 : i32
          %dma_start3A_190 = tpu.memref_slice %arg2[%dma_start3A_188, %dma_start3A_189] : memref<10000x32xf32, #tpu.memory_space<hbm>> -> memref<10000x32xf32, #tpu.memory_space<hbm>>
          tpu.enqueue_indirect_dma source(%dma_start3A_190 : memref<10000x32xf32, #tpu.memory_space<hbm>>) target(%arg14 : memref<128x32xf32, #tpu.memory_space<vmem>>) offsets(%dma_start3A_187 : memref<128xi32, #tpu.memory_space<vmem>>) semaphore(%arg24 : memref<!tpu.dma_semaphore, #tpu.memory_space<semaphore_mem>>)
        } else {
        }
      } else {
      }
      %add3A_163 = arith.constant 7 : i32
      %add3A_164 = arith.addi %add3A_113, %add3A_163 : i32
      %lt3A_165 = arith.constant 78 : i32
      %lt3A_166 = arith.cmpi slt, %add3A_164, %lt3A_165 : i32
      %convert_element_type3A_167 = arith.extui %lt3A_166 : i1 to i32
      %cond3A_168 = arith.constant 0 : i32
      %cond3A_169 = arith.cmpi ne, %convert_element_type3A_167, %cond3A_168 : i32
      scf.if %cond3A_169 {
        %dma_wait3A_170 = arith.constant 0 : i32
        %dma_wait3A_171 = tpu.memref_slice %arg6[%add3A_164, %dma_wait3A_170] : memref<78x128xi32, #tpu.memory_space<vmem>> -> memref<1x128xi32, #tpu.memory_space<vmem>>
        %dma_wait3A_172 = tpu.memref_squeeze %dma_wait3A_171 : memref<1x128xi32, #tpu.memory_space<vmem>> -> memref<128xi32, #tpu.memory_space<vmem>>
        %dma_wait3A_173 = arith.constant 0 : i32
        %dma_wait3A_174 = arith.constant 0 : i32
        %dma_wait3A_175 = tpu.memref_slice %arg2[%dma_wait3A_173, %dma_wait3A_174] : memref<10000x32xf32, #tpu.memory_space<hbm>> -> memref<10000x32xf32, #tpu.memory_space<hbm>>
        tpu.wait_indirect_dma semaphore(%arg25 : memref<!tpu.dma_semaphore, #tpu.memory_space<semaphore_mem>>) src(%dma_wait3A_175 : memref<10000x32xf32, #tpu.memory_space<hbm>>) dst(%arg15 : memref<128x32xf32, #tpu.memory_space<vmem>>)
        "tpu.region"() ({
          %run_scoped3A = tpu.sem_alloc : memref<!tpu.dma_semaphore, #tpu.memory_space<semaphore_mem>>
          %dma_start3A_183 = arith.constant 0 : i32
          %dma_start3A_184 = tpu.memref_slice %arg7[%add3A_164, %dma_start3A_183] : memref<78x128xi32, #tpu.memory_space<vmem>> -> memref<1x128xi32, #tpu.memory_space<vmem>>
          %dma_start3A_185 = tpu.memref_squeeze %dma_start3A_184 : memref<1x128xi32, #tpu.memory_space<vmem>> -> memref<128xi32, #tpu.memory_space<vmem>>
          %dma_start3A_186 = arith.constant 0 : i32
          %dma_start3A_187 = arith.constant 0 : i32
          %dma_start3A_188 = tpu.memref_slice %arg5[%dma_start3A_186, %dma_start3A_187] : memref<10240x32xf32, #tpu.memory_space<vmem_shared>> -> memref<10240x32xf32, #tpu.memory_space<vmem_shared>>
          tpu.enqueue_indirect_dma source(%arg15 : memref<128x32xf32, #tpu.memory_space<vmem>>) target(%dma_start3A_188 : memref<10240x32xf32, #tpu.memory_space<vmem_shared>>) offsets(%dma_start3A_185 : memref<128xi32, #tpu.memory_space<vmem>>) semaphore(%run_scoped3A : memref<!tpu.dma_semaphore, #tpu.memory_space<semaphore_mem>>) {add = true}
          %dma_wait3A_189 = arith.constant 0 : i32
          %dma_wait3A_190 = tpu.memref_slice %arg7[%add3A_164, %dma_wait3A_189] : memref<78x128xi32, #tpu.memory_space<vmem>> -> memref<1x128xi32, #tpu.memory_space<vmem>>
          %dma_wait3A_191 = tpu.memref_squeeze %dma_wait3A_190 : memref<1x128xi32, #tpu.memory_space<vmem>> -> memref<128xi32, #tpu.memory_space<vmem>>
          %dma_wait3A_192 = arith.constant 0 : i32
          %dma_wait3A_193 = arith.constant 0 : i32
          %dma_wait3A_194 = tpu.memref_slice %arg5[%dma_wait3A_192, %dma_wait3A_193] : memref<10240x32xf32, #tpu.memory_space<vmem_shared>> -> memref<10240x32xf32, #tpu.memory_space<vmem_shared>>
          tpu.wait_indirect_dma semaphore(%run_scoped3A : memref<!tpu.dma_semaphore, #tpu.memory_space<semaphore_mem>>) src(%arg15 : memref<128x32xf32, #tpu.memory_space<vmem>>) dst(%dma_wait3A_194 : memref<10240x32xf32, #tpu.memory_space<vmem_shared>>)
          tpu.yield
        }) : () -> ()
        %add3A_176 = arith.constant 8 : i32
        %add3A_177 = arith.addi %add3A_164, %add3A_176 : i32
        %lt3A_178 = arith.constant 78 : i32
        %lt3A_179 = arith.cmpi slt, %add3A_177, %lt3A_178 : i32
        %convert_element_type3A_180 = arith.extui %lt3A_179 : i1 to i32
        %cond3A_181 = arith.constant 0 : i32
        %cond3A_182 = arith.cmpi ne, %convert_element_type3A_180, %cond3A_181 : i32
        scf.if %cond3A_182 {
          %add3A_183 = arith.constant 8 : i32
          %add3A_184 = arith.addi %add3A_164, %add3A_183 : i32
          %dma_start3A_185 = arith.constant 0 : i32
          %dma_start3A_186 = tpu.memref_slice %arg6[%add3A_184, %dma_start3A_185] : memref<78x128xi32, #tpu.memory_space<vmem>> -> memref<1x128xi32, #tpu.memory_space<vmem>>
          %dma_start3A_187 = tpu.memref_squeeze %dma_start3A_186 : memref<1x128xi32, #tpu.memory_space<vmem>> -> memref<128xi32, #tpu.memory_space<vmem>>
          %dma_start3A_188 = arith.constant 0 : i32
          %dma_start3A_189 = arith.constant 0 : i32
          %dma_start3A_190 = tpu.memref_slice %arg2[%dma_start3A_188, %dma_start3A_189] : memref<10000x32xf32, #tpu.memory_space<hbm>> -> memref<10000x32xf32, #tpu.memory_space<hbm>>
          tpu.enqueue_indirect_dma source(%dma_start3A_190 : memref<10000x32xf32, #tpu.memory_space<hbm>>) target(%arg15 : memref<128x32xf32, #tpu.memory_space<vmem>>) offsets(%dma_start3A_187 : memref<128xi32, #tpu.memory_space<vmem>>) semaphore(%arg25 : memref<!tpu.dma_semaphore, #tpu.memory_space<semaphore_mem>>)
        } else {
        }
      } else {
      }
    }
    %scan3A_105 = arith.constant 10 : i32
    %lt3A = arith.constant 4 : i32
    %lt3A_106 = arith.cmpi slt, %add3A, %lt3A : i32
    %convert_element_type3A = arith.extui %lt3A_106 : i1 to i32
    %cond3A = arith.constant 0 : i32
    %cond3A_107 = arith.cmpi ne, %convert_element_type3A, %cond3A : i32
    scf.if %cond3A_107 {
      %add3A_109 = arith.constant 2496 : i32
      %add3A_110 = arith.addi %add3A_109, %add3A : i32
      %run_scoped3A = arith.constant 0 : i32
      "tpu.region"() ({
        %run_scoped3A_118 = tpu.sem_alloc : memref<!tpu.dma_semaphore, #tpu.memory_space<semaphore_mem>>
        %dma_start3A_119 = arith.constant 0 : i32
        %dma_start3A_120 = tpu.memref_slice %arg3[%run_scoped3A, %add3A_110, %dma_start3A_119] : memref<2x2500x128xi32, #tpu.memory_space<hbm>> -> memref<1x1x128xi32, #tpu.memory_space<hbm>>
        %dma_start3A_121 = tpu.memref_squeeze %dma_start3A_120 : memref<1x1x128xi32, #tpu.memory_space<hbm>> -> memref<128xi32, #tpu.memory_space<hbm>>
        %dma_start3A_122 = arith.constant 0 : i32
        %dma_start3A_123 = tpu.memref_slice %arg3[%run_scoped3A, %add3A_110, %dma_start3A_122] : memref<2x2500x128xi32, #tpu.memory_space<hbm>> -> memref<1x1x128xi32, #tpu.memory_space<hbm>>
        %dma_start3A_124 = tpu.memref_squeeze %dma_start3A_123 : memref<1x1x128xi32, #tpu.memory_space<hbm>> -> memref<128xi32, #tpu.memory_space<hbm>>
        tpu.enqueue_dma source(%dma_start3A_124 : memref<128xi32, #tpu.memory_space<hbm>>) target(%arg16 : memref<128xi32, #tpu.memory_space<vmem>>) target_semaphore(%run_scoped3A_118 : memref<!tpu.dma_semaphore, #tpu.memory_space<semaphore_mem>>)
        %dma_wait3A_125 = arith.constant 0 : i32
        %dma_wait3A_126 = tpu.memref_slice %arg3[%run_scoped3A, %add3A_110, %dma_wait3A_125] : memref<2x2500x128xi32, #tpu.memory_space<hbm>> -> memref<1x1x128xi32, #tpu.memory_space<hbm>>
        %dma_wait3A_127 = tpu.memref_squeeze %dma_wait3A_126 : memref<1x1x128xi32, #tpu.memory_space<hbm>> -> memref<128xi32, #tpu.memory_space<hbm>>
        %dma_wait3A_128 = arith.constant 0 : i32
        %dma_wait3A_129 = tpu.memref_slice %arg3[%run_scoped3A, %add3A_110, %dma_wait3A_128] : memref<2x2500x128xi32, #tpu.memory_space<hbm>> -> memref<1x1x128xi32, #tpu.memory_space<hbm>>
        %dma_wait3A_130 = tpu.memref_squeeze %dma_wait3A_129 : memref<1x1x128xi32, #tpu.memory_space<hbm>> -> memref<128xi32, #tpu.memory_space<hbm>>
        tpu.wait_dma2 semaphore(%run_scoped3A_118 : memref<!tpu.dma_semaphore, #tpu.memory_space<semaphore_mem>>) src(%dma_wait3A_130 : memref<128xi32, #tpu.memory_space<hbm>>) dst(%arg16 : memref<128xi32, #tpu.memory_space<vmem>>)
        tpu.yield
      }) : () -> ()
      %run_scoped3A_111 = arith.constant 1 : i32
      "tpu.region"() ({
        %run_scoped3A_118 = tpu.sem_alloc : memref<!tpu.dma_semaphore, #tpu.memory_space<semaphore_mem>>
        %dma_start3A_119 = arith.constant 0 : i32
        %dma_start3A_120 = tpu.memref_slice %arg3[%run_scoped3A_111, %add3A_110, %dma_start3A_119] : memref<2x2500x128xi32, #tpu.memory_space<hbm>> -> memref<1x1x128xi32, #tpu.memory_space<hbm>>
        %dma_start3A_121 = tpu.memref_squeeze %dma_start3A_120 : memref<1x1x128xi32, #tpu.memory_space<hbm>> -> memref<128xi32, #tpu.memory_space<hbm>>
        %dma_start3A_122 = arith.constant 0 : i32
        %dma_start3A_123 = tpu.memref_slice %arg3[%run_scoped3A_111, %add3A_110, %dma_start3A_122] : memref<2x2500x128xi32, #tpu.memory_space<hbm>> -> memref<1x1x128xi32, #tpu.memory_space<hbm>>
        %dma_start3A_124 = tpu.memref_squeeze %dma_start3A_123 : memref<1x1x128xi32, #tpu.memory_space<hbm>> -> memref<128xi32, #tpu.memory_space<hbm>>
        tpu.enqueue_dma source(%dma_start3A_124 : memref<128xi32, #tpu.memory_space<hbm>>) target(%arg17 : memref<128xi32, #tpu.memory_space<vmem>>) target_semaphore(%run_scoped3A_118 : memref<!tpu.dma_semaphore, #tpu.memory_space<semaphore_mem>>)
        %dma_wait3A_125 = arith.constant 0 : i32
        %dma_wait3A_126 = tpu.memref_slice %arg3[%run_scoped3A_111, %add3A_110, %dma_wait3A_125] : memref<2x2500x128xi32, #tpu.memory_space<hbm>> -> memref<1x1x128xi32, #tpu.memory_space<hbm>>
        %dma_wait3A_127 = tpu.memref_squeeze %dma_wait3A_126 : memref<1x1x128xi32, #tpu.memory_space<hbm>> -> memref<128xi32, #tpu.memory_space<hbm>>
        %dma_wait3A_128 = arith.constant 0 : i32
        %dma_wait3A_129 = tpu.memref_slice %arg3[%run_scoped3A_111, %add3A_110, %dma_wait3A_128] : memref<2x2500x128xi32, #tpu.memory_space<hbm>> -> memref<1x1x128xi32, #tpu.memory_space<hbm>>
        %dma_wait3A_130 = tpu.memref_squeeze %dma_wait3A_129 : memref<1x1x128xi32, #tpu.memory_space<hbm>> -> memref<128xi32, #tpu.memory_space<hbm>>
        tpu.wait_dma2 semaphore(%run_scoped3A_118 : memref<!tpu.dma_semaphore, #tpu.memory_space<semaphore_mem>>) src(%dma_wait3A_130 : memref<128xi32, #tpu.memory_space<hbm>>) dst(%arg17 : memref<128xi32, #tpu.memory_space<vmem>>)
        tpu.yield
      }) : () -> ()
      %dma_start3A_112 = arith.constant 0 : i32
      %dma_start3A_113 = arith.constant 0 : i32
      %dma_start3A_114 = tpu.memref_slice %arg2[%dma_start3A_112, %dma_start3A_113] : memref<10000x32xf32, #tpu.memory_space<hbm>> -> memref<10000x32xf32, #tpu.memory_space<hbm>>
      tpu.enqueue_indirect_dma source(%dma_start3A_114 : memref<10000x32xf32, #tpu.memory_space<hbm>>) target(%arg8 : memref<128x32xf32, #tpu.memory_space<vmem>>) offsets(%arg16 : memref<128xi32, #tpu.memory_space<vmem>>) semaphore(%arg18 : memref<!tpu.dma_semaphore, #tpu.memory_space<semaphore_mem>>)
      %dma_wait3A_115 = arith.constant 0 : i32
      %dma_wait3A_116 = arith.constant 0 : i32
      %dma_wait3A_117 = tpu.memref_slice %arg2[%dma_wait3A_115, %dma_wait3A_116] : memref<10000x32xf32, #tpu.memory_space<hbm>> -> memref<10000x32xf32, #tpu.memory_space<hbm>>
      tpu.wait_indirect_dma semaphore(%arg18 : memref<!tpu.dma_semaphore, #tpu.memory_space<semaphore_mem>>) src(%dma_wait3A_117 : memref<10000x32xf32, #tpu.memory_space<hbm>>) dst(%arg8 : memref<128x32xf32, #tpu.memory_space<vmem>>)
      "tpu.region"() ({
        %run_scoped3A_118 = tpu.sem_alloc : memref<!tpu.dma_semaphore, #tpu.memory_space<semaphore_mem>>
        %dma_start3A_119 = arith.constant 0 : i32
        %dma_start3A_120 = arith.constant 0 : i32
        %dma_start3A_121 = tpu.memref_slice %arg5[%dma_start3A_119, %dma_start3A_120] : memref<10240x32xf32, #tpu.memory_space<vmem_shared>> -> memref<10240x32xf32, #tpu.memory_space<vmem_shared>>
        tpu.enqueue_indirect_dma source(%arg8 : memref<128x32xf32, #tpu.memory_space<vmem>>) target(%dma_start3A_121 : memref<10240x32xf32, #tpu.memory_space<vmem_shared>>) offsets(%arg17 : memref<128xi32, #tpu.memory_space<vmem>>) semaphore(%run_scoped3A_118 : memref<!tpu.dma_semaphore, #tpu.memory_space<semaphore_mem>>) {add = true}
        %dma_wait3A_122 = arith.constant 0 : i32
        %dma_wait3A_123 = arith.constant 0 : i32
        %dma_wait3A_124 = tpu.memref_slice %arg5[%dma_wait3A_122, %dma_wait3A_123] : memref<10240x32xf32, #tpu.memory_space<vmem_shared>> -> memref<10240x32xf32, #tpu.memory_space<vmem_shared>>
        tpu.wait_indirect_dma semaphore(%run_scoped3A_118 : memref<!tpu.dma_semaphore, #tpu.memory_space<semaphore_mem>>) src(%arg8 : memref<128x32xf32, #tpu.memory_space<vmem>>) dst(%dma_wait3A_124 : memref<10240x32xf32, #tpu.memory_space<vmem_shared>>)
        tpu.yield
      }) : () -> ()
    } else {
    }
    %barrier3A_108 = arith.constant 0 : index
    tpu.barrier barrier_id(%barrier3A_108)
    "tpu.region"() ({
      %run_scoped3A = tpu.sem_alloc : memref<!tpu.dma_semaphore, #tpu.memory_space<semaphore_mem>>
      %dma_start3A_109 = arith.constant 0 : i32
      %dma_start3A_110 = tpu.memref_slice %arg4[%arg0, %mul3A_2, %dma_start3A_109] : memref<2x10240x32xf32, #tpu.memory_space<hbm>> -> memref<1x640x32xf32, #tpu.memory_space<hbm>>
      %dma_start3A_111 = tpu.memref_squeeze %dma_start3A_110 : memref<1x640x32xf32, #tpu.memory_space<hbm>> -> memref<640x32xf32, #tpu.memory_space<hbm>>
      %dma_start3A_112 = arith.constant 0 : i32
      %dma_start3A_113 = tpu.memref_slice %arg5[%mul3A_2, %dma_start3A_112] : memref<10240x32xf32, #tpu.memory_space<vmem_shared>> -> memref<640x32xf32, #tpu.memory_space<vmem_shared>>
      tpu.enqueue_dma source(%dma_start3A_113 : memref<640x32xf32, #tpu.memory_space<vmem_shared>>) target(%dma_start3A_111 : memref<640x32xf32, #tpu.memory_space<hbm>>) target_semaphore(%run_scoped3A : memref<!tpu.dma_semaphore, #tpu.memory_space<semaphore_mem>>)
      %dma_wait3A_114 = arith.constant 0 : i32
      %dma_wait3A_115 = tpu.memref_slice %arg4[%arg0, %mul3A_2, %dma_wait3A_114] : memref<2x10240x32xf32, #tpu.memory_space<hbm>> -> memref<1x640x32xf32, #tpu.memory_space<hbm>>
      %dma_wait3A_116 = tpu.memref_squeeze %dma_wait3A_115 : memref<1x640x32xf32, #tpu.memory_space<hbm>> -> memref<640x32xf32, #tpu.memory_space<hbm>>
      %dma_wait3A_117 = arith.constant 0 : i32
      %dma_wait3A_118 = tpu.memref_slice %arg5[%mul3A_2, %dma_wait3A_117] : memref<10240x32xf32, #tpu.memory_space<vmem_shared>> -> memref<640x32xf32, #tpu.memory_space<vmem_shared>>
      tpu.wait_dma2 semaphore(%run_scoped3A : memref<!tpu.dma_semaphore, #tpu.memory_space<semaphore_mem>>) src(%dma_wait3A_118 : memref<640x32xf32, #tpu.memory_space<vmem_shared>>) dst(%dma_wait3A_116 : memref<640x32xf32, #tpu.memory_space<hbm>>)
      tpu.yield
    }) : () -> ()
    return
  }
}

#map = affine_map<(d0, d1) -> (0, 0)>
#map1 = affine_map<(d0, d1) -> (0, 0, 0)>
module attributes {stable_mosaic.version = 14 : i64} {
  func.func @body(%arg0: i32, %arg1: i32, %arg2: memref<10000x64xf32, #tpu.memory_space<hbm>>, %arg3: memref<2x2500x128xi32, #tpu.memory_space<hbm>>, %arg4: memref<2x10240x64xf32, #tpu.memory_space<hbm>>, %arg5: memref<10240x64xf32, #tpu.memory_space<vmem_shared>>, %arg6: memref<78x128xi32, #tpu.memory_space<vmem>>, %arg7: memref<78x128xi32, #tpu.memory_space<vmem>>, %arg8: memref<128x64xf32, #tpu.memory_space<vmem>>, %arg9: memref<128x64xf32, #tpu.memory_space<vmem>>, %arg10: memref<128x64xf32, #tpu.memory_space<vmem>>, %arg11: memref<128x64xf32, #tpu.memory_space<vmem>>, %arg12: memref<128x64xf32, #tpu.memory_space<vmem>>, %arg13: memref<128x64xf32, #tpu.memory_space<vmem>>, %arg14: memref<128x64xf32, #tpu.memory_space<vmem>>, %arg15: memref<128x64xf32, #tpu.memory_space<vmem>>, %arg16: memref<128xi32, #tpu.memory_space<vmem>>, %arg17: memref<128xi32, #tpu.memory_space<vmem>>, %arg18: memref<!tpu.dma_semaphore, #tpu.memory_space<semaphore_mem>>, %arg19: memref<!tpu.dma_semaphore, #tpu.memory_space<semaphore_mem>>, %arg20: memref<!tpu.dma_semaphore, #tpu.memory_space<semaphore_mem>>, %arg21: memref<!tpu.dma_semaphore, #tpu.memory_space<semaphore_mem>>, %arg22: memref<!tpu.dma_semaphore, #tpu.memory_space<semaphore_mem>>, %arg23: memref<!tpu.dma_semaphore, #tpu.memory_space<semaphore_mem>>, %arg24: memref<!tpu.dma_semaphore, #tpu.memory_space<semaphore_mem>>, %arg25: memref<!tpu.dma_semaphore, #tpu.memory_space<semaphore_mem>>, %arg26: memref<!tpu.dma_semaphore, #tpu.memory_space<semaphore_mem>>, %arg27: memref<!tpu.dma_semaphore, #tpu.memory_space<semaphore_mem>>) attributes {dimension_semantics = [#tpu.dimension_semantics<core_parallel>, #tpu.dimension_semantics<subcore_parallel>], iteration_bounds = array<i64: 2, 16>, scalar_prefetch = 0 : i64, scratch_operands = 23 : i64, tpu.core_type = #tpu.core_type<sc_vector_subcore>, window_params = [{transform_indices = #map}, {transform_indices = #map1}, {transform_indices = #map1}]} {
    %mul3A = arith.constant 16 : i32
    %mul3A_0 = arith.muli %arg0, %mul3A : i32
    %add3A = arith.addi %mul3A_0, %arg1 : i32
    %mul3A_1 = arith.constant 640 : i32
    %mul3A_2 = arith.muli %arg1, %mul3A_1 : i32
    %mul3A_3 = arith.constant 78 : i32
    %mul3A_4 = arith.muli %add3A, %mul3A_3 : i32
    %dma_start3A = arith.constant 0 : i32
    %dma_start3A_5 = arith.constant 0 : i32
    %dma_start3A_6 = tpu.memref_slice %arg3[%dma_start3A, %mul3A_4, %dma_start3A_5] : memref<2x2500x128xi32, #tpu.memory_space<hbm>> -> memref<1x78x128xi32, #tpu.memory_space<hbm>>
    %dma_start3A_7 = tpu.memref_squeeze %dma_start3A_6 : memref<1x78x128xi32, #tpu.memory_space<hbm>> -> memref<78x128xi32, #tpu.memory_space<hbm>>
    %dma_start3A_8 = arith.constant 0 : i32
    %dma_start3A_9 = tpu.memref_slice %arg3[%dma_start3A, %mul3A_4, %dma_start3A_8] : memref<2x2500x128xi32, #tpu.memory_space<hbm>> -> memref<1x78x128xi32, #tpu.memory_space<hbm>>
    %dma_start3A_10 = tpu.memref_squeeze %dma_start3A_9 : memref<1x78x128xi32, #tpu.memory_space<hbm>> -> memref<78x128xi32, #tpu.memory_space<hbm>>
    tpu.enqueue_dma source(%dma_start3A_10 : memref<78x128xi32, #tpu.memory_space<hbm>>) target(%arg6 : memref<78x128xi32, #tpu.memory_space<vmem>>) target_semaphore(%arg26 : memref<!tpu.dma_semaphore, #tpu.memory_space<semaphore_mem>>)
    %dma_start3A_11 = arith.constant 1 : i32
    %dma_start3A_12 = arith.constant 0 : i32
    %dma_start3A_13 = tpu.memref_slice %arg3[%dma_start3A_11, %mul3A_4, %dma_start3A_12] : memref<2x2500x128xi32, #tpu.memory_space<hbm>> -> memref<1x78x128xi32, #tpu.memory_space<hbm>>
    %dma_start3A_14 = tpu.memref_squeeze %dma_start3A_13 : memref<1x78x128xi32, #tpu.memory_space<hbm>> -> memref<78x128xi32, #tpu.memory_space<hbm>>
    %dma_start3A_15 = arith.constant 0 : i32
    %dma_start3A_16 = tpu.memref_slice %arg3[%dma_start3A_11, %mul3A_4, %dma_start3A_15] : memref<2x2500x128xi32, #tpu.memory_space<hbm>> -> memref<1x78x128xi32, #tpu.memory_space<hbm>>
    %dma_start3A_17 = tpu.memref_squeeze %dma_start3A_16 : memref<1x78x128xi32, #tpu.memory_space<hbm>> -> memref<78x128xi32, #tpu.memory_space<hbm>>
    tpu.enqueue_dma source(%dma_start3A_17 : memref<78x128xi32, #tpu.memory_space<hbm>>) target(%arg7 : memref<78x128xi32, #tpu.memory_space<vmem>>) target_semaphore(%arg27 : memref<!tpu.dma_semaphore, #tpu.memory_space<semaphore_mem>>)
    %scan3A = arith.constant 0 : i32
    %scan3A_18 = arith.constant 128 : i32
    %scan3A_19 = arith.addi %scan3A, %scan3A_18 : i32
    %scan3A_20 = arith.constant 1 : i32
    scf.for %scan3A_109 = %scan3A to %scan3A_19 step %scan3A_20  : i32 {
      %mul3A_110 = arith.constant 1 : i32
      %mul3A_111 = arith.muli %scan3A_109, %mul3A_110 : i32
      %add3A_112 = arith.constant 0 : i32
      %add3A_113 = arith.addi %add3A_112, %mul3A_111 : i32
      %scan3A_114 = arith.constant 0 : i32
      %scan3A_115 = arith.constant 4 : i32
      %scan3A_116 = arith.addi %scan3A_114, %scan3A_115 : i32
      %scan3A_117 = arith.constant 1 : i32
      scf.for %scan3A_119 = %scan3A_114 to %scan3A_116 step %scan3A_117  : i32 {
        %mul3A_120 = arith.constant 1 : i32
        %mul3A_121 = arith.muli %scan3A_119, %mul3A_120 : i32
        %add3A_122 = arith.constant 0 : i32
        %add3A_123 = arith.addi %add3A_122, %mul3A_121 : i32
        %broadcast_in_dim3A = arith.constant 0.000000e+00 : f32
        %broadcast_in_dim3A_124 = vector.broadcast %broadcast_in_dim3A : f32 to vector<16xf32>
        %mul3A_125 = arith.constant 16 : i32
        %mul3A_126 = arith.muli %add3A_123, %mul3A_125 : i32
        %swap3A = arith.index_cast %add3A_113 : i32 to index
        %swap3A_127 = arith.index_cast %mul3A_126 : i32 to index
        %swap3A_128 = tpu.vector_load %arg8[%swap3A, %swap3A_127] {strides = array<i32>} : memref<128x64xf32, #tpu.memory_space<vmem>>, vector<16xf32>,
        tpu.vector_store %arg8[%swap3A, %swap3A_127], %broadcast_in_dim3A_124 {strides = array<i32>} : memref<128x64xf32, #tpu.memory_space<vmem>>, vector<16xf32>,
      }
      %scan3A_118 = arith.constant 4 : i32
    }
    %scan3A_21 = arith.constant 128 : i32
    %add3A_22 = arith.constant 0 : i32
    %add3A_23 = arith.addi %mul3A_2, %add3A_22 : i32
    "tpu.region"() ({
      %run_scoped3A = tpu.sem_alloc : memref<!tpu.dma_semaphore, #tpu.memory_space<semaphore_mem>>
      %dma_start3A_109 = arith.constant 0 : i32
      %dma_start3A_110 = tpu.memref_slice %arg5[%add3A_23, %dma_start3A_109] : memref<10240x64xf32, #tpu.memory_space<vmem_shared>> -> memref<128x64xf32, #tpu.memory_space<vmem_shared>>
      %dma_start3A_111 = arith.constant 0 : i32
      %dma_start3A_112 = tpu.memref_slice %arg5[%add3A_23, %dma_start3A_111] : memref<10240x64xf32, #tpu.memory_space<vmem_shared>> -> memref<128x64xf32, #tpu.memory_space<vmem_shared>>
      tpu.enqueue_dma source(%arg8 : memref<128x64xf32, #tpu.memory_space<vmem>>) target(%dma_start3A_112 : memref<128x64xf32, #tpu.memory_space<vmem_shared>>) target_semaphore(%run_scoped3A : memref<!tpu.dma_semaphore, #tpu.memory_space<semaphore_mem>>)
      %dma_wait3A_113 = arith.constant 0 : i32
      %dma_wait3A_114 = tpu.memref_slice %arg5[%add3A_23, %dma_wait3A_113] : memref<10240x64xf32, #tpu.memory_space<vmem_shared>> -> memref<128x64xf32, #tpu.memory_space<vmem_shared>>
      %dma_wait3A_115 = arith.constant 0 : i32
      %dma_wait3A_116 = tpu.memref_slice %arg5[%add3A_23, %dma_wait3A_115] : memref<10240x64xf32, #tpu.memory_space<vmem_shared>> -> memref<128x64xf32, #tpu.memory_space<vmem_shared>>
      tpu.wait_dma2 semaphore(%run_scoped3A : memref<!tpu.dma_semaphore, #tpu.memory_space<semaphore_mem>>) src(%arg8 : memref<128x64xf32, #tpu.memory_space<vmem>>) dst(%dma_wait3A_116 : memref<128x64xf32, #tpu.memory_space<vmem_shared>>)
      tpu.yield
    }) : () -> ()
    %add3A_24 = arith.constant 128 : i32
    %add3A_25 = arith.addi %mul3A_2, %add3A_24 : i32
    "tpu.region"() ({
      %run_scoped3A = tpu.sem_alloc : memref<!tpu.dma_semaphore, #tpu.memory_space<semaphore_mem>>
      %dma_start3A_109 = arith.constant 0 : i32
      %dma_start3A_110 = tpu.memref_slice %arg5[%add3A_25, %dma_start3A_109] : memref<10240x64xf32, #tpu.memory_space<vmem_shared>> -> memref<128x64xf32, #tpu.memory_space<vmem_shared>>
      %dma_start3A_111 = arith.constant 0 : i32
      %dma_start3A_112 = tpu.memref_slice %arg5[%add3A_25, %dma_start3A_111] : memref<10240x64xf32, #tpu.memory_space<vmem_shared>> -> memref<128x64xf32, #tpu.memory_space<vmem_shared>>
      tpu.enqueue_dma source(%arg8 : memref<128x64xf32, #tpu.memory_space<vmem>>) target(%dma_start3A_112 : memref<128x64xf32, #tpu.memory_space<vmem_shared>>) target_semaphore(%run_scoped3A : memref<!tpu.dma_semaphore, #tpu.memory_space<semaphore_mem>>)
      %dma_wait3A_113 = arith.constant 0 : i32
      %dma_wait3A_114 = tpu.memref_slice %arg5[%add3A_25, %dma_wait3A_113] : memref<10240x64xf32, #tpu.memory_space<vmem_shared>> -> memref<128x64xf32, #tpu.memory_space<vmem_shared>>
      %dma_wait3A_115 = arith.constant 0 : i32
      %dma_wait3A_116 = tpu.memref_slice %arg5[%add3A_25, %dma_wait3A_115] : memref<10240x64xf32, #tpu.memory_space<vmem_shared>> -> memref<128x64xf32, #tpu.memory_space<vmem_shared>>
      tpu.wait_dma2 semaphore(%run_scoped3A : memref<!tpu.dma_semaphore, #tpu.memory_space<semaphore_mem>>) src(%arg8 : memref<128x64xf32, #tpu.memory_space<vmem>>) dst(%dma_wait3A_116 : memref<128x64xf32, #tpu.memory_space<vmem_shared>>)
      tpu.yield
    }) : () -> ()
    %add3A_26 = arith.constant 256 : i32
    %add3A_27 = arith.addi %mul3A_2, %add3A_26 : i32
    "tpu.region"() ({
      %run_scoped3A = tpu.sem_alloc : memref<!tpu.dma_semaphore, #tpu.memory_space<semaphore_mem>>
      %dma_start3A_109 = arith.constant 0 : i32
      %dma_start3A_110 = tpu.memref_slice %arg5[%add3A_27, %dma_start3A_109] : memref<10240x64xf32, #tpu.memory_space<vmem_shared>> -> memref<128x64xf32, #tpu.memory_space<vmem_shared>>
      %dma_start3A_111 = arith.constant 0 : i32
      %dma_start3A_112 = tpu.memref_slice %arg5[%add3A_27, %dma_start3A_111] : memref<10240x64xf32, #tpu.memory_space<vmem_shared>> -> memref<128x64xf32, #tpu.memory_space<vmem_shared>>
      tpu.enqueue_dma source(%arg8 : memref<128x64xf32, #tpu.memory_space<vmem>>) target(%dma_start3A_112 : memref<128x64xf32, #tpu.memory_space<vmem_shared>>) target_semaphore(%run_scoped3A : memref<!tpu.dma_semaphore, #tpu.memory_space<semaphore_mem>>)
      %dma_wait3A_113 = arith.constant 0 : i32
      %dma_wait3A_114 = tpu.memref_slice %arg5[%add3A_27, %dma_wait3A_113] : memref<10240x64xf32, #tpu.memory_space<vmem_shared>> -> memref<128x64xf32, #tpu.memory_space<vmem_shared>>
      %dma_wait3A_115 = arith.constant 0 : i32
      %dma_wait3A_116 = tpu.memref_slice %arg5[%add3A_27, %dma_wait3A_115] : memref<10240x64xf32, #tpu.memory_space<vmem_shared>> -> memref<128x64xf32, #tpu.memory_space<vmem_shared>>
      tpu.wait_dma2 semaphore(%run_scoped3A : memref<!tpu.dma_semaphore, #tpu.memory_space<semaphore_mem>>) src(%arg8 : memref<128x64xf32, #tpu.memory_space<vmem>>) dst(%dma_wait3A_116 : memref<128x64xf32, #tpu.memory_space<vmem_shared>>)
      tpu.yield
    }) : () -> ()
    %add3A_28 = arith.constant 384 : i32
    %add3A_29 = arith.addi %mul3A_2, %add3A_28 : i32
    "tpu.region"() ({
      %run_scoped3A = tpu.sem_alloc : memref<!tpu.dma_semaphore, #tpu.memory_space<semaphore_mem>>
      %dma_start3A_109 = arith.constant 0 : i32
      %dma_start3A_110 = tpu.memref_slice %arg5[%add3A_29, %dma_start3A_109] : memref<10240x64xf32, #tpu.memory_space<vmem_shared>> -> memref<128x64xf32, #tpu.memory_space<vmem_shared>>
      %dma_start3A_111 = arith.constant 0 : i32
      %dma_start3A_112 = tpu.memref_slice %arg5[%add3A_29, %dma_start3A_111] : memref<10240x64xf32, #tpu.memory_space<vmem_shared>> -> memref<128x64xf32, #tpu.memory_space<vmem_shared>>
      tpu.enqueue_dma source(%arg8 : memref<128x64xf32, #tpu.memory_space<vmem>>) target(%dma_start3A_112 : memref<128x64xf32, #tpu.memory_space<vmem_shared>>) target_semaphore(%run_scoped3A : memref<!tpu.dma_semaphore, #tpu.memory_space<semaphore_mem>>)
      %dma_wait3A_113 = arith.constant 0 : i32
      %dma_wait3A_114 = tpu.memref_slice %arg5[%add3A_29, %dma_wait3A_113] : memref<10240x64xf32, #tpu.memory_space<vmem_shared>> -> memref<128x64xf32, #tpu.memory_space<vmem_shared>>
      %dma_wait3A_115 = arith.constant 0 : i32
      %dma_wait3A_116 = tpu.memref_slice %arg5[%add3A_29, %dma_wait3A_115] : memref<10240x64xf32, #tpu.memory_space<vmem_shared>> -> memref<128x64xf32, #tpu.memory_space<vmem_shared>>
      tpu.wait_dma2 semaphore(%run_scoped3A : memref<!tpu.dma_semaphore, #tpu.memory_space<semaphore_mem>>) src(%arg8 : memref<128x64xf32, #tpu.memory_space<vmem>>) dst(%dma_wait3A_116 : memref<128x64xf32, #tpu.memory_space<vmem_shared>>)
      tpu.yield
    }) : () -> ()
    %add3A_30 = arith.constant 512 : i32
    %add3A_31 = arith.addi %mul3A_2, %add3A_30 : i32
    "tpu.region"() ({
      %run_scoped3A = tpu.sem_alloc : memref<!tpu.dma_semaphore, #tpu.memory_space<semaphore_mem>>
      %dma_start3A_109 = arith.constant 0 : i32
      %dma_start3A_110 = tpu.memref_slice %arg5[%add3A_31, %dma_start3A_109] : memref<10240x64xf32, #tpu.memory_space<vmem_shared>> -> memref<128x64xf32, #tpu.memory_space<vmem_shared>>
      %dma_start3A_111 = arith.constant 0 : i32
      %dma_start3A_112 = tpu.memref_slice %arg5[%add3A_31, %dma_start3A_111] : memref<10240x64xf32, #tpu.memory_space<vmem_shared>> -> memref<128x64xf32, #tpu.memory_space<vmem_shared>>
      tpu.enqueue_dma source(%arg8 : memref<128x64xf32, #tpu.memory_space<vmem>>) target(%dma_start3A_112 : memref<128x64xf32, #tpu.memory_space<vmem_shared>>) target_semaphore(%run_scoped3A : memref<!tpu.dma_semaphore, #tpu.memory_space<semaphore_mem>>)
      %dma_wait3A_113 = arith.constant 0 : i32
      %dma_wait3A_114 = tpu.memref_slice %arg5[%add3A_31, %dma_wait3A_113] : memref<10240x64xf32, #tpu.memory_space<vmem_shared>> -> memref<128x64xf32, #tpu.memory_space<vmem_shared>>
      %dma_wait3A_115 = arith.constant 0 : i32
      %dma_wait3A_116 = tpu.memref_slice %arg5[%add3A_31, %dma_wait3A_115] : memref<10240x64xf32, #tpu.memory_space<vmem_shared>> -> memref<128x64xf32, #tpu.memory_space<vmem_shared>>
      tpu.wait_dma2 semaphore(%run_scoped3A : memref<!tpu.dma_semaphore, #tpu.memory_space<semaphore_mem>>) src(%arg8 : memref<128x64xf32, #tpu.memory_space<vmem>>) dst(%dma_wait3A_116 : memref<128x64xf32, #tpu.memory_space<vmem_shared>>)
      tpu.yield
    }) : () -> ()
    %dma_wait3A = arith.constant 0 : i32
    %dma_wait3A_32 = arith.constant 0 : i32
    %dma_wait3A_33 = tpu.memref_slice %arg3[%dma_wait3A, %mul3A_4, %dma_wait3A_32] : memref<2x2500x128xi32, #tpu.memory_space<hbm>> -> memref<1x78x128xi32, #tpu.memory_space<hbm>>
    %dma_wait3A_34 = tpu.memref_squeeze %dma_wait3A_33 : memref<1x78x128xi32, #tpu.memory_space<hbm>> -> memref<78x128xi32, #tpu.memory_space<hbm>>
    %dma_wait3A_35 = arith.constant 0 : i32
    %dma_wait3A_36 = tpu.memref_slice %arg3[%dma_wait3A, %mul3A_4, %dma_wait3A_35] : memref<2x2500x128xi32, #tpu.memory_space<hbm>> -> memref<1x78x128xi32, #tpu.memory_space<hbm>>
    %dma_wait3A_37 = tpu.memref_squeeze %dma_wait3A_36 : memref<1x78x128xi32, #tpu.memory_space<hbm>> -> memref<78x128xi32, #tpu.memory_space<hbm>>
    tpu.wait_dma2 semaphore(%arg26 : memref<!tpu.dma_semaphore, #tpu.memory_space<semaphore_mem>>) src(%dma_wait3A_37 : memref<78x128xi32, #tpu.memory_space<hbm>>) dst(%arg6 : memref<78x128xi32, #tpu.memory_space<vmem>>)
    %dma_wait3A_38 = arith.constant 1 : i32
    %dma_wait3A_39 = arith.constant 0 : i32
    %dma_wait3A_40 = tpu.memref_slice %arg3[%dma_wait3A_38, %mul3A_4, %dma_wait3A_39] : memref<2x2500x128xi32, #tpu.memory_space<hbm>> -> memref<1x78x128xi32, #tpu.memory_space<hbm>>
    %dma_wait3A_41 = tpu.memref_squeeze %dma_wait3A_40 : memref<1x78x128xi32, #tpu.memory_space<hbm>> -> memref<78x128xi32, #tpu.memory_space<hbm>>
    %dma_wait3A_42 = arith.constant 0 : i32
    %dma_wait3A_43 = tpu.memref_slice %arg3[%dma_wait3A_38, %mul3A_4, %dma_wait3A_42] : memref<2x2500x128xi32, #tpu.memory_space<hbm>> -> memref<1x78x128xi32, #tpu.memory_space<hbm>>
    %dma_wait3A_44 = tpu.memref_squeeze %dma_wait3A_43 : memref<1x78x128xi32, #tpu.memory_space<hbm>> -> memref<78x128xi32, #tpu.memory_space<hbm>>
    tpu.wait_dma2 semaphore(%arg27 : memref<!tpu.dma_semaphore, #tpu.memory_space<semaphore_mem>>) src(%dma_wait3A_44 : memref<78x128xi32, #tpu.memory_space<hbm>>) dst(%arg7 : memref<78x128xi32, #tpu.memory_space<vmem>>)
    %barrier3A = arith.constant 0 : index
    tpu.barrier barrier_id(%barrier3A)
    %dma_start3A_45 = arith.constant 0 : i32
    %dma_start3A_46 = arith.constant 0 : i32
    %dma_start3A_47 = tpu.memref_slice %arg6[%dma_start3A_45, %dma_start3A_46] : memref<78x128xi32, #tpu.memory_space<vmem>> -> memref<1x128xi32, #tpu.memory_space<vmem>>
    %dma_start3A_48 = tpu.memref_squeeze %dma_start3A_47 : memref<1x128xi32, #tpu.memory_space<vmem>> -> memref<128xi32, #tpu.memory_space<vmem>>
    %dma_start3A_49 = arith.constant 0 : i32
    %dma_start3A_50 = arith.constant 0 : i32
    %dma_start3A_51 = tpu.memref_slice %arg2[%dma_start3A_49, %dma_start3A_50] : memref<10000x64xf32, #tpu.memory_space<hbm>> -> memref<10000x64xf32, #tpu.memory_space<hbm>>
    tpu.enqueue_indirect_dma source(%dma_start3A_51 : memref<10000x64xf32, #tpu.memory_space<hbm>>) target(%arg8 : memref<128x64xf32, #tpu.memory_space<vmem>>) offsets(%dma_start3A_48 : memref<128xi32, #tpu.memory_space<vmem>>) semaphore(%arg18 : memref<!tpu.dma_semaphore, #tpu.memory_space<semaphore_mem>>)
    %dma_start3A_52 = arith.constant 1 : i32
    %dma_start3A_53 = arith.constant 0 : i32
    %dma_start3A_54 = tpu.memref_slice %arg6[%dma_start3A_52, %dma_start3A_53] : memref<78x128xi32, #tpu.memory_space<vmem>> -> memref<1x128xi32, #tpu.memory_space<vmem>>
    %dma_start3A_55 = tpu.memref_squeeze %dma_start3A_54 : memref<1x128xi32, #tpu.memory_space<vmem>> -> memref<128xi32, #tpu.memory_space<vmem>>
    %dma_start3A_56 = arith.constant 0 : i32
    %dma_start3A_57 = arith.constant 0 : i32
    %dma_start3A_58 = tpu.memref_slice %arg2[%dma_start3A_56, %dma_start3A_57] : memref<10000x64xf32, #tpu.memory_space<hbm>> -> memref<10000x64xf32, #tpu.memory_space<hbm>>
    tpu.enqueue_indirect_dma source(%dma_start3A_58 : memref<10000x64xf32, #tpu.memory_space<hbm>>) target(%arg9 : memref<128x64xf32, #tpu.memory_space<vmem>>) offsets(%dma_start3A_55 : memref<128xi32, #tpu.memory_space<vmem>>) semaphore(%arg19 : memref<!tpu.dma_semaphore, #tpu.memory_space<semaphore_mem>>)
    %dma_start3A_59 = arith.constant 2 : i32
    %dma_start3A_60 = arith.constant 0 : i32
    %dma_start3A_61 = tpu.memref_slice %arg6[%dma_start3A_59, %dma_start3A_60] : memref<78x128xi32, #tpu.memory_space<vmem>> -> memref<1x128xi32, #tpu.memory_space<vmem>>
    %dma_start3A_62 = tpu.memref_squeeze %dma_start3A_61 : memref<1x128xi32, #tpu.memory_space<vmem>> -> memref<128xi32, #tpu.memory_space<vmem>>
    %dma_start3A_63 = arith.constant 0 : i32
    %dma_start3A_64 = arith.constant 0 : i32
    %dma_start3A_65 = tpu.memref_slice %arg2[%dma_start3A_63, %dma_start3A_64] : memref<10000x64xf32, #tpu.memory_space<hbm>> -> memref<10000x64xf32, #tpu.memory_space<hbm>>
    tpu.enqueue_indirect_dma source(%dma_start3A_65 : memref<10000x64xf32, #tpu.memory_space<hbm>>) target(%arg10 : memref<128x64xf32, #tpu.memory_space<vmem>>) offsets(%dma_start3A_62 : memref<128xi32, #tpu.memory_space<vmem>>) semaphore(%arg20 : memref<!tpu.dma_semaphore, #tpu.memory_space<semaphore_mem>>)
    %dma_start3A_66 = arith.constant 3 : i32
    %dma_start3A_67 = arith.constant 0 : i32
    %dma_start3A_68 = tpu.memref_slice %arg6[%dma_start3A_66, %dma_start3A_67] : memref<78x128xi32, #tpu.memory_space<vmem>> -> memref<1x128xi32, #tpu.memory_space<vmem>>
    %dma_start3A_69 = tpu.memref_squeeze %dma_start3A_68 : memref<1x128xi32, #tpu.memory_space<vmem>> -> memref<128xi32, #tpu.memory_space<vmem>>
    %dma_start3A_70 = arith.constant 0 : i32
    %dma_start3A_71 = arith.constant 0 : i32
    %dma_start3A_72 = tpu.memref_slice %arg2[%dma_start3A_70, %dma_start3A_71] : memref<10000x64xf32, #tpu.memory_space<hbm>> -> memref<10000x64xf32, #tpu.memory_space<hbm>>
    tpu.enqueue_indirect_dma source(%dma_start3A_72 : memref<10000x64xf32, #tpu.memory_space<hbm>>) target(%arg11 : memref<128x64xf32, #tpu.memory_space<vmem>>) offsets(%dma_start3A_69 : memref<128xi32, #tpu.memory_space<vmem>>) semaphore(%arg21 : memref<!tpu.dma_semaphore, #tpu.memory_space<semaphore_mem>>)
    %dma_start3A_73 = arith.constant 4 : i32
    %dma_start3A_74 = arith.constant 0 : i32
    %dma_start3A_75 = tpu.memref_slice %arg6[%dma_start3A_73, %dma_start3A_74] : memref<78x128xi32, #tpu.memory_space<vmem>> -> memref<1x128xi32, #tpu.memory_space<vmem>>
    %dma_start3A_76 = tpu.memref_squeeze %dma_start3A_75 : memref<1x128xi32, #tpu.memory_space<vmem>> -> memref<128xi32, #tpu.memory_space<vmem>>
    %dma_start3A_77 = arith.constant 0 : i32
    %dma_start3A_78 = arith.constant 0 : i32
    %dma_start3A_79 = tpu.memref_slice %arg2[%dma_start3A_77, %dma_start3A_78] : memref<10000x64xf32, #tpu.memory_space<hbm>> -> memref<10000x64xf32, #tpu.memory_space<hbm>>
    tpu.enqueue_indirect_dma source(%dma_start3A_79 : memref<10000x64xf32, #tpu.memory_space<hbm>>) target(%arg12 : memref<128x64xf32, #tpu.memory_space<vmem>>) offsets(%dma_start3A_76 : memref<128xi32, #tpu.memory_space<vmem>>) semaphore(%arg22 : memref<!tpu.dma_semaphore, #tpu.memory_space<semaphore_mem>>)
    %dma_start3A_80 = arith.constant 5 : i32
    %dma_start3A_81 = arith.constant 0 : i32
    %dma_start3A_82 = tpu.memref_slice %arg6[%dma_start3A_80, %dma_start3A_81] : memref<78x128xi32, #tpu.memory_space<vmem>> -> memref<1x128xi32, #tpu.memory_space<vmem>>
    %dma_start3A_83 = tpu.memref_squeeze %dma_start3A_82 : memref<1x128xi32, #tpu.memory_space<vmem>> -> memref<128xi32, #tpu.memory_space<vmem>>
    %dma_start3A_84 = arith.constant 0 : i32
    %dma_start3A_85 = arith.constant 0 : i32
    %dma_start3A_86 = tpu.memref_slice %arg2[%dma_start3A_84, %dma_start3A_85] : memref<10000x64xf32, #tpu.memory_space<hbm>> -> memref<10000x64xf32, #tpu.memory_space<hbm>>
    tpu.enqueue_indirect_dma source(%dma_start3A_86 : memref<10000x64xf32, #tpu.memory_space<hbm>>) target(%arg13 : memref<128x64xf32, #tpu.memory_space<vmem>>) offsets(%dma_start3A_83 : memref<128xi32, #tpu.memory_space<vmem>>) semaphore(%arg23 : memref<!tpu.dma_semaphore, #tpu.memory_space<semaphore_mem>>)
    %dma_start3A_87 = arith.constant 6 : i32
    %dma_start3A_88 = arith.constant 0 : i32
    %dma_start3A_89 = tpu.memref_slice %arg6[%dma_start3A_87, %dma_start3A_88] : memref<78x128xi32, #tpu.memory_space<vmem>> -> memref<1x128xi32, #tpu.memory_space<vmem>>
    %dma_start3A_90 = tpu.memref_squeeze %dma_start3A_89 : memref<1x128xi32, #tpu.memory_space<vmem>> -> memref<128xi32, #tpu.memory_space<vmem>>
    %dma_start3A_91 = arith.constant 0 : i32
    %dma_start3A_92 = arith.constant 0 : i32
    %dma_start3A_93 = tpu.memref_slice %arg2[%dma_start3A_91, %dma_start3A_92] : memref<10000x64xf32, #tpu.memory_space<hbm>> -> memref<10000x64xf32, #tpu.memory_space<hbm>>
    tpu.enqueue_indirect_dma source(%dma_start3A_93 : memref<10000x64xf32, #tpu.memory_space<hbm>>) target(%arg14 : memref<128x64xf32, #tpu.memory_space<vmem>>) offsets(%dma_start3A_90 : memref<128xi32, #tpu.memory_space<vmem>>) semaphore(%arg24 : memref<!tpu.dma_semaphore, #tpu.memory_space<semaphore_mem>>)
    %dma_start3A_94 = arith.constant 7 : i32
    %dma_start3A_95 = arith.constant 0 : i32
    %dma_start3A_96 = tpu.memref_slice %arg6[%dma_start3A_94, %dma_start3A_95] : memref<78x128xi32, #tpu.memory_space<vmem>> -> memref<1x128xi32, #tpu.memory_space<vmem>>
    %dma_start3A_97 = tpu.memref_squeeze %dma_start3A_96 : memref<1x128xi32, #tpu.memory_space<vmem>> -> memref<128xi32, #tpu.memory_space<vmem>>
    %dma_start3A_98 = arith.constant 0 : i32
    %dma_start3A_99 = arith.constant 0 : i32
    %dma_start3A_100 = tpu.memref_slice %arg2[%dma_start3A_98, %dma_start3A_99] : memref<10000x64xf32, #tpu.memory_space<hbm>> -> memref<10000x64xf32, #tpu.memory_space<hbm>>
    tpu.enqueue_indirect_dma source(%dma_start3A_100 : memref<10000x64xf32, #tpu.memory_space<hbm>>) target(%arg15 : memref<128x64xf32, #tpu.memory_space<vmem>>) offsets(%dma_start3A_97 : memref<128xi32, #tpu.memory_space<vmem>>) semaphore(%arg25 : memref<!tpu.dma_semaphore, #tpu.memory_space<semaphore_mem>>)
    %scan3A_101 = arith.constant 0 : i32
    %scan3A_102 = arith.constant 10 : i32
    %scan3A_103 = arith.addi %scan3A_101, %scan3A_102 : i32
    %scan3A_104 = arith.constant 1 : i32
    scf.for %scan3A_109 = %scan3A_101 to %scan3A_103 step %scan3A_104  : i32 {
      %mul3A_110 = arith.constant 8 : i32
      %mul3A_111 = arith.muli %scan3A_109, %mul3A_110 : i32
      %add3A_112 = arith.constant 0 : i32
      %add3A_113 = arith.addi %add3A_112, %mul3A_111 : i32
      %add3A_114 = arith.constant 0 : i32
      %add3A_115 = arith.addi %add3A_113, %add3A_114 : i32
      %lt3A_116 = arith.constant 78 : i32
      %lt3A_117 = arith.cmpi slt, %add3A_115, %lt3A_116 : i32
      %convert_element_type3A_118 = arith.extui %lt3A_117 : i1 to i32
      %cond3A_119 = arith.constant 0 : i32
      %cond3A_120 = arith.cmpi ne, %convert_element_type3A_118, %cond3A_119 : i32
      scf.if %cond3A_120 {
        %dma_wait3A_170 = arith.constant 0 : i32
        %dma_wait3A_171 = tpu.memref_slice %arg6[%add3A_115, %dma_wait3A_170] : memref<78x128xi32, #tpu.memory_space<vmem>> -> memref<1x128xi32, #tpu.memory_space<vmem>>
        %dma_wait3A_172 = tpu.memref_squeeze %dma_wait3A_171 : memref<1x128xi32, #tpu.memory_space<vmem>> -> memref<128xi32, #tpu.memory_space<vmem>>
        %dma_wait3A_173 = arith.constant 0 : i32
        %dma_wait3A_174 = arith.constant 0 : i32
        %dma_wait3A_175 = tpu.memref_slice %arg2[%dma_wait3A_173, %dma_wait3A_174] : memref<10000x64xf32, #tpu.memory_space<hbm>> -> memref<10000x64xf32, #tpu.memory_space<hbm>>
        tpu.wait_indirect_dma semaphore(%arg18 : memref<!tpu.dma_semaphore, #tpu.memory_space<semaphore_mem>>) src(%dma_wait3A_175 : memref<10000x64xf32, #tpu.memory_space<hbm>>) dst(%arg8 : memref<128x64xf32, #tpu.memory_space<vmem>>)
        "tpu.region"() ({
          %run_scoped3A = tpu.sem_alloc : memref<!tpu.dma_semaphore, #tpu.memory_space<semaphore_mem>>
          %dma_start3A_183 = arith.constant 0 : i32
          %dma_start3A_184 = tpu.memref_slice %arg7[%add3A_115, %dma_start3A_183] : memref<78x128xi32, #tpu.memory_space<vmem>> -> memref<1x128xi32, #tpu.memory_space<vmem>>
          %dma_start3A_185 = tpu.memref_squeeze %dma_start3A_184 : memref<1x128xi32, #tpu.memory_space<vmem>> -> memref<128xi32, #tpu.memory_space<vmem>>
          %dma_start3A_186 = arith.constant 0 : i32
          %dma_start3A_187 = arith.constant 0 : i32
          %dma_start3A_188 = tpu.memref_slice %arg5[%dma_start3A_186, %dma_start3A_187] : memref<10240x64xf32, #tpu.memory_space<vmem_shared>> -> memref<10240x64xf32, #tpu.memory_space<vmem_shared>>
          tpu.enqueue_indirect_dma source(%arg8 : memref<128x64xf32, #tpu.memory_space<vmem>>) target(%dma_start3A_188 : memref<10240x64xf32, #tpu.memory_space<vmem_shared>>) offsets(%dma_start3A_185 : memref<128xi32, #tpu.memory_space<vmem>>) semaphore(%run_scoped3A : memref<!tpu.dma_semaphore, #tpu.memory_space<semaphore_mem>>) {add = true}
          %dma_wait3A_189 = arith.constant 0 : i32
          %dma_wait3A_190 = tpu.memref_slice %arg7[%add3A_115, %dma_wait3A_189] : memref<78x128xi32, #tpu.memory_space<vmem>> -> memref<1x128xi32, #tpu.memory_space<vmem>>
          %dma_wait3A_191 = tpu.memref_squeeze %dma_wait3A_190 : memref<1x128xi32, #tpu.memory_space<vmem>> -> memref<128xi32, #tpu.memory_space<vmem>>
          %dma_wait3A_192 = arith.constant 0 : i32
          %dma_wait3A_193 = arith.constant 0 : i32
          %dma_wait3A_194 = tpu.memref_slice %arg5[%dma_wait3A_192, %dma_wait3A_193] : memref<10240x64xf32, #tpu.memory_space<vmem_shared>> -> memref<10240x64xf32, #tpu.memory_space<vmem_shared>>
          tpu.wait_indirect_dma semaphore(%run_scoped3A : memref<!tpu.dma_semaphore, #tpu.memory_space<semaphore_mem>>) src(%arg8 : memref<128x64xf32, #tpu.memory_space<vmem>>) dst(%dma_wait3A_194 : memref<10240x64xf32, #tpu.memory_space<vmem_shared>>)
          tpu.yield
        }) : () -> ()
        %add3A_176 = arith.constant 8 : i32
        %add3A_177 = arith.addi %add3A_115, %add3A_176 : i32
        %lt3A_178 = arith.constant 78 : i32
        %lt3A_179 = arith.cmpi slt, %add3A_177, %lt3A_178 : i32
        %convert_element_type3A_180 = arith.extui %lt3A_179 : i1 to i32
        %cond3A_181 = arith.constant 0 : i32
        %cond3A_182 = arith.cmpi ne, %convert_element_type3A_180, %cond3A_181 : i32
        scf.if %cond3A_182 {
          %add3A_183 = arith.constant 8 : i32
          %add3A_184 = arith.addi %add3A_115, %add3A_183 : i32
          %dma_start3A_185 = arith.constant 0 : i32
          %dma_start3A_186 = tpu.memref_slice %arg6[%add3A_184, %dma_start3A_185] : memref<78x128xi32, #tpu.memory_space<vmem>> -> memref<1x128xi32, #tpu.memory_space<vmem>>
          %dma_start3A_187 = tpu.memref_squeeze %dma_start3A_186 : memref<1x128xi32, #tpu.memory_space<vmem>> -> memref<128xi32, #tpu.memory_space<vmem>>
          %dma_start3A_188 = arith.constant 0 : i32
          %dma_start3A_189 = arith.constant 0 : i32
          %dma_start3A_190 = tpu.memref_slice %arg2[%dma_start3A_188, %dma_start3A_189] : memref<10000x64xf32, #tpu.memory_space<hbm>> -> memref<10000x64xf32, #tpu.memory_space<hbm>>
          tpu.enqueue_indirect_dma source(%dma_start3A_190 : memref<10000x64xf32, #tpu.memory_space<hbm>>) target(%arg8 : memref<128x64xf32, #tpu.memory_space<vmem>>) offsets(%dma_start3A_187 : memref<128xi32, #tpu.memory_space<vmem>>) semaphore(%arg18 : memref<!tpu.dma_semaphore, #tpu.memory_space<semaphore_mem>>)
        } else {
        }
      } else {
      }
      %add3A_121 = arith.constant 1 : i32
      %add3A_122 = arith.addi %add3A_113, %add3A_121 : i32
      %lt3A_123 = arith.constant 78 : i32
      %lt3A_124 = arith.cmpi slt, %add3A_122, %lt3A_123 : i32
      %convert_element_type3A_125 = arith.extui %lt3A_124 : i1 to i32
      %cond3A_126 = arith.constant 0 : i32
      %cond3A_127 = arith.cmpi ne, %convert_element_type3A_125, %cond3A_126 : i32
      scf.if %cond3A_127 {
        %dma_wait3A_170 = arith.constant 0 : i32
        %dma_wait3A_171 = tpu.memref_slice %arg6[%add3A_122, %dma_wait3A_170] : memref<78x128xi32, #tpu.memory_space<vmem>> -> memref<1x128xi32, #tpu.memory_space<vmem>>
        %dma_wait3A_172 = tpu.memref_squeeze %dma_wait3A_171 : memref<1x128xi32, #tpu.memory_space<vmem>> -> memref<128xi32, #tpu.memory_space<vmem>>
        %dma_wait3A_173 = arith.constant 0 : i32
        %dma_wait3A_174 = arith.constant 0 : i32
        %dma_wait3A_175 = tpu.memref_slice %arg2[%dma_wait3A_173, %dma_wait3A_174] : memref<10000x64xf32, #tpu.memory_space<hbm>> -> memref<10000x64xf32, #tpu.memory_space<hbm>>
        tpu.wait_indirect_dma semaphore(%arg19 : memref<!tpu.dma_semaphore, #tpu.memory_space<semaphore_mem>>) src(%dma_wait3A_175 : memref<10000x64xf32, #tpu.memory_space<hbm>>) dst(%arg9 : memref<128x64xf32, #tpu.memory_space<vmem>>)
        "tpu.region"() ({
          %run_scoped3A = tpu.sem_alloc : memref<!tpu.dma_semaphore, #tpu.memory_space<semaphore_mem>>
          %dma_start3A_183 = arith.constant 0 : i32
          %dma_start3A_184 = tpu.memref_slice %arg7[%add3A_122, %dma_start3A_183] : memref<78x128xi32, #tpu.memory_space<vmem>> -> memref<1x128xi32, #tpu.memory_space<vmem>>
          %dma_start3A_185 = tpu.memref_squeeze %dma_start3A_184 : memref<1x128xi32, #tpu.memory_space<vmem>> -> memref<128xi32, #tpu.memory_space<vmem>>
          %dma_start3A_186 = arith.constant 0 : i32
          %dma_start3A_187 = arith.constant 0 : i32
          %dma_start3A_188 = tpu.memref_slice %arg5[%dma_start3A_186, %dma_start3A_187] : memref<10240x64xf32, #tpu.memory_space<vmem_shared>> -> memref<10240x64xf32, #tpu.memory_space<vmem_shared>>
          tpu.enqueue_indirect_dma source(%arg9 : memref<128x64xf32, #tpu.memory_space<vmem>>) target(%dma_start3A_188 : memref<10240x64xf32, #tpu.memory_space<vmem_shared>>) offsets(%dma_start3A_185 : memref<128xi32, #tpu.memory_space<vmem>>) semaphore(%run_scoped3A : memref<!tpu.dma_semaphore, #tpu.memory_space<semaphore_mem>>) {add = true}
          %dma_wait3A_189 = arith.constant 0 : i32
          %dma_wait3A_190 = tpu.memref_slice %arg7[%add3A_122, %dma_wait3A_189] : memref<78x128xi32, #tpu.memory_space<vmem>> -> memref<1x128xi32, #tpu.memory_space<vmem>>
          %dma_wait3A_191 = tpu.memref_squeeze %dma_wait3A_190 : memref<1x128xi32, #tpu.memory_space<vmem>> -> memref<128xi32, #tpu.memory_space<vmem>>
          %dma_wait3A_192 = arith.constant 0 : i32
          %dma_wait3A_193 = arith.constant 0 : i32
          %dma_wait3A_194 = tpu.memref_slice %arg5[%dma_wait3A_192, %dma_wait3A_193] : memref<10240x64xf32, #tpu.memory_space<vmem_shared>> -> memref<10240x64xf32, #tpu.memory_space<vmem_shared>>
          tpu.wait_indirect_dma semaphore(%run_scoped3A : memref<!tpu.dma_semaphore, #tpu.memory_space<semaphore_mem>>) src(%arg9 : memref<128x64xf32, #tpu.memory_space<vmem>>) dst(%dma_wait3A_194 : memref<10240x64xf32, #tpu.memory_space<vmem_shared>>)
          tpu.yield
        }) : () -> ()
        %add3A_176 = arith.constant 8 : i32
        %add3A_177 = arith.addi %add3A_122, %add3A_176 : i32
        %lt3A_178 = arith.constant 78 : i32
        %lt3A_179 = arith.cmpi slt, %add3A_177, %lt3A_178 : i32
        %convert_element_type3A_180 = arith.extui %lt3A_179 : i1 to i32
        %cond3A_181 = arith.constant 0 : i32
        %cond3A_182 = arith.cmpi ne, %convert_element_type3A_180, %cond3A_181 : i32
        scf.if %cond3A_182 {
          %add3A_183 = arith.constant 8 : i32
          %add3A_184 = arith.addi %add3A_122, %add3A_183 : i32
          %dma_start3A_185 = arith.constant 0 : i32
          %dma_start3A_186 = tpu.memref_slice %arg6[%add3A_184, %dma_start3A_185] : memref<78x128xi32, #tpu.memory_space<vmem>> -> memref<1x128xi32, #tpu.memory_space<vmem>>
          %dma_start3A_187 = tpu.memref_squeeze %dma_start3A_186 : memref<1x128xi32, #tpu.memory_space<vmem>> -> memref<128xi32, #tpu.memory_space<vmem>>
          %dma_start3A_188 = arith.constant 0 : i32
          %dma_start3A_189 = arith.constant 0 : i32
          %dma_start3A_190 = tpu.memref_slice %arg2[%dma_start3A_188, %dma_start3A_189] : memref<10000x64xf32, #tpu.memory_space<hbm>> -> memref<10000x64xf32, #tpu.memory_space<hbm>>
          tpu.enqueue_indirect_dma source(%dma_start3A_190 : memref<10000x64xf32, #tpu.memory_space<hbm>>) target(%arg9 : memref<128x64xf32, #tpu.memory_space<vmem>>) offsets(%dma_start3A_187 : memref<128xi32, #tpu.memory_space<vmem>>) semaphore(%arg19 : memref<!tpu.dma_semaphore, #tpu.memory_space<semaphore_mem>>)
        } else {
        }
      } else {
      }
      %add3A_128 = arith.constant 2 : i32
      %add3A_129 = arith.addi %add3A_113, %add3A_128 : i32
      %lt3A_130 = arith.constant 78 : i32
      %lt3A_131 = arith.cmpi slt, %add3A_129, %lt3A_130 : i32
      %convert_element_type3A_132 = arith.extui %lt3A_131 : i1 to i32
      %cond3A_133 = arith.constant 0 : i32
      %cond3A_134 = arith.cmpi ne, %convert_element_type3A_132, %cond3A_133 : i32
      scf.if %cond3A_134 {
        %dma_wait3A_170 = arith.constant 0 : i32
        %dma_wait3A_171 = tpu.memref_slice %arg6[%add3A_129, %dma_wait3A_170] : memref<78x128xi32, #tpu.memory_space<vmem>> -> memref<1x128xi32, #tpu.memory_space<vmem>>
        %dma_wait3A_172 = tpu.memref_squeeze %dma_wait3A_171 : memref<1x128xi32, #tpu.memory_space<vmem>> -> memref<128xi32, #tpu.memory_space<vmem>>
        %dma_wait3A_173 = arith.constant 0 : i32
        %dma_wait3A_174 = arith.constant 0 : i32
        %dma_wait3A_175 = tpu.memref_slice %arg2[%dma_wait3A_173, %dma_wait3A_174] : memref<10000x64xf32, #tpu.memory_space<hbm>> -> memref<10000x64xf32, #tpu.memory_space<hbm>>
        tpu.wait_indirect_dma semaphore(%arg20 : memref<!tpu.dma_semaphore, #tpu.memory_space<semaphore_mem>>) src(%dma_wait3A_175 : memref<10000x64xf32, #tpu.memory_space<hbm>>) dst(%arg10 : memref<128x64xf32, #tpu.memory_space<vmem>>)
        "tpu.region"() ({
          %run_scoped3A = tpu.sem_alloc : memref<!tpu.dma_semaphore, #tpu.memory_space<semaphore_mem>>
          %dma_start3A_183 = arith.constant 0 : i32
          %dma_start3A_184 = tpu.memref_slice %arg7[%add3A_129, %dma_start3A_183] : memref<78x128xi32, #tpu.memory_space<vmem>> -> memref<1x128xi32, #tpu.memory_space<vmem>>
          %dma_start3A_185 = tpu.memref_squeeze %dma_start3A_184 : memref<1x128xi32, #tpu.memory_space<vmem>> -> memref<128xi32, #tpu.memory_space<vmem>>
          %dma_start3A_186 = arith.constant 0 : i32
          %dma_start3A_187 = arith.constant 0 : i32
          %dma_start3A_188 = tpu.memref_slice %arg5[%dma_start3A_186, %dma_start3A_187] : memref<10240x64xf32, #tpu.memory_space<vmem_shared>> -> memref<10240x64xf32, #tpu.memory_space<vmem_shared>>
          tpu.enqueue_indirect_dma source(%arg10 : memref<128x64xf32, #tpu.memory_space<vmem>>) target(%dma_start3A_188 : memref<10240x64xf32, #tpu.memory_space<vmem_shared>>) offsets(%dma_start3A_185 : memref<128xi32, #tpu.memory_space<vmem>>) semaphore(%run_scoped3A : memref<!tpu.dma_semaphore, #tpu.memory_space<semaphore_mem>>) {add = true}
          %dma_wait3A_189 = arith.constant 0 : i32
          %dma_wait3A_190 = tpu.memref_slice %arg7[%add3A_129, %dma_wait3A_189] : memref<78x128xi32, #tpu.memory_space<vmem>> -> memref<1x128xi32, #tpu.memory_space<vmem>>
          %dma_wait3A_191 = tpu.memref_squeeze %dma_wait3A_190 : memref<1x128xi32, #tpu.memory_space<vmem>> -> memref<128xi32, #tpu.memory_space<vmem>>
          %dma_wait3A_192 = arith.constant 0 : i32
          %dma_wait3A_193 = arith.constant 0 : i32
          %dma_wait3A_194 = tpu.memref_slice %arg5[%dma_wait3A_192, %dma_wait3A_193] : memref<10240x64xf32, #tpu.memory_space<vmem_shared>> -> memref<10240x64xf32, #tpu.memory_space<vmem_shared>>
          tpu.wait_indirect_dma semaphore(%run_scoped3A : memref<!tpu.dma_semaphore, #tpu.memory_space<semaphore_mem>>) src(%arg10 : memref<128x64xf32, #tpu.memory_space<vmem>>) dst(%dma_wait3A_194 : memref<10240x64xf32, #tpu.memory_space<vmem_shared>>)
          tpu.yield
        }) : () -> ()
        %add3A_176 = arith.constant 8 : i32
        %add3A_177 = arith.addi %add3A_129, %add3A_176 : i32
        %lt3A_178 = arith.constant 78 : i32
        %lt3A_179 = arith.cmpi slt, %add3A_177, %lt3A_178 : i32
        %convert_element_type3A_180 = arith.extui %lt3A_179 : i1 to i32
        %cond3A_181 = arith.constant 0 : i32
        %cond3A_182 = arith.cmpi ne, %convert_element_type3A_180, %cond3A_181 : i32
        scf.if %cond3A_182 {
          %add3A_183 = arith.constant 8 : i32
          %add3A_184 = arith.addi %add3A_129, %add3A_183 : i32
          %dma_start3A_185 = arith.constant 0 : i32
          %dma_start3A_186 = tpu.memref_slice %arg6[%add3A_184, %dma_start3A_185] : memref<78x128xi32, #tpu.memory_space<vmem>> -> memref<1x128xi32, #tpu.memory_space<vmem>>
          %dma_start3A_187 = tpu.memref_squeeze %dma_start3A_186 : memref<1x128xi32, #tpu.memory_space<vmem>> -> memref<128xi32, #tpu.memory_space<vmem>>
          %dma_start3A_188 = arith.constant 0 : i32
          %dma_start3A_189 = arith.constant 0 : i32
          %dma_start3A_190 = tpu.memref_slice %arg2[%dma_start3A_188, %dma_start3A_189] : memref<10000x64xf32, #tpu.memory_space<hbm>> -> memref<10000x64xf32, #tpu.memory_space<hbm>>
          tpu.enqueue_indirect_dma source(%dma_start3A_190 : memref<10000x64xf32, #tpu.memory_space<hbm>>) target(%arg10 : memref<128x64xf32, #tpu.memory_space<vmem>>) offsets(%dma_start3A_187 : memref<128xi32, #tpu.memory_space<vmem>>) semaphore(%arg20 : memref<!tpu.dma_semaphore, #tpu.memory_space<semaphore_mem>>)
        } else {
        }
      } else {
      }
      %add3A_135 = arith.constant 3 : i32
      %add3A_136 = arith.addi %add3A_113, %add3A_135 : i32
      %lt3A_137 = arith.constant 78 : i32
      %lt3A_138 = arith.cmpi slt, %add3A_136, %lt3A_137 : i32
      %convert_element_type3A_139 = arith.extui %lt3A_138 : i1 to i32
      %cond3A_140 = arith.constant 0 : i32
      %cond3A_141 = arith.cmpi ne, %convert_element_type3A_139, %cond3A_140 : i32
      scf.if %cond3A_141 {
        %dma_wait3A_170 = arith.constant 0 : i32
        %dma_wait3A_171 = tpu.memref_slice %arg6[%add3A_136, %dma_wait3A_170] : memref<78x128xi32, #tpu.memory_space<vmem>> -> memref<1x128xi32, #tpu.memory_space<vmem>>
        %dma_wait3A_172 = tpu.memref_squeeze %dma_wait3A_171 : memref<1x128xi32, #tpu.memory_space<vmem>> -> memref<128xi32, #tpu.memory_space<vmem>>
        %dma_wait3A_173 = arith.constant 0 : i32
        %dma_wait3A_174 = arith.constant 0 : i32
        %dma_wait3A_175 = tpu.memref_slice %arg2[%dma_wait3A_173, %dma_wait3A_174] : memref<10000x64xf32, #tpu.memory_space<hbm>> -> memref<10000x64xf32, #tpu.memory_space<hbm>>
        tpu.wait_indirect_dma semaphore(%arg21 : memref<!tpu.dma_semaphore, #tpu.memory_space<semaphore_mem>>) src(%dma_wait3A_175 : memref<10000x64xf32, #tpu.memory_space<hbm>>) dst(%arg11 : memref<128x64xf32, #tpu.memory_space<vmem>>)
        "tpu.region"() ({
          %run_scoped3A = tpu.sem_alloc : memref<!tpu.dma_semaphore, #tpu.memory_space<semaphore_mem>>
          %dma_start3A_183 = arith.constant 0 : i32
          %dma_start3A_184 = tpu.memref_slice %arg7[%add3A_136, %dma_start3A_183] : memref<78x128xi32, #tpu.memory_space<vmem>> -> memref<1x128xi32, #tpu.memory_space<vmem>>
          %dma_start3A_185 = tpu.memref_squeeze %dma_start3A_184 : memref<1x128xi32, #tpu.memory_space<vmem>> -> memref<128xi32, #tpu.memory_space<vmem>>
          %dma_start3A_186 = arith.constant 0 : i32
          %dma_start3A_187 = arith.constant 0 : i32
          %dma_start3A_188 = tpu.memref_slice %arg5[%dma_start3A_186, %dma_start3A_187] : memref<10240x64xf32, #tpu.memory_space<vmem_shared>> -> memref<10240x64xf32, #tpu.memory_space<vmem_shared>>
          tpu.enqueue_indirect_dma source(%arg11 : memref<128x64xf32, #tpu.memory_space<vmem>>) target(%dma_start3A_188 : memref<10240x64xf32, #tpu.memory_space<vmem_shared>>) offsets(%dma_start3A_185 : memref<128xi32, #tpu.memory_space<vmem>>) semaphore(%run_scoped3A : memref<!tpu.dma_semaphore, #tpu.memory_space<semaphore_mem>>) {add = true}
          %dma_wait3A_189 = arith.constant 0 : i32
          %dma_wait3A_190 = tpu.memref_slice %arg7[%add3A_136, %dma_wait3A_189] : memref<78x128xi32, #tpu.memory_space<vmem>> -> memref<1x128xi32, #tpu.memory_space<vmem>>
          %dma_wait3A_191 = tpu.memref_squeeze %dma_wait3A_190 : memref<1x128xi32, #tpu.memory_space<vmem>> -> memref<128xi32, #tpu.memory_space<vmem>>
          %dma_wait3A_192 = arith.constant 0 : i32
          %dma_wait3A_193 = arith.constant 0 : i32
          %dma_wait3A_194 = tpu.memref_slice %arg5[%dma_wait3A_192, %dma_wait3A_193] : memref<10240x64xf32, #tpu.memory_space<vmem_shared>> -> memref<10240x64xf32, #tpu.memory_space<vmem_shared>>
          tpu.wait_indirect_dma semaphore(%run_scoped3A : memref<!tpu.dma_semaphore, #tpu.memory_space<semaphore_mem>>) src(%arg11 : memref<128x64xf32, #tpu.memory_space<vmem>>) dst(%dma_wait3A_194 : memref<10240x64xf32, #tpu.memory_space<vmem_shared>>)
          tpu.yield
        }) : () -> ()
        %add3A_176 = arith.constant 8 : i32
        %add3A_177 = arith.addi %add3A_136, %add3A_176 : i32
        %lt3A_178 = arith.constant 78 : i32
        %lt3A_179 = arith.cmpi slt, %add3A_177, %lt3A_178 : i32
        %convert_element_type3A_180 = arith.extui %lt3A_179 : i1 to i32
        %cond3A_181 = arith.constant 0 : i32
        %cond3A_182 = arith.cmpi ne, %convert_element_type3A_180, %cond3A_181 : i32
        scf.if %cond3A_182 {
          %add3A_183 = arith.constant 8 : i32
          %add3A_184 = arith.addi %add3A_136, %add3A_183 : i32
          %dma_start3A_185 = arith.constant 0 : i32
          %dma_start3A_186 = tpu.memref_slice %arg6[%add3A_184, %dma_start3A_185] : memref<78x128xi32, #tpu.memory_space<vmem>> -> memref<1x128xi32, #tpu.memory_space<vmem>>
          %dma_start3A_187 = tpu.memref_squeeze %dma_start3A_186 : memref<1x128xi32, #tpu.memory_space<vmem>> -> memref<128xi32, #tpu.memory_space<vmem>>
          %dma_start3A_188 = arith.constant 0 : i32
          %dma_start3A_189 = arith.constant 0 : i32
          %dma_start3A_190 = tpu.memref_slice %arg2[%dma_start3A_188, %dma_start3A_189] : memref<10000x64xf32, #tpu.memory_space<hbm>> -> memref<10000x64xf32, #tpu.memory_space<hbm>>
          tpu.enqueue_indirect_dma source(%dma_start3A_190 : memref<10000x64xf32, #tpu.memory_space<hbm>>) target(%arg11 : memref<128x64xf32, #tpu.memory_space<vmem>>) offsets(%dma_start3A_187 : memref<128xi32, #tpu.memory_space<vmem>>) semaphore(%arg21 : memref<!tpu.dma_semaphore, #tpu.memory_space<semaphore_mem>>)
        } else {
        }
      } else {
      }
      %add3A_142 = arith.constant 4 : i32
      %add3A_143 = arith.addi %add3A_113, %add3A_142 : i32
      %lt3A_144 = arith.constant 78 : i32
      %lt3A_145 = arith.cmpi slt, %add3A_143, %lt3A_144 : i32
      %convert_element_type3A_146 = arith.extui %lt3A_145 : i1 to i32
      %cond3A_147 = arith.constant 0 : i32
      %cond3A_148 = arith.cmpi ne, %convert_element_type3A_146, %cond3A_147 : i32
      scf.if %cond3A_148 {
        %dma_wait3A_170 = arith.constant 0 : i32
        %dma_wait3A_171 = tpu.memref_slice %arg6[%add3A_143, %dma_wait3A_170] : memref<78x128xi32, #tpu.memory_space<vmem>> -> memref<1x128xi32, #tpu.memory_space<vmem>>
        %dma_wait3A_172 = tpu.memref_squeeze %dma_wait3A_171 : memref<1x128xi32, #tpu.memory_space<vmem>> -> memref<128xi32, #tpu.memory_space<vmem>>
        %dma_wait3A_173 = arith.constant 0 : i32
        %dma_wait3A_174 = arith.constant 0 : i32
        %dma_wait3A_175 = tpu.memref_slice %arg2[%dma_wait3A_173, %dma_wait3A_174] : memref<10000x64xf32, #tpu.memory_space<hbm>> -> memref<10000x64xf32, #tpu.memory_space<hbm>>
        tpu.wait_indirect_dma semaphore(%arg22 : memref<!tpu.dma_semaphore, #tpu.memory_space<semaphore_mem>>) src(%dma_wait3A_175 : memref<10000x64xf32, #tpu.memory_space<hbm>>) dst(%arg12 : memref<128x64xf32, #tpu.memory_space<vmem>>)
        "tpu.region"() ({
          %run_scoped3A = tpu.sem_alloc : memref<!tpu.dma_semaphore, #tpu.memory_space<semaphore_mem>>
          %dma_start3A_183 = arith.constant 0 : i32
          %dma_start3A_184 = tpu.memref_slice %arg7[%add3A_143, %dma_start3A_183] : memref<78x128xi32, #tpu.memory_space<vmem>> -> memref<1x128xi32, #tpu.memory_space<vmem>>
          %dma_start3A_185 = tpu.memref_squeeze %dma_start3A_184 : memref<1x128xi32, #tpu.memory_space<vmem>> -> memref<128xi32, #tpu.memory_space<vmem>>
          %dma_start3A_186 = arith.constant 0 : i32
          %dma_start3A_187 = arith.constant 0 : i32
          %dma_start3A_188 = tpu.memref_slice %arg5[%dma_start3A_186, %dma_start3A_187] : memref<10240x64xf32, #tpu.memory_space<vmem_shared>> -> memref<10240x64xf32, #tpu.memory_space<vmem_shared>>
          tpu.enqueue_indirect_dma source(%arg12 : memref<128x64xf32, #tpu.memory_space<vmem>>) target(%dma_start3A_188 : memref<10240x64xf32, #tpu.memory_space<vmem_shared>>) offsets(%dma_start3A_185 : memref<128xi32, #tpu.memory_space<vmem>>) semaphore(%run_scoped3A : memref<!tpu.dma_semaphore, #tpu.memory_space<semaphore_mem>>) {add = true}
          %dma_wait3A_189 = arith.constant 0 : i32
          %dma_wait3A_190 = tpu.memref_slice %arg7[%add3A_143, %dma_wait3A_189] : memref<78x128xi32, #tpu.memory_space<vmem>> -> memref<1x128xi32, #tpu.memory_space<vmem>>
          %dma_wait3A_191 = tpu.memref_squeeze %dma_wait3A_190 : memref<1x128xi32, #tpu.memory_space<vmem>> -> memref<128xi32, #tpu.memory_space<vmem>>
          %dma_wait3A_192 = arith.constant 0 : i32
          %dma_wait3A_193 = arith.constant 0 : i32
          %dma_wait3A_194 = tpu.memref_slice %arg5[%dma_wait3A_192, %dma_wait3A_193] : memref<10240x64xf32, #tpu.memory_space<vmem_shared>> -> memref<10240x64xf32, #tpu.memory_space<vmem_shared>>
          tpu.wait_indirect_dma semaphore(%run_scoped3A : memref<!tpu.dma_semaphore, #tpu.memory_space<semaphore_mem>>) src(%arg12 : memref<128x64xf32, #tpu.memory_space<vmem>>) dst(%dma_wait3A_194 : memref<10240x64xf32, #tpu.memory_space<vmem_shared>>)
          tpu.yield
        }) : () -> ()
        %add3A_176 = arith.constant 8 : i32
        %add3A_177 = arith.addi %add3A_143, %add3A_176 : i32
        %lt3A_178 = arith.constant 78 : i32
        %lt3A_179 = arith.cmpi slt, %add3A_177, %lt3A_178 : i32
        %convert_element_type3A_180 = arith.extui %lt3A_179 : i1 to i32
        %cond3A_181 = arith.constant 0 : i32
        %cond3A_182 = arith.cmpi ne, %convert_element_type3A_180, %cond3A_181 : i32
        scf.if %cond3A_182 {
          %add3A_183 = arith.constant 8 : i32
          %add3A_184 = arith.addi %add3A_143, %add3A_183 : i32
          %dma_start3A_185 = arith.constant 0 : i32
          %dma_start3A_186 = tpu.memref_slice %arg6[%add3A_184, %dma_start3A_185] : memref<78x128xi32, #tpu.memory_space<vmem>> -> memref<1x128xi32, #tpu.memory_space<vmem>>
          %dma_start3A_187 = tpu.memref_squeeze %dma_start3A_186 : memref<1x128xi32, #tpu.memory_space<vmem>> -> memref<128xi32, #tpu.memory_space<vmem>>
          %dma_start3A_188 = arith.constant 0 : i32
          %dma_start3A_189 = arith.constant 0 : i32
          %dma_start3A_190 = tpu.memref_slice %arg2[%dma_start3A_188, %dma_start3A_189] : memref<10000x64xf32, #tpu.memory_space<hbm>> -> memref<10000x64xf32, #tpu.memory_space<hbm>>
          tpu.enqueue_indirect_dma source(%dma_start3A_190 : memref<10000x64xf32, #tpu.memory_space<hbm>>) target(%arg12 : memref<128x64xf32, #tpu.memory_space<vmem>>) offsets(%dma_start3A_187 : memref<128xi32, #tpu.memory_space<vmem>>) semaphore(%arg22 : memref<!tpu.dma_semaphore, #tpu.memory_space<semaphore_mem>>)
        } else {
        }
      } else {
      }
      %add3A_149 = arith.constant 5 : i32
      %add3A_150 = arith.addi %add3A_113, %add3A_149 : i32
      %lt3A_151 = arith.constant 78 : i32
      %lt3A_152 = arith.cmpi slt, %add3A_150, %lt3A_151 : i32
      %convert_element_type3A_153 = arith.extui %lt3A_152 : i1 to i32
      %cond3A_154 = arith.constant 0 : i32
      %cond3A_155 = arith.cmpi ne, %convert_element_type3A_153, %cond3A_154 : i32
      scf.if %cond3A_155 {
        %dma_wait3A_170 = arith.constant 0 : i32
        %dma_wait3A_171 = tpu.memref_slice %arg6[%add3A_150, %dma_wait3A_170] : memref<78x128xi32, #tpu.memory_space<vmem>> -> memref<1x128xi32, #tpu.memory_space<vmem>>
        %dma_wait3A_172 = tpu.memref_squeeze %dma_wait3A_171 : memref<1x128xi32, #tpu.memory_space<vmem>> -> memref<128xi32, #tpu.memory_space<vmem>>
        %dma_wait3A_173 = arith.constant 0 : i32
        %dma_wait3A_174 = arith.constant 0 : i32
        %dma_wait3A_175 = tpu.memref_slice %arg2[%dma_wait3A_173, %dma_wait3A_174] : memref<10000x64xf32, #tpu.memory_space<hbm>> -> memref<10000x64xf32, #tpu.memory_space<hbm>>
        tpu.wait_indirect_dma semaphore(%arg23 : memref<!tpu.dma_semaphore, #tpu.memory_space<semaphore_mem>>) src(%dma_wait3A_175 : memref<10000x64xf32, #tpu.memory_space<hbm>>) dst(%arg13 : memref<128x64xf32, #tpu.memory_space<vmem>>)
        "tpu.region"() ({
          %run_scoped3A = tpu.sem_alloc : memref<!tpu.dma_semaphore, #tpu.memory_space<semaphore_mem>>
          %dma_start3A_183 = arith.constant 0 : i32
          %dma_start3A_184 = tpu.memref_slice %arg7[%add3A_150, %dma_start3A_183] : memref<78x128xi32, #tpu.memory_space<vmem>> -> memref<1x128xi32, #tpu.memory_space<vmem>>
          %dma_start3A_185 = tpu.memref_squeeze %dma_start3A_184 : memref<1x128xi32, #tpu.memory_space<vmem>> -> memref<128xi32, #tpu.memory_space<vmem>>
          %dma_start3A_186 = arith.constant 0 : i32
          %dma_start3A_187 = arith.constant 0 : i32
          %dma_start3A_188 = tpu.memref_slice %arg5[%dma_start3A_186, %dma_start3A_187] : memref<10240x64xf32, #tpu.memory_space<vmem_shared>> -> memref<10240x64xf32, #tpu.memory_space<vmem_shared>>
          tpu.enqueue_indirect_dma source(%arg13 : memref<128x64xf32, #tpu.memory_space<vmem>>) target(%dma_start3A_188 : memref<10240x64xf32, #tpu.memory_space<vmem_shared>>) offsets(%dma_start3A_185 : memref<128xi32, #tpu.memory_space<vmem>>) semaphore(%run_scoped3A : memref<!tpu.dma_semaphore, #tpu.memory_space<semaphore_mem>>) {add = true}
          %dma_wait3A_189 = arith.constant 0 : i32
          %dma_wait3A_190 = tpu.memref_slice %arg7[%add3A_150, %dma_wait3A_189] : memref<78x128xi32, #tpu.memory_space<vmem>> -> memref<1x128xi32, #tpu.memory_space<vmem>>
          %dma_wait3A_191 = tpu.memref_squeeze %dma_wait3A_190 : memref<1x128xi32, #tpu.memory_space<vmem>> -> memref<128xi32, #tpu.memory_space<vmem>>
          %dma_wait3A_192 = arith.constant 0 : i32
          %dma_wait3A_193 = arith.constant 0 : i32
          %dma_wait3A_194 = tpu.memref_slice %arg5[%dma_wait3A_192, %dma_wait3A_193] : memref<10240x64xf32, #tpu.memory_space<vmem_shared>> -> memref<10240x64xf32, #tpu.memory_space<vmem_shared>>
          tpu.wait_indirect_dma semaphore(%run_scoped3A : memref<!tpu.dma_semaphore, #tpu.memory_space<semaphore_mem>>) src(%arg13 : memref<128x64xf32, #tpu.memory_space<vmem>>) dst(%dma_wait3A_194 : memref<10240x64xf32, #tpu.memory_space<vmem_shared>>)
          tpu.yield
        }) : () -> ()
        %add3A_176 = arith.constant 8 : i32
        %add3A_177 = arith.addi %add3A_150, %add3A_176 : i32
        %lt3A_178 = arith.constant 78 : i32
        %lt3A_179 = arith.cmpi slt, %add3A_177, %lt3A_178 : i32
        %convert_element_type3A_180 = arith.extui %lt3A_179 : i1 to i32
        %cond3A_181 = arith.constant 0 : i32
        %cond3A_182 = arith.cmpi ne, %convert_element_type3A_180, %cond3A_181 : i32
        scf.if %cond3A_182 {
          %add3A_183 = arith.constant 8 : i32
          %add3A_184 = arith.addi %add3A_150, %add3A_183 : i32
          %dma_start3A_185 = arith.constant 0 : i32
          %dma_start3A_186 = tpu.memref_slice %arg6[%add3A_184, %dma_start3A_185] : memref<78x128xi32, #tpu.memory_space<vmem>> -> memref<1x128xi32, #tpu.memory_space<vmem>>
          %dma_start3A_187 = tpu.memref_squeeze %dma_start3A_186 : memref<1x128xi32, #tpu.memory_space<vmem>> -> memref<128xi32, #tpu.memory_space<vmem>>
          %dma_start3A_188 = arith.constant 0 : i32
          %dma_start3A_189 = arith.constant 0 : i32
          %dma_start3A_190 = tpu.memref_slice %arg2[%dma_start3A_188, %dma_start3A_189] : memref<10000x64xf32, #tpu.memory_space<hbm>> -> memref<10000x64xf32, #tpu.memory_space<hbm>>
          tpu.enqueue_indirect_dma source(%dma_start3A_190 : memref<10000x64xf32, #tpu.memory_space<hbm>>) target(%arg13 : memref<128x64xf32, #tpu.memory_space<vmem>>) offsets(%dma_start3A_187 : memref<128xi32, #tpu.memory_space<vmem>>) semaphore(%arg23 : memref<!tpu.dma_semaphore, #tpu.memory_space<semaphore_mem>>)
        } else {
        }
      } else {
      }
      %add3A_156 = arith.constant 6 : i32
      %add3A_157 = arith.addi %add3A_113, %add3A_156 : i32
      %lt3A_158 = arith.constant 78 : i32
      %lt3A_159 = arith.cmpi slt, %add3A_157, %lt3A_158 : i32
      %convert_element_type3A_160 = arith.extui %lt3A_159 : i1 to i32
      %cond3A_161 = arith.constant 0 : i32
      %cond3A_162 = arith.cmpi ne, %convert_element_type3A_160, %cond3A_161 : i32
      scf.if %cond3A_162 {
        %dma_wait3A_170 = arith.constant 0 : i32
        %dma_wait3A_171 = tpu.memref_slice %arg6[%add3A_157, %dma_wait3A_170] : memref<78x128xi32, #tpu.memory_space<vmem>> -> memref<1x128xi32, #tpu.memory_space<vmem>>
        %dma_wait3A_172 = tpu.memref_squeeze %dma_wait3A_171 : memref<1x128xi32, #tpu.memory_space<vmem>> -> memref<128xi32, #tpu.memory_space<vmem>>
        %dma_wait3A_173 = arith.constant 0 : i32
        %dma_wait3A_174 = arith.constant 0 : i32
        %dma_wait3A_175 = tpu.memref_slice %arg2[%dma_wait3A_173, %dma_wait3A_174] : memref<10000x64xf32, #tpu.memory_space<hbm>> -> memref<10000x64xf32, #tpu.memory_space<hbm>>
        tpu.wait_indirect_dma semaphore(%arg24 : memref<!tpu.dma_semaphore, #tpu.memory_space<semaphore_mem>>) src(%dma_wait3A_175 : memref<10000x64xf32, #tpu.memory_space<hbm>>) dst(%arg14 : memref<128x64xf32, #tpu.memory_space<vmem>>)
        "tpu.region"() ({
          %run_scoped3A = tpu.sem_alloc : memref<!tpu.dma_semaphore, #tpu.memory_space<semaphore_mem>>
          %dma_start3A_183 = arith.constant 0 : i32
          %dma_start3A_184 = tpu.memref_slice %arg7[%add3A_157, %dma_start3A_183] : memref<78x128xi32, #tpu.memory_space<vmem>> -> memref<1x128xi32, #tpu.memory_space<vmem>>
          %dma_start3A_185 = tpu.memref_squeeze %dma_start3A_184 : memref<1x128xi32, #tpu.memory_space<vmem>> -> memref<128xi32, #tpu.memory_space<vmem>>
          %dma_start3A_186 = arith.constant 0 : i32
          %dma_start3A_187 = arith.constant 0 : i32
          %dma_start3A_188 = tpu.memref_slice %arg5[%dma_start3A_186, %dma_start3A_187] : memref<10240x64xf32, #tpu.memory_space<vmem_shared>> -> memref<10240x64xf32, #tpu.memory_space<vmem_shared>>
          tpu.enqueue_indirect_dma source(%arg14 : memref<128x64xf32, #tpu.memory_space<vmem>>) target(%dma_start3A_188 : memref<10240x64xf32, #tpu.memory_space<vmem_shared>>) offsets(%dma_start3A_185 : memref<128xi32, #tpu.memory_space<vmem>>) semaphore(%run_scoped3A : memref<!tpu.dma_semaphore, #tpu.memory_space<semaphore_mem>>) {add = true}
          %dma_wait3A_189 = arith.constant 0 : i32
          %dma_wait3A_190 = tpu.memref_slice %arg7[%add3A_157, %dma_wait3A_189] : memref<78x128xi32, #tpu.memory_space<vmem>> -> memref<1x128xi32, #tpu.memory_space<vmem>>
          %dma_wait3A_191 = tpu.memref_squeeze %dma_wait3A_190 : memref<1x128xi32, #tpu.memory_space<vmem>> -> memref<128xi32, #tpu.memory_space<vmem>>
          %dma_wait3A_192 = arith.constant 0 : i32
          %dma_wait3A_193 = arith.constant 0 : i32
          %dma_wait3A_194 = tpu.memref_slice %arg5[%dma_wait3A_192, %dma_wait3A_193] : memref<10240x64xf32, #tpu.memory_space<vmem_shared>> -> memref<10240x64xf32, #tpu.memory_space<vmem_shared>>
          tpu.wait_indirect_dma semaphore(%run_scoped3A : memref<!tpu.dma_semaphore, #tpu.memory_space<semaphore_mem>>) src(%arg14 : memref<128x64xf32, #tpu.memory_space<vmem>>) dst(%dma_wait3A_194 : memref<10240x64xf32, #tpu.memory_space<vmem_shared>>)
          tpu.yield
        }) : () -> ()
        %add3A_176 = arith.constant 8 : i32
        %add3A_177 = arith.addi %add3A_157, %add3A_176 : i32
        %lt3A_178 = arith.constant 78 : i32
        %lt3A_179 = arith.cmpi slt, %add3A_177, %lt3A_178 : i32
        %convert_element_type3A_180 = arith.extui %lt3A_179 : i1 to i32
        %cond3A_181 = arith.constant 0 : i32
        %cond3A_182 = arith.cmpi ne, %convert_element_type3A_180, %cond3A_181 : i32
        scf.if %cond3A_182 {
          %add3A_183 = arith.constant 8 : i32
          %add3A_184 = arith.addi %add3A_157, %add3A_183 : i32
          %dma_start3A_185 = arith.constant 0 : i32
          %dma_start3A_186 = tpu.memref_slice %arg6[%add3A_184, %dma_start3A_185] : memref<78x128xi32, #tpu.memory_space<vmem>> -> memref<1x128xi32, #tpu.memory_space<vmem>>
          %dma_start3A_187 = tpu.memref_squeeze %dma_start3A_186 : memref<1x128xi32, #tpu.memory_space<vmem>> -> memref<128xi32, #tpu.memory_space<vmem>>
          %dma_start3A_188 = arith.constant 0 : i32
          %dma_start3A_189 = arith.constant 0 : i32
          %dma_start3A_190 = tpu.memref_slice %arg2[%dma_start3A_188, %dma_start3A_189] : memref<10000x64xf32, #tpu.memory_space<hbm>> -> memref<10000x64xf32, #tpu.memory_space<hbm>>
          tpu.enqueue_indirect_dma source(%dma_start3A_190 : memref<10000x64xf32, #tpu.memory_space<hbm>>) target(%arg14 : memref<128x64xf32, #tpu.memory_space<vmem>>) offsets(%dma_start3A_187 : memref<128xi32, #tpu.memory_space<vmem>>) semaphore(%arg24 : memref<!tpu.dma_semaphore, #tpu.memory_space<semaphore_mem>>)
        } else {
        }
      } else {
      }
      %add3A_163 = arith.constant 7 : i32
      %add3A_164 = arith.addi %add3A_113, %add3A_163 : i32
      %lt3A_165 = arith.constant 78 : i32
      %lt3A_166 = arith.cmpi slt, %add3A_164, %lt3A_165 : i32
      %convert_element_type3A_167 = arith.extui %lt3A_166 : i1 to i32
      %cond3A_168 = arith.constant 0 : i32
      %cond3A_169 = arith.cmpi ne, %convert_element_type3A_167, %cond3A_168 : i32
      scf.if %cond3A_169 {
        %dma_wait3A_170 = arith.constant 0 : i32
        %dma_wait3A_171 = tpu.memref_slice %arg6[%add3A_164, %dma_wait3A_170] : memref<78x128xi32, #tpu.memory_space<vmem>> -> memref<1x128xi32, #tpu.memory_space<vmem>>
        %dma_wait3A_172 = tpu.memref_squeeze %dma_wait3A_171 : memref<1x128xi32, #tpu.memory_space<vmem>> -> memref<128xi32, #tpu.memory_space<vmem>>
        %dma_wait3A_173 = arith.constant 0 : i32
        %dma_wait3A_174 = arith.constant 0 : i32
        %dma_wait3A_175 = tpu.memref_slice %arg2[%dma_wait3A_173, %dma_wait3A_174] : memref<10000x64xf32, #tpu.memory_space<hbm>> -> memref<10000x64xf32, #tpu.memory_space<hbm>>
        tpu.wait_indirect_dma semaphore(%arg25 : memref<!tpu.dma_semaphore, #tpu.memory_space<semaphore_mem>>) src(%dma_wait3A_175 : memref<10000x64xf32, #tpu.memory_space<hbm>>) dst(%arg15 : memref<128x64xf32, #tpu.memory_space<vmem>>)
        "tpu.region"() ({
          %run_scoped3A = tpu.sem_alloc : memref<!tpu.dma_semaphore, #tpu.memory_space<semaphore_mem>>
          %dma_start3A_183 = arith.constant 0 : i32
          %dma_start3A_184 = tpu.memref_slice %arg7[%add3A_164, %dma_start3A_183] : memref<78x128xi32, #tpu.memory_space<vmem>> -> memref<1x128xi32, #tpu.memory_space<vmem>>
          %dma_start3A_185 = tpu.memref_squeeze %dma_start3A_184 : memref<1x128xi32, #tpu.memory_space<vmem>> -> memref<128xi32, #tpu.memory_space<vmem>>
          %dma_start3A_186 = arith.constant 0 : i32
          %dma_start3A_187 = arith.constant 0 : i32
          %dma_start3A_188 = tpu.memref_slice %arg5[%dma_start3A_186, %dma_start3A_187] : memref<10240x64xf32, #tpu.memory_space<vmem_shared>> -> memref<10240x64xf32, #tpu.memory_space<vmem_shared>>
          tpu.enqueue_indirect_dma source(%arg15 : memref<128x64xf32, #tpu.memory_space<vmem>>) target(%dma_start3A_188 : memref<10240x64xf32, #tpu.memory_space<vmem_shared>>) offsets(%dma_start3A_185 : memref<128xi32, #tpu.memory_space<vmem>>) semaphore(%run_scoped3A : memref<!tpu.dma_semaphore, #tpu.memory_space<semaphore_mem>>) {add = true}
          %dma_wait3A_189 = arith.constant 0 : i32
          %dma_wait3A_190 = tpu.memref_slice %arg7[%add3A_164, %dma_wait3A_189] : memref<78x128xi32, #tpu.memory_space<vmem>> -> memref<1x128xi32, #tpu.memory_space<vmem>>
          %dma_wait3A_191 = tpu.memref_squeeze %dma_wait3A_190 : memref<1x128xi32, #tpu.memory_space<vmem>> -> memref<128xi32, #tpu.memory_space<vmem>>
          %dma_wait3A_192 = arith.constant 0 : i32
          %dma_wait3A_193 = arith.constant 0 : i32
          %dma_wait3A_194 = tpu.memref_slice %arg5[%dma_wait3A_192, %dma_wait3A_193] : memref<10240x64xf32, #tpu.memory_space<vmem_shared>> -> memref<10240x64xf32, #tpu.memory_space<vmem_shared>>
          tpu.wait_indirect_dma semaphore(%run_scoped3A : memref<!tpu.dma_semaphore, #tpu.memory_space<semaphore_mem>>) src(%arg15 : memref<128x64xf32, #tpu.memory_space<vmem>>) dst(%dma_wait3A_194 : memref<10240x64xf32, #tpu.memory_space<vmem_shared>>)
          tpu.yield
        }) : () -> ()
        %add3A_176 = arith.constant 8 : i32
        %add3A_177 = arith.addi %add3A_164, %add3A_176 : i32
        %lt3A_178 = arith.constant 78 : i32
        %lt3A_179 = arith.cmpi slt, %add3A_177, %lt3A_178 : i32
        %convert_element_type3A_180 = arith.extui %lt3A_179 : i1 to i32
        %cond3A_181 = arith.constant 0 : i32
        %cond3A_182 = arith.cmpi ne, %convert_element_type3A_180, %cond3A_181 : i32
        scf.if %cond3A_182 {
          %add3A_183 = arith.constant 8 : i32
          %add3A_184 = arith.addi %add3A_164, %add3A_183 : i32
          %dma_start3A_185 = arith.constant 0 : i32
          %dma_start3A_186 = tpu.memref_slice %arg6[%add3A_184, %dma_start3A_185] : memref<78x128xi32, #tpu.memory_space<vmem>> -> memref<1x128xi32, #tpu.memory_space<vmem>>
          %dma_start3A_187 = tpu.memref_squeeze %dma_start3A_186 : memref<1x128xi32, #tpu.memory_space<vmem>> -> memref<128xi32, #tpu.memory_space<vmem>>
          %dma_start3A_188 = arith.constant 0 : i32
          %dma_start3A_189 = arith.constant 0 : i32
          %dma_start3A_190 = tpu.memref_slice %arg2[%dma_start3A_188, %dma_start3A_189] : memref<10000x64xf32, #tpu.memory_space<hbm>> -> memref<10000x64xf32, #tpu.memory_space<hbm>>
          tpu.enqueue_indirect_dma source(%dma_start3A_190 : memref<10000x64xf32, #tpu.memory_space<hbm>>) target(%arg15 : memref<128x64xf32, #tpu.memory_space<vmem>>) offsets(%dma_start3A_187 : memref<128xi32, #tpu.memory_space<vmem>>) semaphore(%arg25 : memref<!tpu.dma_semaphore, #tpu.memory_space<semaphore_mem>>)
        } else {
        }
      } else {
      }
    }
    %scan3A_105 = arith.constant 10 : i32
    %lt3A = arith.constant 4 : i32
    %lt3A_106 = arith.cmpi slt, %add3A, %lt3A : i32
    %convert_element_type3A = arith.extui %lt3A_106 : i1 to i32
    %cond3A = arith.constant 0 : i32
    %cond3A_107 = arith.cmpi ne, %convert_element_type3A, %cond3A : i32
    scf.if %cond3A_107 {
      %add3A_109 = arith.constant 2496 : i32
      %add3A_110 = arith.addi %add3A_109, %add3A : i32
      %run_scoped3A = arith.constant 0 : i32
      "tpu.region"() ({
        %run_scoped3A_118 = tpu.sem_alloc : memref<!tpu.dma_semaphore, #tpu.memory_space<semaphore_mem>>
        %dma_start3A_119 = arith.constant 0 : i32
        %dma_start3A_120 = tpu.memref_slice %arg3[%run_scoped3A, %add3A_110, %dma_start3A_119] : memref<2x2500x128xi32, #tpu.memory_space<hbm>> -> memref<1x1x128xi32, #tpu.memory_space<hbm>>
        %dma_start3A_121 = tpu.memref_squeeze %dma_start3A_120 : memref<1x1x128xi32, #tpu.memory_space<hbm>> -> memref<128xi32, #tpu.memory_space<hbm>>
        %dma_start3A_122 = arith.constant 0 : i32
        %dma_start3A_123 = tpu.memref_slice %arg3[%run_scoped3A, %add3A_110, %dma_start3A_122] : memref<2x2500x128xi32, #tpu.memory_space<hbm>> -> memref<1x1x128xi32, #tpu.memory_space<hbm>>
        %dma_start3A_124 = tpu.memref_squeeze %dma_start3A_123 : memref<1x1x128xi32, #tpu.memory_space<hbm>> -> memref<128xi32, #tpu.memory_space<hbm>>
        tpu.enqueue_dma source(%dma_start3A_124 : memref<128xi32, #tpu.memory_space<hbm>>) target(%arg16 : memref<128xi32, #tpu.memory_space<vmem>>) target_semaphore(%run_scoped3A_118 : memref<!tpu.dma_semaphore, #tpu.memory_space<semaphore_mem>>)
        %dma_wait3A_125 = arith.constant 0 : i32
        %dma_wait3A_126 = tpu.memref_slice %arg3[%run_scoped3A, %add3A_110, %dma_wait3A_125] : memref<2x2500x128xi32, #tpu.memory_space<hbm>> -> memref<1x1x128xi32, #tpu.memory_space<hbm>>
        %dma_wait3A_127 = tpu.memref_squeeze %dma_wait3A_126 : memref<1x1x128xi32, #tpu.memory_space<hbm>> -> memref<128xi32, #tpu.memory_space<hbm>>
        %dma_wait3A_128 = arith.constant 0 : i32
        %dma_wait3A_129 = tpu.memref_slice %arg3[%run_scoped3A, %add3A_110, %dma_wait3A_128] : memref<2x2500x128xi32, #tpu.memory_space<hbm>> -> memref<1x1x128xi32, #tpu.memory_space<hbm>>
        %dma_wait3A_130 = tpu.memref_squeeze %dma_wait3A_129 : memref<1x1x128xi32, #tpu.memory_space<hbm>> -> memref<128xi32, #tpu.memory_space<hbm>>
        tpu.wait_dma2 semaphore(%run_scoped3A_118 : memref<!tpu.dma_semaphore, #tpu.memory_space<semaphore_mem>>) src(%dma_wait3A_130 : memref<128xi32, #tpu.memory_space<hbm>>) dst(%arg16 : memref<128xi32, #tpu.memory_space<vmem>>)
        tpu.yield
      }) : () -> ()
      %run_scoped3A_111 = arith.constant 1 : i32
      "tpu.region"() ({
        %run_scoped3A_118 = tpu.sem_alloc : memref<!tpu.dma_semaphore, #tpu.memory_space<semaphore_mem>>
        %dma_start3A_119 = arith.constant 0 : i32
        %dma_start3A_120 = tpu.memref_slice %arg3[%run_scoped3A_111, %add3A_110, %dma_start3A_119] : memref<2x2500x128xi32, #tpu.memory_space<hbm>> -> memref<1x1x128xi32, #tpu.memory_space<hbm>>
        %dma_start3A_121 = tpu.memref_squeeze %dma_start3A_120 : memref<1x1x128xi32, #tpu.memory_space<hbm>> -> memref<128xi32, #tpu.memory_space<hbm>>
        %dma_start3A_122 = arith.constant 0 : i32
        %dma_start3A_123 = tpu.memref_slice %arg3[%run_scoped3A_111, %add3A_110, %dma_start3A_122] : memref<2x2500x128xi32, #tpu.memory_space<hbm>> -> memref<1x1x128xi32, #tpu.memory_space<hbm>>
        %dma_start3A_124 = tpu.memref_squeeze %dma_start3A_123 : memref<1x1x128xi32, #tpu.memory_space<hbm>> -> memref<128xi32, #tpu.memory_space<hbm>>
        tpu.enqueue_dma source(%dma_start3A_124 : memref<128xi32, #tpu.memory_space<hbm>>) target(%arg17 : memref<128xi32, #tpu.memory_space<vmem>>) target_semaphore(%run_scoped3A_118 : memref<!tpu.dma_semaphore, #tpu.memory_space<semaphore_mem>>)
        %dma_wait3A_125 = arith.constant 0 : i32
        %dma_wait3A_126 = tpu.memref_slice %arg3[%run_scoped3A_111, %add3A_110, %dma_wait3A_125] : memref<2x2500x128xi32, #tpu.memory_space<hbm>> -> memref<1x1x128xi32, #tpu.memory_space<hbm>>
        %dma_wait3A_127 = tpu.memref_squeeze %dma_wait3A_126 : memref<1x1x128xi32, #tpu.memory_space<hbm>> -> memref<128xi32, #tpu.memory_space<hbm>>
        %dma_wait3A_128 = arith.constant 0 : i32
        %dma_wait3A_129 = tpu.memref_slice %arg3[%run_scoped3A_111, %add3A_110, %dma_wait3A_128] : memref<2x2500x128xi32, #tpu.memory_space<hbm>> -> memref<1x1x128xi32, #tpu.memory_space<hbm>>
        %dma_wait3A_130 = tpu.memref_squeeze %dma_wait3A_129 : memref<1x1x128xi32, #tpu.memory_space<hbm>> -> memref<128xi32, #tpu.memory_space<hbm>>
        tpu.wait_dma2 semaphore(%run_scoped3A_118 : memref<!tpu.dma_semaphore, #tpu.memory_space<semaphore_mem>>) src(%dma_wait3A_130 : memref<128xi32, #tpu.memory_space<hbm>>) dst(%arg17 : memref<128xi32, #tpu.memory_space<vmem>>)
        tpu.yield
      }) : () -> ()
      %dma_start3A_112 = arith.constant 0 : i32
      %dma_start3A_113 = arith.constant 0 : i32
      %dma_start3A_114 = tpu.memref_slice %arg2[%dma_start3A_112, %dma_start3A_113] : memref<10000x64xf32, #tpu.memory_space<hbm>> -> memref<10000x64xf32, #tpu.memory_space<hbm>>
      tpu.enqueue_indirect_dma source(%dma_start3A_114 : memref<10000x64xf32, #tpu.memory_space<hbm>>) target(%arg8 : memref<128x64xf32, #tpu.memory_space<vmem>>) offsets(%arg16 : memref<128xi32, #tpu.memory_space<vmem>>) semaphore(%arg18 : memref<!tpu.dma_semaphore, #tpu.memory_space<semaphore_mem>>)
      %dma_wait3A_115 = arith.constant 0 : i32
      %dma_wait3A_116 = arith.constant 0 : i32
      %dma_wait3A_117 = tpu.memref_slice %arg2[%dma_wait3A_115, %dma_wait3A_116] : memref<10000x64xf32, #tpu.memory_space<hbm>> -> memref<10000x64xf32, #tpu.memory_space<hbm>>
      tpu.wait_indirect_dma semaphore(%arg18 : memref<!tpu.dma_semaphore, #tpu.memory_space<semaphore_mem>>) src(%dma_wait3A_117 : memref<10000x64xf32, #tpu.memory_space<hbm>>) dst(%arg8 : memref<128x64xf32, #tpu.memory_space<vmem>>)
      "tpu.region"() ({
        %run_scoped3A_118 = tpu.sem_alloc : memref<!tpu.dma_semaphore, #tpu.memory_space<semaphore_mem>>
        %dma_start3A_119 = arith.constant 0 : i32
        %dma_start3A_120 = arith.constant 0 : i32
        %dma_start3A_121 = tpu.memref_slice %arg5[%dma_start3A_119, %dma_start3A_120] : memref<10240x64xf32, #tpu.memory_space<vmem_shared>> -> memref<10240x64xf32, #tpu.memory_space<vmem_shared>>
        tpu.enqueue_indirect_dma source(%arg8 : memref<128x64xf32, #tpu.memory_space<vmem>>) target(%dma_start3A_121 : memref<10240x64xf32, #tpu.memory_space<vmem_shared>>) offsets(%arg17 : memref<128xi32, #tpu.memory_space<vmem>>) semaphore(%run_scoped3A_118 : memref<!tpu.dma_semaphore, #tpu.memory_space<semaphore_mem>>) {add = true}
        %dma_wait3A_122 = arith.constant 0 : i32
        %dma_wait3A_123 = arith.constant 0 : i32
        %dma_wait3A_124 = tpu.memref_slice %arg5[%dma_wait3A_122, %dma_wait3A_123] : memref<10240x64xf32, #tpu.memory_space<vmem_shared>> -> memref<10240x64xf32, #tpu.memory_space<vmem_shared>>
        tpu.wait_indirect_dma semaphore(%run_scoped3A_118 : memref<!tpu.dma_semaphore, #tpu.memory_space<semaphore_mem>>) src(%arg8 : memref<128x64xf32, #tpu.memory_space<vmem>>) dst(%dma_wait3A_124 : memref<10240x64xf32, #tpu.memory_space<vmem_shared>>)
        tpu.yield
      }) : () -> ()
    } else {
    }
    %barrier3A_108 = arith.constant 0 : index
    tpu.barrier barrier_id(%barrier3A_108)
    "tpu.region"() ({
      %run_scoped3A = tpu.sem_alloc : memref<!tpu.dma_semaphore, #tpu.memory_space<semaphore_mem>>
      %dma_start3A_109 = arith.constant 0 : i32
      %dma_start3A_110 = tpu.memref_slice %arg4[%arg0, %mul3A_2, %dma_start3A_109] : memref<2x10240x64xf32, #tpu.memory_space<hbm>> -> memref<1x640x64xf32, #tpu.memory_space<hbm>>
      %dma_start3A_111 = tpu.memref_squeeze %dma_start3A_110 : memref<1x640x64xf32, #tpu.memory_space<hbm>> -> memref<640x64xf32, #tpu.memory_space<hbm>>
      %dma_start3A_112 = arith.constant 0 : i32
      %dma_start3A_113 = tpu.memref_slice %arg5[%mul3A_2, %dma_start3A_112] : memref<10240x64xf32, #tpu.memory_space<vmem_shared>> -> memref<640x64xf32, #tpu.memory_space<vmem_shared>>
      tpu.enqueue_dma source(%dma_start3A_113 : memref<640x64xf32, #tpu.memory_space<vmem_shared>>) target(%dma_start3A_111 : memref<640x64xf32, #tpu.memory_space<hbm>>) target_semaphore(%run_scoped3A : memref<!tpu.dma_semaphore, #tpu.memory_space<semaphore_mem>>)
      %dma_wait3A_114 = arith.constant 0 : i32
      %dma_wait3A_115 = tpu.memref_slice %arg4[%arg0, %mul3A_2, %dma_wait3A_114] : memref<2x10240x64xf32, #tpu.memory_space<hbm>> -> memref<1x640x64xf32, #tpu.memory_space<hbm>>
      %dma_wait3A_116 = tpu.memref_squeeze %dma_wait3A_115 : memref<1x640x64xf32, #tpu.memory_space<hbm>> -> memref<640x64xf32, #tpu.memory_space<hbm>>
      %dma_wait3A_117 = arith.constant 0 : i32
      %dma_wait3A_118 = tpu.memref_slice %arg5[%mul3A_2, %dma_wait3A_117] : memref<10240x64xf32, #tpu.memory_space<vmem_shared>> -> memref<640x64xf32, #tpu.memory_space<vmem_shared>>
      tpu.wait_dma2 semaphore(%run_scoped3A : memref<!tpu.dma_semaphore, #tpu.memory_space<semaphore_mem>>) src(%dma_wait3A_118 : memref<640x64xf32, #tpu.memory_space<vmem_shared>>) dst(%dma_wait3A_116 : memref<640x64xf32, #tpu.memory_space<hbm>>)
      tpu.yield
    }) : () -> ()
    return
  }
}

module attributes {stable_mosaic.version = 14 : i64} {
  func.func @_mm_body(%arg0: memref<10000x128xf32, #tpu.memory_space<vmem>>, %arg1: memref<128x64xf32, #tpu.memory_space<vmem>>, %arg2: memref<10000x64xf32, #tpu.memory_space<vmem>>) attributes {dimension_semantics = [], scalar_prefetch = 0 : i64, scratch_operands = 0 : i64, tpu.core_type = #tpu.core_type<tc>} {
    %get3A = arith.constant 0 : index
    %get3A_0 = arith.constant 0 : index
    %get3A_1 = vector.load %arg0[%get3A, %get3A_0] : memref<10000x128xf32, #tpu.memory_space<vmem>>, vector<10000x128xf32>
    %get3A_2 = arith.constant 0 : index
    %get3A_3 = arith.constant 0 : index
    %get3A_4 = vector.load %arg1[%get3A_2, %get3A_3] : memref<128x64xf32, #tpu.memory_space<vmem>>, vector<128x64xf32>
    %dot_general3A = arith.constant dense<0.000000e+00> : vector<10000x64xf32>
    %dot_general3A_5 = tpu.matmul %get3A_1, %get3A_4, %dot_general3A {dimension_numbers = #tpu.dot_dimension_numbers<[1], [0], [0], [1], [0, 0, 1, 1], [], []>, transpose_lhs_hint = false} : vector<10000x128xf32>, vector<128x64xf32>, vector<10000x64xf32> -> vector<10000x64xf32>
    %swap3A = arith.constant 0 : index
    %swap3A_6 = arith.constant 0 : index
    %swap3A_7 = vector.load %arg2[%swap3A, %swap3A_6] : memref<10000x64xf32, #tpu.memory_space<vmem>>, vector<10000x64xf32>
    tpu.vector_store %arg2[%swap3A, %swap3A_6], %dot_general3A_5 {strides = array<i32>} : memref<10000x64xf32, #tpu.memory_space<vmem>>, vector<10000x64xf32>,
    return
  }
}

module attributes {stable_mosaic.version = 14 : i64} {
  func.func @_scale_body(%arg0: memref<10000x64xf32, #tpu.memory_space<vmem>>, %arg1: memref<32x10000xf32, #tpu.memory_space<vmem>>, %arg2: memref<10000x64xf32, #tpu.memory_space<vmem>>, %arg3: memref<10000x1xf32, #tpu.memory_space<vmem>>) attributes {dimension_semantics = [], scalar_prefetch = 0 : i64, scratch_operands = 0 : i64, tpu.core_type = #tpu.core_type<tc>} {
    %get3A = arith.constant 0 : index
    %get3A_0 = arith.constant 0 : index
    %get3A_1 = vector.load %arg1[%get3A, %get3A_0] : memref<32x10000xf32, #tpu.memory_space<vmem>>, vector<32x10000xf32>
    %reduce_sum3A = arith.constant dense<0.000000e+00> : vector<10000xf32>
    %reduce_sum3A_2 = vector.multi_reduction <add>, %get3A_1, %reduce_sum3A [0] : vector<32x10000xf32> to vector<10000xf32>
    %broadcast_in_dim3A = vector.shape_cast %reduce_sum3A_2 : vector<10000xf32> to vector<10000x1xf32>
    %add3A = arith.constant 1.000000e+00 : f32
    %add3A_3 = vector.broadcast %add3A : f32 to vector<10000x1xf32>
    %add3A_4 = arith.addf %broadcast_in_dim3A, %add3A_3 : vector<10000x1xf32>
    %rsqrt3A = math.rsqrt %add3A_4 : vector<10000x1xf32>
    %swap3A = arith.constant 0 : index
    %swap3A_5 = arith.constant 0 : index
    %swap3A_6 = vector.load %arg3[%swap3A, %swap3A_5] : memref<10000x1xf32, #tpu.memory_space<vmem>>, vector<10000x1xf32>
    tpu.vector_store %arg3[%swap3A, %swap3A_5], %rsqrt3A {strides = array<i32>} : memref<10000x1xf32, #tpu.memory_space<vmem>>, vector<10000x1xf32>,
    %get3A_7 = arith.constant 0 : index
    %get3A_8 = arith.constant 0 : index
    %get3A_9 = vector.load %arg0[%get3A_7, %get3A_8] : memref<10000x64xf32, #tpu.memory_space<vmem>>, vector<10000x64xf32>
    %mul3A = vector.broadcast %rsqrt3A : vector<10000x1xf32> to vector<10000x64xf32>
    %mul3A_10 = arith.mulf %mul3A, %get3A_9 : vector<10000x64xf32>
    %swap3A_11 = arith.constant 0 : index
    %swap3A_12 = arith.constant 0 : index
    %swap3A_13 = vector.load %arg2[%swap3A_11, %swap3A_12] : memref<10000x64xf32, #tpu.memory_space<vmem>>, vector<10000x64xf32>
    tpu.vector_store %arg2[%swap3A_11, %swap3A_12], %mul3A_10 {strides = array<i32>} : memref<10000x64xf32, #tpu.memory_space<vmem>>, vector<10000x64xf32>,
    return
  }
}

module attributes {stable_mosaic.version = 14 : i64} {
  func.func @_mid_body(%arg0: memref<2x10240x64xf32, #tpu.memory_space<vmem>>, %arg1: memref<10000x64xf32, #tpu.memory_space<vmem>>, %arg2: memref<10000x1xf32, #tpu.memory_space<vmem>>, %arg3: memref<1x64xf32, #tpu.memory_space<vmem>>, %arg4: memref<1x64xf32, #tpu.memory_space<vmem>>, %arg5: memref<1x64xf32, #tpu.memory_space<vmem>>, %arg6: memref<64x32xf32, #tpu.memory_space<vmem>>, %arg7: memref<10000x32xf32, #tpu.memory_space<vmem>>) attributes {dimension_semantics = [], scalar_prefetch = 0 : i64, scratch_operands = 0 : i64, tpu.core_type = #tpu.core_type<tc>} {
    %get3A = arith.constant 0 : index
    %get3A_0 = arith.constant 0 : index
    %get3A_1 = arith.constant 0 : index
    %get3A_2 = vector.load %arg0[%get3A, %get3A_0, %get3A_1] : memref<2x10240x64xf32, #tpu.memory_space<vmem>>, vector<1x10000x64xf32>
    %get3A_3 = vector.shape_cast %get3A_2 : vector<1x10000x64xf32> to vector<10000x64xf32>
    %get3A_4 = arith.constant 1 : index
    %get3A_5 = arith.constant 0 : index
    %get3A_6 = arith.constant 0 : index
    %get3A_7 = vector.load %arg0[%get3A_4, %get3A_5, %get3A_6] : memref<2x10240x64xf32, #tpu.memory_space<vmem>>, vector<1x10000x64xf32>
    %get3A_8 = vector.shape_cast %get3A_7 : vector<1x10000x64xf32> to vector<10000x64xf32>
    %add3A = arith.addf %get3A_3, %get3A_8 : vector<10000x64xf32>
    %get3A_9 = arith.constant 0 : index
    %get3A_10 = arith.constant 0 : index
    %get3A_11 = vector.load %arg2[%get3A_9, %get3A_10] : memref<10000x1xf32, #tpu.memory_space<vmem>>, vector<10000x1xf32>
    %get3A_12 = arith.constant 0 : index
    %get3A_13 = arith.constant 0 : index
    %get3A_14 = vector.load %arg1[%get3A_12, %get3A_13] : memref<10000x64xf32, #tpu.memory_space<vmem>>, vector<10000x64xf32>
    %add3A_15 = arith.addf %add3A, %get3A_14 : vector<10000x64xf32>
    %mul3A = vector.broadcast %get3A_11 : vector<10000x1xf32> to vector<10000x64xf32>
    %mul3A_16 = arith.mulf %mul3A, %add3A_15 : vector<10000x64xf32>
    %get3A_17 = arith.constant 0 : index
    %get3A_18 = arith.constant 0 : index
    %get3A_19 = vector.load %arg3[%get3A_17, %get3A_18] : memref<1x64xf32, #tpu.memory_space<vmem>>, vector<1x64xf32>
    %add3A_20 = vector.broadcast %get3A_19 : vector<1x64xf32> to vector<10000x64xf32>
    %add3A_21 = arith.addf %mul3A_16, %add3A_20 : vector<10000x64xf32>
    %reduce_sum3A = arith.constant dense<0.000000e+00> : vector<64xf32>
    %reduce_sum3A_22 = vector.multi_reduction <add>, %add3A_21, %reduce_sum3A [0] : vector<10000x64xf32> to vector<64xf32>
    %broadcast_in_dim3A = vector.shape_cast %reduce_sum3A_22 : vector<64xf32> to vector<1x64xf32>
    %div3A = arith.constant 1.000000e+04 : f32
    %div3A_23 = vector.broadcast %div3A : f32 to vector<1x64xf32>
    %div3A_24 = arith.divf %broadcast_in_dim3A, %div3A_23 : vector<1x64xf32>
    %sub3A = vector.broadcast %div3A_24 : vector<1x64xf32> to vector<10000x64xf32>
    %sub3A_25 = arith.subf %add3A_21, %sub3A : vector<10000x64xf32>
    %integer_pow3A = arith.mulf %sub3A_25, %sub3A_25 : vector<10000x64xf32>
    %reduce_sum3A_26 = arith.constant dense<0.000000e+00> : vector<64xf32>
    %reduce_sum3A_27 = vector.multi_reduction <add>, %integer_pow3A, %reduce_sum3A_26 [0] : vector<10000x64xf32> to vector<64xf32>
    %broadcast_in_dim3A_28 = vector.shape_cast %reduce_sum3A_27 : vector<64xf32> to vector<1x64xf32>
    %div3A_29 = arith.constant 1.000000e+04 : f32
    %div3A_30 = vector.broadcast %div3A_29 : f32 to vector<1x64xf32>
    %div3A_31 = arith.divf %broadcast_in_dim3A_28, %div3A_30 : vector<1x64xf32>
    %sub3A_32 = vector.broadcast %div3A_24 : vector<1x64xf32> to vector<10000x64xf32>
    %sub3A_33 = arith.subf %add3A_21, %sub3A_32 : vector<10000x64xf32>
    %add3A_34 = arith.constant 9.99999974E-6 : f32
    %add3A_35 = vector.broadcast %add3A_34 : f32 to vector<1x64xf32>
    %add3A_36 = arith.addf %div3A_31, %add3A_35 : vector<1x64xf32>
    %rsqrt3A = math.rsqrt %add3A_36 : vector<1x64xf32>
    %mul3A_37 = vector.broadcast %rsqrt3A : vector<1x64xf32> to vector<10000x64xf32>
    %mul3A_38 = arith.mulf %sub3A_33, %mul3A_37 : vector<10000x64xf32>
    %get3A_39 = arith.constant 0 : index
    %get3A_40 = arith.constant 0 : index
    %get3A_41 = vector.load %arg4[%get3A_39, %get3A_40] : memref<1x64xf32, #tpu.memory_space<vmem>>, vector<1x64xf32>
    %mul3A_42 = vector.broadcast %get3A_41 : vector<1x64xf32> to vector<10000x64xf32>
    %mul3A_43 = arith.mulf %mul3A_38, %mul3A_42 : vector<10000x64xf32>
    %get3A_44 = arith.constant 0 : index
    %get3A_45 = arith.constant 0 : index
    %get3A_46 = vector.load %arg5[%get3A_44, %get3A_45] : memref<1x64xf32, #tpu.memory_space<vmem>>, vector<1x64xf32>
    %add3A_47 = vector.broadcast %get3A_46 : vector<1x64xf32> to vector<10000x64xf32>
    %add3A_48 = arith.addf %mul3A_43, %add3A_47 : vector<10000x64xf32>
    %max3A = arith.constant 0.000000e+00 : f32
    %max3A_49 = vector.broadcast %max3A : f32 to vector<10000x64xf32>
    %max3A_50 = arith.maximumf %add3A_48, %max3A_49 : vector<10000x64xf32>
    %get3A_51 = arith.constant 0 : index
    %get3A_52 = arith.constant 0 : index
    %get3A_53 = vector.load %arg6[%get3A_51, %get3A_52] : memref<64x32xf32, #tpu.memory_space<vmem>>, vector<64x32xf32>
    %dot_general3A = arith.constant dense<0.000000e+00> : vector<10000x32xf32>
    %dot_general3A_54 = tpu.matmul %max3A_50, %get3A_53, %dot_general3A {dimension_numbers = #tpu.dot_dimension_numbers<[1], [0], [0], [1], [0, 0, 1, 1], [], []>, transpose_lhs_hint = false} : vector<10000x64xf32>, vector<64x32xf32>, vector<10000x32xf32> -> vector<10000x32xf32>
    %mul3A_55 = vector.broadcast %get3A_11 : vector<10000x1xf32> to vector<10000x32xf32>
    %mul3A_56 = arith.mulf %mul3A_55, %dot_general3A_54 : vector<10000x32xf32>
    %swap3A = arith.constant 0 : index
    %swap3A_57 = arith.constant 0 : index
    %swap3A_58 = vector.load %arg7[%swap3A, %swap3A_57] : memref<10000x32xf32, #tpu.memory_space<vmem>>, vector<10000x32xf32>
    tpu.vector_store %arg7[%swap3A, %swap3A_57], %mul3A_56 {strides = array<i32>} : memref<10000x32xf32, #tpu.memory_space<vmem>>, vector<10000x32xf32>,
    return
  }
}

module attributes {stable_mosaic.version = 14 : i64} {
  func.func @_head_body(%arg0: memref<2x10240x32xf32, #tpu.memory_space<vmem>>, %arg1: memref<10000x32xf32, #tpu.memory_space<vmem>>, %arg2: memref<10000x1xf32, #tpu.memory_space<vmem>>, %arg3: memref<1x32xf32, #tpu.memory_space<vmem>>, %arg4: memref<1x32xf32, #tpu.memory_space<vmem>>, %arg5: memref<1x32xf32, #tpu.memory_space<vmem>>, %arg6: memref<10000x1xi32, #tpu.memory_space<vmem>>, %arg7: memref<32x16xf32, #tpu.memory_space<vmem>>, %arg8: memref<1x16xf32, #tpu.memory_space<vmem>>, %arg9: memref<16x2xf32, #tpu.memory_space<vmem>>, %arg10: memref<1x2xf32, #tpu.memory_space<vmem>>, %arg11: memref<16x2xf32, #tpu.memory_space<vmem>>) attributes {dimension_semantics = [], scalar_prefetch = 0 : i64, scratch_operands = 0 : i64, tpu.core_type = #tpu.core_type<tc>} {
    %get3A = arith.constant 0 : index
    %get3A_0 = arith.constant 0 : index
    %get3A_1 = arith.constant 0 : index
    %get3A_2 = vector.load %arg0[%get3A, %get3A_0, %get3A_1] : memref<2x10240x32xf32, #tpu.memory_space<vmem>>, vector<1x10000x32xf32>
    %get3A_3 = vector.shape_cast %get3A_2 : vector<1x10000x32xf32> to vector<10000x32xf32>
    %get3A_4 = arith.constant 1 : index
    %get3A_5 = arith.constant 0 : index
    %get3A_6 = arith.constant 0 : index
    %get3A_7 = vector.load %arg0[%get3A_4, %get3A_5, %get3A_6] : memref<2x10240x32xf32, #tpu.memory_space<vmem>>, vector<1x10000x32xf32>
    %get3A_8 = vector.shape_cast %get3A_7 : vector<1x10000x32xf32> to vector<10000x32xf32>
    %add3A = arith.addf %get3A_3, %get3A_8 : vector<10000x32xf32>
    %get3A_9 = arith.constant 0 : index
    %get3A_10 = arith.constant 0 : index
    %get3A_11 = vector.load %arg2[%get3A_9, %get3A_10] : memref<10000x1xf32, #tpu.memory_space<vmem>>, vector<10000x1xf32>
    %get3A_12 = arith.constant 0 : index
    %get3A_13 = arith.constant 0 : index
    %get3A_14 = vector.load %arg1[%get3A_12, %get3A_13] : memref<10000x32xf32, #tpu.memory_space<vmem>>, vector<10000x32xf32>
    %add3A_15 = arith.addf %add3A, %get3A_14 : vector<10000x32xf32>
    %mul3A = vector.broadcast %get3A_11 : vector<10000x1xf32> to vector<10000x32xf32>
    %mul3A_16 = arith.mulf %mul3A, %add3A_15 : vector<10000x32xf32>
    %get3A_17 = arith.constant 0 : index
    %get3A_18 = arith.constant 0 : index
    %get3A_19 = vector.load %arg3[%get3A_17, %get3A_18] : memref<1x32xf32, #tpu.memory_space<vmem>>, vector<1x32xf32>
    %add3A_20 = vector.broadcast %get3A_19 : vector<1x32xf32> to vector<10000x32xf32>
    %add3A_21 = arith.addf %mul3A_16, %add3A_20 : vector<10000x32xf32>
    %reduce_sum3A = arith.constant dense<0.000000e+00> : vector<32xf32>
    %reduce_sum3A_22 = vector.multi_reduction <add>, %add3A_21, %reduce_sum3A [0] : vector<10000x32xf32> to vector<32xf32>
    %broadcast_in_dim3A = vector.shape_cast %reduce_sum3A_22 : vector<32xf32> to vector<1x32xf32>
    %div3A = arith.constant 1.000000e+04 : f32
    %div3A_23 = vector.broadcast %div3A : f32 to vector<1x32xf32>
    %div3A_24 = arith.divf %broadcast_in_dim3A, %div3A_23 : vector<1x32xf32>
    %sub3A = vector.broadcast %div3A_24 : vector<1x32xf32> to vector<10000x32xf32>
    %sub3A_25 = arith.subf %add3A_21, %sub3A : vector<10000x32xf32>
    %integer_pow3A = arith.mulf %sub3A_25, %sub3A_25 : vector<10000x32xf32>
    %reduce_sum3A_26 = arith.constant dense<0.000000e+00> : vector<32xf32>
    %reduce_sum3A_27 = vector.multi_reduction <add>, %integer_pow3A, %reduce_sum3A_26 [0] : vector<10000x32xf32> to vector<32xf32>
    %broadcast_in_dim3A_28 = vector.shape_cast %reduce_sum3A_27 : vector<32xf32> to vector<1x32xf32>
    %div3A_29 = arith.constant 1.000000e+04 : f32
    %div3A_30 = vector.broadcast %div3A_29 : f32 to vector<1x32xf32>
    %div3A_31 = arith.divf %broadcast_in_dim3A_28, %div3A_30 : vector<1x32xf32>
    %sub3A_32 = vector.broadcast %div3A_24 : vector<1x32xf32> to vector<10000x32xf32>
    %sub3A_33 = arith.subf %add3A_21, %sub3A_32 : vector<10000x32xf32>
    %add3A_34 = arith.constant 9.99999974E-6 : f32
    %add3A_35 = vector.broadcast %add3A_34 : f32 to vector<1x32xf32>
    %add3A_36 = arith.addf %div3A_31, %add3A_35 : vector<1x32xf32>
    %rsqrt3A = math.rsqrt %add3A_36 : vector<1x32xf32>
    %mul3A_37 = vector.broadcast %rsqrt3A : vector<1x32xf32> to vector<10000x32xf32>
    %mul3A_38 = arith.mulf %sub3A_33, %mul3A_37 : vector<10000x32xf32>
    %get3A_39 = arith.constant 0 : index
    %get3A_40 = arith.constant 0 : index
    %get3A_41 = vector.load %arg4[%get3A_39, %get3A_40] : memref<1x32xf32, #tpu.memory_space<vmem>>, vector<1x32xf32>
    %mul3A_42 = vector.broadcast %get3A_41 : vector<1x32xf32> to vector<10000x32xf32>
    %mul3A_43 = arith.mulf %mul3A_38, %mul3A_42 : vector<10000x32xf32>
    %get3A_44 = arith.constant 0 : index
    %get3A_45 = arith.constant 0 : index
    %get3A_46 = vector.load %arg5[%get3A_44, %get3A_45] : memref<1x32xf32, #tpu.memory_space<vmem>>, vector<1x32xf32>
    %add3A_47 = vector.broadcast %get3A_46 : vector<1x32xf32> to vector<10000x32xf32>
    %add3A_48 = arith.addf %mul3A_43, %add3A_47 : vector<10000x32xf32>
    %max3A = arith.constant 0.000000e+00 : f32
    %max3A_49 = vector.broadcast %max3A : f32 to vector<10000x32xf32>
    %max3A_50 = arith.maximumf %add3A_48, %max3A_49 : vector<10000x32xf32>
    %iota3A = tpu.iota {dimensions = array<i32: 1>} : vector<1x16xi32>
    %get3A_51 = arith.constant 0 : index
    %get3A_52 = arith.constant 0 : index
    %get3A_53 = vector.load %arg6[%get3A_51, %get3A_52] : memref<10000x1xi32, #tpu.memory_space<vmem>>, vector<10000x1xi32>
    %eq3A = vector.broadcast %get3A_53 : vector<10000x1xi32> to vector<10000x16xi32>
    %eq3A_54 = vector.broadcast %iota3A : vector<1x16xi32> to vector<10000x16xi32>
    %eq3A_55 = arith.cmpi eq, %eq3A, %eq3A_54 : vector<10000x16xi32>
    %convert_element_type3A = arith.extui %eq3A_55 : vector<10000x16xi1> to vector<10000x16xi32>
    %convert_element_type3A_56 = arith.sitofp %convert_element_type3A : vector<10000x16xi32> to vector<10000x16xf32>
    %dot_general3A = arith.constant dense<0.000000e+00> : vector<16x32xf32>
    %dot_general3A_57 = tpu.matmul %convert_element_type3A_56, %max3A_50, %dot_general3A {dimension_numbers = #tpu.dot_dimension_numbers<[0], [0], [1], [1], [0, 1, 1, 1], [], []>, transpose_lhs_hint = false} : vector<10000x16xf32>, vector<10000x32xf32>, vector<16x32xf32> -> vector<16x32xf32>
    %reduce_sum3A_58 = arith.constant dense<0.000000e+00> : vector<16xf32>
    %reduce_sum3A_59 = vector.multi_reduction <add>, %convert_element_type3A_56, %reduce_sum3A_58 [0] : vector<10000x16xf32> to vector<16xf32>
    %broadcast_in_dim3A_60 = vector.shape_cast %reduce_sum3A_59 : vector<16xf32> to vector<16x1xf32>
    %max3A_61 = arith.constant 1.000000e+00 : f32
    %max3A_62 = vector.broadcast %max3A_61 : f32 to vector<16x1xf32>
    %max3A_63 = arith.maximumf %broadcast_in_dim3A_60, %max3A_62 : vector<16x1xf32>
    %div3A_64 = vector.broadcast %max3A_63 : vector<16x1xf32> to vector<16x32xf32>
    %div3A_65 = arith.divf %dot_general3A_57, %div3A_64 : vector<16x32xf32>
    %get3A_66 = arith.constant 0 : index
    %get3A_67 = arith.constant 0 : index
    %get3A_68 = vector.load %arg7[%get3A_66, %get3A_67] : memref<32x16xf32, #tpu.memory_space<vmem>>, vector<32x16xf32>
    %dot_general3A_69 = arith.constant dense<0.000000e+00> : vector<16x16xf32>
    %dot_general3A_70 = tpu.matmul %div3A_65, %get3A_68, %dot_general3A_69 {dimension_numbers = #tpu.dot_dimension_numbers<[1], [0], [0], [1], [0, 0, 1, 1], [], []>, transpose_lhs_hint = false} : vector<16x32xf32>, vector<32x16xf32>, vector<16x16xf32> -> vector<16x16xf32>
    %get3A_71 = arith.constant 0 : index
    %get3A_72 = arith.constant 0 : index
    %get3A_73 = vector.load %arg8[%get3A_71, %get3A_72] : memref<1x16xf32, #tpu.memory_space<vmem>>, vector<1x16xf32>
    %add3A_74 = vector.broadcast %get3A_73 : vector<1x16xf32> to vector<16x16xf32>
    %add3A_75 = arith.addf %dot_general3A_70, %add3A_74 : vector<16x16xf32>
    %max3A_76 = arith.constant 0.000000e+00 : f32
    %max3A_77 = vector.broadcast %max3A_76 : f32 to vector<16x16xf32>
    %max3A_78 = arith.maximumf %add3A_75, %max3A_77 : vector<16x16xf32>
    %get3A_79 = arith.constant 0 : index
    %get3A_80 = arith.constant 0 : index
    %get3A_81 = vector.load %arg9[%get3A_79, %get3A_80] : memref<16x2xf32, #tpu.memory_space<vmem>>, vector<16x2xf32>
    %dot_general3A_82 = arith.constant dense<0.000000e+00> : vector<16x2xf32>
    %dot_general3A_83 = tpu.matmul %max3A_78, %get3A_81, %dot_general3A_82 {dimension_numbers = #tpu.dot_dimension_numbers<[1], [0], [0], [1], [0, 0, 1, 1], [], []>, transpose_lhs_hint = false} : vector<16x16xf32>, vector<16x2xf32>, vector<16x2xf32> -> vector<16x2xf32>
    %get3A_84 = arith.constant 0 : index
    %get3A_85 = arith.constant 0 : index
    %get3A_86 = vector.load %arg10[%get3A_84, %get3A_85] : memref<1x2xf32, #tpu.memory_space<vmem>>, vector<1x2xf32>
    %add3A_87 = vector.broadcast %get3A_86 : vector<1x2xf32> to vector<16x2xf32>
    %add3A_88 = arith.addf %dot_general3A_83, %add3A_87 : vector<16x2xf32>
    %swap3A = arith.constant 0 : index
    %swap3A_89 = arith.constant 0 : index
    %swap3A_90 = vector.load %arg11[%swap3A, %swap3A_89] : memref<16x2xf32, #tpu.memory_space<vmem>>, vector<16x2xf32>
    tpu.vector_store %arg11[%swap3A, %swap3A_89], %add3A_88 {strides = array<i32>} : memref<16x2xf32, #tpu.memory_space<vmem>>, vector<16x2xf32>,
    return
  }
}

</mosaic_0001>

<sc_bundles>
// kernel: kernel.12.cloned.1.call-start
scs
__scs_entry_jumppad:
0x0: {  	(pc) =	sbr.rel $0x88, $3  }
0x1: {  	(tag) =	ssettag $0x0;
	lr =	simm.s32 $0x1  }
0x2: {  	[smem:$0x3F92] =	sst lr;
	_ =	strace $0xD0000000  }
0x3: {  	_ = 	snop  }
0x4: {  	_ = 	snop  }
0x5: {  	_ = 	snop  }
0x6: {  	_ = 	snop  }
0x7: {  	_ = 	snop  }
__scs_overlays_trampoline_lowered:
0x8: {  	[smem:$0x3FA1] =	sst s0  }
0x9: {  	[smem:$0x3FA2] =	sst s1  }
0xa: {  	[smem:$0x3FA3] =	sst s2  }
0xb: {  	[smem:$0x3FA4] =	sst s3  }
0xc: {  	[smem:$0x3FA5] =	sst s4  }
0xd: {  	[smem:$0x3FA6] =	sst s5  }
0xe: {  	[smem:$0x3FA7] =	sst s6  }
0xf: {  	[smem:$0x3FA8] =	sst s7  }
0x10: {  	[smem:$0x3FA9] =	sst s8  }
0x11: {  	[smem:$0x3FAA] =	sst s9;
	s0 =	simm.s32 @!p0 $0x0  }
0x12: {  	s1 =	sld [smem:$0x3F90];
	s0 =	simm.s32 @p0 $0x1  }
0x13: {  	[smem:$0x3FAB] =	sst s0;
	s0 =	simm.s32 @!p1 $0x0  }
0x14: {  	s2 =	sld [smem:$0x3F8F];
	s0 =	simm.s32 @p1 $0x1  }
0x15: {  	[smem:$0x3FAC] =	sst s0;
	s0 =	simm.s32 @!p2 $0x0  }
0x16: {  	s3 =	sld [smem:$0x3FDB];
	s0 =	simm.s32 @p2 $0x1  }
0x17: {  	s4 =	simm.s32 $0x1BF5;
	[smem:$0x3FAE] =	sst s0  }
0x18: {  	s0 =	sld [smem:$0x3F91];
	_ =	swait.ge [sflag:s4], $0x0  }
0x19: {  	s7 =	sld [smem:$0x3F92]  }
0x1a: {  	s8 =	sadd.s32 $0xFFFFE003, lr  }
0x1b: {  	s9 =	sadd.s32 $0xFFFFFEF7, lr;
	s5 =	simm.s32 $0xFFFFFFFF;
	p2 =	slt.u32 s8, $0xFFFFF086  }
0x1c: {  	p1 =	slt.u32 s9, $0xF7A;
	s5 =	simm.s32 @!p2 $0x0  }
0x1d: {  	s5 =	simm.s32 @p1 $0x1;
	p0 =	seq.s32 s7, s2  }
0x1e: {  	s7 =	smul.u32 @!p0 $0xF7A, s2;
	p2 =	seq.s32 @!p0 s5, $0x0  }
0x1f: {  	s9 =	smul.u32 $0xF7A, s1;
	s8 =	simm.s32 @!p0 $0x1BF5;
	p2 =	por !p2, p0  }
0x20: {  	[sflag:s8] =	ssyncset.s32 @!p0 $0xFFFFF086;
	s6 =	sadd.s32 @!p0 s3, s7;
	s7 =	simm.s32 @!p0 $0x108  }
0x21: {  	s3 =	sadd.s32 s3, s9;
	s6 =	sadd.s32 @!p0 $0x88, s6;
	s7 =	simm.s32 @p2 $0x1082  }
0x22: {  	[simem:s7], [sflag:s8] =	dma.local @!p0 [hbm:s6], $0xF7A  }
0x23: {  	s9 =	sor.u32 $0xD0000000, s2;
	s6 =	simm.s32 $0x108;
	_ =	swait.ge @!p0 [sflag:s8], $0x0  }
0x24: {  	s3 =	sadd.s32 $0x88, s3;
	s6 =	simm.s32 @!p1 $0x1082;
	[sflag:s4] =	ssyncset.s32 $0xFFFFF086  }
0x25: {  	[simem:s6], [sflag:s4] =	dma.local [hbm:s3], $0xF7A  }
0x26: {  	[smem:$0x3F92] =	sst s1;
	(tag) =	ssettag s2;
	_ =	strace s9  }
0x27: {  	s1 =	sld [smem:$0x3FA2]  }
0x28: {  	s2 =	sld [smem:$0x3FA3]  }
0x29: {  	s4 =	sld [smem:$0x3FA5]  }
0x2a: {  	p0 =	seq.s32 s5, $0x0;
	s5 =	sld [smem:$0x3FA6]  }
0x2b: {  	s6 =	sld [smem:$0x3FA7]  }
0x2c: {  	s7 =	sld [smem:$0x3FA8]  }
0x2d: {  	s3 =	simm.s32 $0x108;
	s8 =	sld [smem:$0x3FA9]  }
0x2e: {  	s3 =	simm.s32 @!p0 $0x1082;
	s9 =	sld [smem:$0x3FAA]  }
0x2f: {  	lr =	sadd.s32 s0, s3;
	s0 =	sld [smem:$0x3FA1]  }
0x30: {  	s3 =	sld [smem:$0x3FA4]  }
0x31: {  	[smem:$0x3FAD] =	sst s10  }
0x32: {  	s10 =	sld [smem:$0x3FAB];
	_ =	sdelay $0x3  }
0x33: {  	p0 =	seq.s32 s10, $0x1;
	s10 =	sld [smem:$0x3FAD];
	_ =	sdelay $0x3  }
0x34: {  	[smem:$0x3FAD] =	sst s10  }
0x35: {  	s10 =	sld [smem:$0x3FAC];
	_ =	sdelay $0x3  }
0x36: {  	p1 =	seq.s32 s10, $0x1;
	s10 =	sld [smem:$0x3FAD];
	_ =	sdelay $0x3  }
0x37: {  	[smem:$0x3FAD] =	sst s10  }
0x38: {  	s10 =	sld [smem:$0x3FAE]  }
0x39: {  	_ = 	snop;
	(pc) =	sbr.ind lr, $3  }
0x3a: {  	_ = 	snop  }
0x3b: {  	_ = 	snop  }
0x3c: {  	p2 =	seq.s32 s10, $0x1;
	s10 =	sld [smem:$0x3FAD]  }
0x3d: {  	_ =	shalt  }
0x3e: {  	_ =	shalt  }
0x3f: {  	_ =	shalt  }
0x40: {  	_ =	shalt  }
0x41: {  	_ =	shalt  }
0x42: {  	_ =	shalt  }
0x43: {  	_ =	shalt  }
0x44: {  	_ =	shalt  }
0x45: {  	_ =	shalt  }
0x46: {  	_ =	shalt  }
0x47: {  	_ =	shalt  }
0x48: {  	_ =	shalt  }
0x49: {  	_ =	shalt  }
0x4a: {  	_ =	shalt  }
0x4b: {  	_ =	shalt  }
0x4c: {  	_ =	shalt  }
0x4d: {  	_ =	shalt  }
0x4e: {  	_ =	shalt  }
0x4f: {  	_ =	shalt  }
0x50: {  	_ =	shalt  }
0x51: {  	_ =	shalt  }
0x52: {  	_ =	shalt  }
0x53: {  	_ =	shalt  }
0x54: {  	_ =	shalt  }
0x55: {  	_ =	shalt  }
0x56: {  	_ =	shalt  }
0x57: {  	_ =	shalt  }
0x58: {  	_ =	shalt  }
0x59: {  	_ =	shalt  }
0x5a: {  	_ =	shalt  }
0x5b: {  	_ =	shalt  }
0x5c: {  	_ =	shalt  }
0x5d: {  	_ =	shalt  }
0x5e: {  	_ =	shalt  }
0x5f: {  	_ =	shalt  }
0x60: {  	_ =	shalt  }
0x61: {  	_ =	shalt  }
0x62: {  	_ =	shalt  }
0x63: {  	_ =	shalt  }
0x64: {  	_ =	shalt  }
0x65: {  	_ =	shalt  }
0x66: {  	_ =	shalt  }
0x67: {  	_ =	shalt  }
0x68: {  	_ =	shalt  }
0x69: {  	_ =	shalt  }
0x6a: {  	_ =	shalt  }
0x6b: {  	_ =	shalt  }
0x6c: {  	_ =	shalt  }
0x6d: {  	_ =	shalt  }
0x6e: {  	_ =	shalt  }
0x6f: {  	_ =	shalt  }
0x70: {  	_ =	shalt  }
0x71: {  	_ =	shalt  }
0x72: {  	_ =	shalt  }
0x73: {  	_ =	shalt  }
0x74: {  	_ =	shalt  }
0x75: {  	_ =	shalt  }
0x76: {  	_ =	shalt  }
0x77: {  	_ =	shalt  }
0x78: {  	_ =	shalt  }
0x79: {  	_ =	shalt  }
0x7a: {  	_ =	shalt  }
0x7b: {  	_ =	shalt  }
0x7c: {  	_ =	shalt  }
0x7d: {  	_ =	shalt  }
0x7e: {  	_ =	shalt  }
0x7f: {  	_ =	shalt  }
0x80: {  	_ =	shalt  }
0x81: {  	_ =	shalt  }
0x82: {  	_ =	shalt  }
0x83: {  	_ =	shalt  }
0x84: {  	_ =	shalt  }
0x85: {  	_ =	shalt  }
0x86: {  	_ =	shalt  }
0x87: {  	_ =	shalt  }
.Lfunc_end0:
.L_simem_size_0:
called_computation.1_lowered:
.L_overlay_start_0:
0x88: {  	s2 =	sld [smem:$0x3FD9]  }
0x89: {  	s3 =	sld [smem:$0x3FFE];
	_ =	sdelay $0x1  }
0x8a: {  	s1 =	srdreg.scid  }
0x8b: {  	s0 =	sand.u32 $0x1, s1  }
0x8c: {  	s16 =	sshll.u32 s0, $0xA;
	s2 =	sadd.s32 s3, s2  }
0x8d: {  	s2 =	sadd.s32 s2, s16  }
0x8e: {  	[smem:$0x3FB9] =	sst s2  }
0x8f: {  	_ = 	snop  }
0x90: {  	(tm) =	ssettm $0x1  }
0x91: {  	s17 =	sld [smem:$0x3FFB];
	_ =	sdelay $0x3  }
0x92: {  	_ =	strace s17  }
0x93: {  	s2 =	sld [smem:$0x3FFC];
	_ =	sdelay $0x3  }
0x94: {  	_ =	strace s2  }
0x95: {  	s2 =	sld [smem:$0x3FFD];
	_ =	sdelay $0x3  }
0x96: {  	_ =	strace s2  }
0x97: {  	_ =	strace $0x8FFFFFFF  }
0x98: {  	s18 =	sld [smem:$0x3FDB];
	_ =	sdelay $0x1  }
0x99: {  	s19 =	simm.s32 $_scs_section_size  }
0x9a: {  	s4 =	simm.s32 $_size__tile_overlayer_lowered;
	s5 =	simm.s32 $_tile_overlayer_lowered  }
0x9b: {  	s22 =	simm.s32 $0x1BFF;
	s21 =	sshll.u32 s5, $0x1;
	s2 =	sadd.s32 s19, s18  }
0x9c: {  	s6 =	simm.s32 $0x0;
	s20 =	sshll.u32 s4, $0x1;
	s4 =	sadd.s32 s21, s2  }
0x9d: {  	[timem:s6], [sflag:s22] =	dma.local [hbm:s4], s20  }
0x9e: {  	_ =	swait.ge [sflag:s22], s20  }
0x9f: {  	s3 =	ssub.s32 $0x0, s20;
	[sflag:s22] =	ssyncset.done $0x0  }
0xa0: {  	[sflag:s22] =	ssyncadd.s32 s3;
	_ =	sdelay $0x1  }
0xa1: {  	s23 =	simm.s32 $0x1B8B  }
0xa2: {  	_ =	swait.ge [sflag:s23], $0x1  }
0xa3: {  	[sflag:s23] =	ssyncset.done $0x0  }
0xa4: {  	s25 =	simm.s32 $0x1B8E;
	s24 =	sld [smem:$0x3FFE];
	[sflag:s23] =	ssyncadd.s32 $0xFFFFFFFF  }
0xa5: {  	s26 =	simm.s32 $execute0_lowered;
	[smem:$0x3FD2] =	sst s25  }
0xa6: {  	s4 =	sshll.u32 s26, $0x1;
	_ =	strace $0x80000049;
	[dreg:$0x1] =	wrdreg $0xFFFFFFFF  }
0xa7: {  	s28 =	simm.s32 $_size_execute0_lowered;
	s2 =	sadd.s32 s2, s4;
	[dreg:$0x0] =	wrdreg $0x0  }
0xa8: {  	s4 =	sshll.u32 s28, $0x1;
	[dreg:$0x2] =	wrdreg s2  }
0xa9: {  	[dreg:$0x3] =	wrdreg s4  }
0xaa: {  	[dreg:$0x4] =	wrdreg $0xC0  }
0xab: {  	_ =	task [dreg:s6], $0x5FFFF  }
0xac: {  	[dreg:$0x1] =	wrdreg $0xFFFFFFFF  }
0xad: {  	[dreg:$0x0] =	wrdreg $0x60  }
0xae: {  	[dreg:$0x2] =	wrdreg s24  }
0xaf: {  	[dreg:$0x3] =	wrdreg $0x0  }
0xb0: {  	[dreg:$0x4] =	wrdreg $0x9  }
0xb1: {  	_ =	task.clear_ibuf [dreg:s6], $0x5FFFF;
	_ =	strace $0x90000049  }
0xb2: {  	s29 =	simm.s32 $0x9;
	_ =	strace $0x8000004B  }
0xb3: {  	_ =	swait.ge [sflag:s29], $0x1  }
0xb4: {  	[sflag:s29] =	ssyncadd.s32 $0xFFFFFFFF  }
0xb5: {  	_ =	strace $0x9000004B  }
0xb6: {  	_ =	sfence  }
0xb7: {  	s30 =	sld [smem:$0x0];
	_ =	sdelay $0x2  }
0xb8: {  	s31 =	sshll.u32 s1, $0xD;
	s1 =	sshrl.u32 s1, $0x2  }
0xb9: {  	s3 =	sand.u32 $0x4000, s31;
	s1 =	sadd.s32 s1, s30  }
0xba: {  	s0 =	sor.u32 s3, s0;
	s1 =	sshll.u32 s1, $0x11  }
0xbb: {  	s0 =	sor.u32 s1, s0  }
0xbc: {  	s0 =	sadd.s32 $0x8F2B, s0  }
0xbd: {  	[sflag:s0] =	ssyncadd.remote.s32 $0x1  }
0xbe: {  	_ =	sfence.sel $0xFFFF  }
0xbf: {  	[dreg:$0x0] =	wrdreg $0xFFFFFFFF;
	(pc) =	sbr.abs _section_cstart, $3  }
0xc0: {  	[dreg:$0x1] =	wrdreg $0xFFFFFFFF  }
0xc1: {  	_ =	task.clear_ibuf [dreg:s6], $0x2FFFF;
	_ =	strace $0x9FFFFFFF  }
0xc2: {  	(tm) =	ssettm $0x7FFFFFFF  }
0xc3: {  	_ =	shalt  }
tec
execute0_lowered:
.L_overlay_start_1:
0x0: {  	(tag) =	ssettag $0x1  }
0x1: {  	s0 =	rddreg [dreg:$0x0]  }
0x2: {  	s2 =	rddreg [dreg:$0x1];
	s1 =	srdreg.scid  }
0x3: {  	s8 =	stileid.u32;
	s4 =	simm.s32 $0x0;
	s18 =	simm.s32 $0xEE00  }
0x4: {  	s31 =	simm.s32 $0x16E00;
	s28 =	simm.s32 $0x1;
	s29 =	simm.s32 $0x3  }
0x5: {  	s30 =	simm.s32 $0x5;
	s1 =	sand.u32 $0x1, s1;
	s3 =	smul.u32 $0xA000, s8  }
0x6: {  	[smem:$0x7FF] =	sst s4;
	s4 =	sadd.s32 $0x16A00, s0;
	s7 =	smul.u32 $0x28000, s8  }
0x7: {  	s11 =	sadd.s32 $0x3000, s0;
	s23 =	sshll.u32 s8, $0x4;
	s5 =	smul.u32 $0xA0000, s1  }
0x8: {  	s19 =	sshll.u32 s1, $0x4;
	_ =	strace $0x8000004A;
	s1 =	ssub.s32 $0x2, s1  }
0x9: {  	s17 =	sor.u32 s8, s19;
	s21 =	sshrl.u32 s1, $0x1;
	s7 =	sshrl.u32 s7, $0x2  }
0xa: {  	s19 =	simm.s32 $0xB;
	s5 =	sadd.s32 s3, s5;
	s6 =	smul.u32 $0x2700, s17  }
0xb: {  	s1 =	ssub.s32 s1, s21;
	s12 =	sadd.s32 s7, s2;
	s7 =	sadd.s32 s3, s2  }
0xc: {  	s3 =	sadd.s32 s23, s11;
	s21 =	simm.s32 $0xA;
	p0 =	sgt.u32 s17, $0x3  }
0xd: {  	s17 =	simm.s32 $0x18E00;
	s23 =	simm.s32 $0x0;
	s5 =	sshrl.u32 s5, $0x3  }
0xe: {  	s22 =	sadd.s32 $0x2000, s12;
	s24 =	sadd.s32 $0x4000, s12;
	s25 =	sadd.s32 $0x6000, s12  }
0xf: {  	s26 =	sadd.s32 $0x8000, s12;
	s12 =	sadd.s32 $0x9C00, s3;
	[dreg:$0x5] =	wrdreg s22  }
0x10: {  	s13 =	sadd.s32 $0x13840, s3;
	s15 =	smax.u32 s1, $0x1;
	[dreg:$0x6] =	wrdreg s24  }
.Ltmp0:
0x11: {  	s0 =	sadd.s32 s5, s0;
	[dreg:$0x7] =	wrdreg s25;
	(pc) =	sbr.rel .LBB2_1-.Ltmp0, $4  }
0x12: {  	s20 =	sshrl.u32 s6, $0x3;
	[dreg:$0x8] =	wrdreg s26;
	s22 =	simm.s32 $0x80  }
0x13: {  	s26 =	simm.s32 $0x12E00;
	s5 =	sadd.s32 s11, s20;
	s14 =	sadd.s32 $0x2A400, s0  }
0x14: {  	s20 =	simm.s32 $0x9;
	[dreg:$0x3] =	wrdreg s5;
	s5 =	sadd.s32 $0x9C40, s5  }
0x15: {  	v0 =	vimm.f32 $0.0e+00;
	s0 =	simm.s32 $0x6;
	[dreg:$0x4] =	wrdreg s5;
	s5 =	simm.s32 $0xA000  }
.LBB2_8:
0x16: {  	_ =	swait.ge [sflag:s0], $0x2000  }
0x17: {  	[sflag:s0] =	ssyncset.done $0x0  }
0x18: {  	s1 =	simm.s32 $0xED80;
	[sflag:s0] =	ssyncadd.s32 $0xFFFFE000  }
0x19: {  	[spmem:s2] =	stream.indirect.scatter.add.f32 [tilespmem:s17], [sflag:$0xB], $0x40, s1, s22, $0xb8;
	[tilespmem:$0x1EF00] =	vst v63  }
0x1a: {  	_ =	swait.ge [sflag:s19], $0x2000  }
0x1b: {  	[sflag:s19] =	ssyncset.done $0x0  }
0x1c: {  	[sflag:s19] =	ssyncadd.s32 $0xFFFFE000  }
.LBB2_6:
0x1d: {  	s1 =	simm.s32 @!p0 $0x0;
	s3 =	simm.s32 @!p0 $0x1EE00;
	s5 =	simm.s32 @!p0 $0xB  }
0x1e: {  	[tilespmem:s3], [sflag:$0xB] =	stream.linear.gather @!p0 [hbm4b:s12+s1], $0x80, $0x38;
	[tilespmem:$0x1EF00] =	vst v63  }
0x1f: {  	_ =	swait.ge @!p0 [sflag:s5], $0x80  }
0x20: {  	[sflag:s5] =	ssyncset.done @!p0 $0x0  }
0x21: {  	s6 =	simm.s32 @!p0 $0x1EE80;
	[sflag:s5] =	ssyncadd.s32 @!p0 $0xFFFFFF80  }
0x22: {  	[tilespmem:s6], [sflag:$0xB] =	stream.linear.gather @!p0 [hbm4b:s13+s1], $0x80, $0x38;
	[tilespmem:$0x1EF00] =	vst v63  }
0x23: {  	_ =	swait.ge @!p0 [sflag:s5], $0x80  }
0x24: {  	[sflag:s5] =	ssyncset.done @!p0 $0x0  }
0x25: {  	s8 =	simm.s32 @!p0 $0xEE00;
	s1 =	simm.s32 @!p0 $0x80;
	[sflag:s5] =	ssyncadd.s32 @!p0 $0xFFFFFF80  }
0x26: {  	[tilespmem:s8], [sflag:$0x1] =	stream.indirect.gather @!p0 [hbm4b:s4+s1], $0x40, s3, s1, $0xb8;
	[tilespmem:$0x1EF00] =	vst v63  }
0x27: {  	s3 =	simm.s32 @!p0 $0x1  }
0x28: {  	_ =	swait.ge @!p0 [sflag:s3], $0x2000  }
0x29: {  	[sflag:s3] =	ssyncset.done @!p0 $0x0  }
0x2a: {  	[sflag:s3] =	ssyncadd.s32 @!p0 $0xFFFFE000  }
0x2b: {  	[spmem:s2] =	stream.indirect.scatter.add.f32 @!p0 [tilespmem:s8], [sflag:$0xB], $0x40, s6, s1, $0xb8;
	[tilespmem:$0x1EF00] =	vst v63  }
0x2c: {  	s24 =	stileid.u32;
	_ =	swait.ge @!p0 [sflag:s5], $0x2000  }
0x2d: {  	s25 =	sshrl.u32 s7, $0x3;
	s23 =	sadd.s32 $0x1, s23;
	[sflag:s5] =	ssyncset.done @!p0 $0x0  }
0x2e: {  	p1 =	sne.s32 s23, s15;
	s1 =	sshll.u32 s24, $0x6;
	[sflag:s5] =	ssyncadd.s32 @!p0 $0xFFFFE000  }
.Ltmp1:
0x2f: {  	s1 =	sor.u32 $0x1C0B, s1;
	[bflag:$0x0] =	sbarrier.arrive $0xFFFF;
	(pc) =	sbr.rel @!p1 .LBB2_7-.Ltmp1, $4  }
0x30: {  	[hbm:s14], [sflag:s1] =	dma.local [spmem:s25], $0x1400  }
0x31: {  	_ =	swait.ge [sflag:s19], $0x1400  }
0x32: {  	[sflag:s19] =	ssyncset.done $0x0  }
0x33: {  	s5 =	simm.s32 $0xA000;
	[sflag:s19] =	ssyncadd.s32 $0xFFFFEC00  }
.LBB2_1:
0x34: {  	s1 =	simm.s32 $0x0;
	s3 =	rddreg [dreg:$0x3]  }
0x35: {  	[tilespmem:s5], [sflag:$0x9] =	stream.linear.gather [hbm4b:s3+s1], $0x2700, $0x38;
	[tilespmem:$0x1EF00] =	vst v63  }
0x36: {  	s25 =	rddreg [dreg:$0x4];
	s6 =	simm.s32 $0xC700  }
0x37: {  	[tilespmem:s6], [sflag:$0xA] =	stream.linear.gather [hbm4b:s25+s1], $0x2700, $0x38;
	[tilespmem:$0x1EF00] =	vst v63  }
0x38: {  	s3 =	simm.s32 $0x100;
	s1 =	simm.s32 $0x0  }
.LBB2_2:
0x39: {  	p1 =	sne.s32 s3, $0x7F00;
	[tilespmem:s1+$0xEE30] =	vst v0;
	s24 =	smov.u32 s3;
	s3 =	sadd.s32 $0x100, s3  }
.Ltmp2:
0x3a: {  	[tilespmem:s1+$0xEE20] =	vst v0;
	(pc) =	sbr.rel @p1 .LBB2_2-.Ltmp2, $3  }
0x3b: {  	[tilespmem:s1+$0xEE00] =	vst v0  }
0x3c: {  	[tilespmem:s1+$0xEE10] =	vst v0;
	_ =	sdelay $0x1  }
0x3d: {  	s1 =	sshra.s32 s24, $0x2  }
0x3e: {  	[tilespmem:s1+$0xEE30] =	vst v0  }
0x3f: {  	[tilespmem:s1+$0xEE20] =	vst v0  }
0x40: {  	[tilespmem:s1+$0xEE00] =	vst v0  }
0x41: {  	[tilespmem:s1+$0xEE10] =	vst v0  }
0x42: {  	[spmem:s7] =	stream.linear.scatter [tilespmem:s18], [sflag:$0xB], $0x2000, $0x38;
	[tilespmem:$0x1EF00] =	vst v63  }
0x43: {  	_ =	swait.ge [sflag:s19], $0x2000  }
0x44: {  	[sflag:s19] =	ssyncset.done $0x0  }
0x45: {  	s10 =	rddreg [dreg:$0x5];
	[sflag:s19] =	ssyncadd.s32 $0xFFFFE000  }
0x46: {  	[spmem:s10] =	stream.linear.scatter [tilespmem:s18], [sflag:$0xB], $0x2000, $0x38;
	[tilespmem:$0x1EF00] =	vst v63  }
0x47: {  	_ =	swait.ge [sflag:s19], $0x2000  }
0x48: {  	[sflag:s19] =	ssyncset.done $0x0  }
0x49: {  	s11 =	rddreg [dreg:$0x6];
	[sflag:s19] =	ssyncadd.s32 $0xFFFFE000  }
0x4a: {  	[spmem:s11] =	stream.linear.scatter [tilespmem:s18], [sflag:$0xB], $0x2000, $0x38;
	[tilespmem:$0x1EF00] =	vst v63  }
0x4b: {  	_ =	swait.ge [sflag:s19], $0x2000  }
0x4c: {  	[sflag:s19] =	ssyncset.done $0x0  }
0x4d: {  	s16 =	rddreg [dreg:$0x7];
	[sflag:s19] =	ssyncadd.s32 $0xFFFFE000  }
0x4e: {  	[spmem:s16] =	stream.linear.scatter [tilespmem:s18], [sflag:$0xB], $0x2000, $0x38;
	[tilespmem:$0x1EF00] =	vst v63  }
0x4f: {  	_ =	swait.ge [sflag:s19], $0x2000  }
0x50: {  	[sflag:s19] =	ssyncset.done $0x0  }
0x51: {  	s24 =	rddreg [dreg:$0x8];
	[sflag:s19] =	ssyncadd.s32 $0xFFFFE000  }
0x52: {  	[spmem:s24] =	stream.linear.scatter [tilespmem:s18], [sflag:$0xB], $0x2000, $0x38;
	[tilespmem:$0x1EF00] =	vst v63  }
0x53: {  	_ =	swait.ge [sflag:s19], $0x2000  }
0x54: {  	[sflag:s19] =	ssyncset.done $0x0  }
0x55: {  	[sflag:s19] =	ssyncadd.s32 $0xFFFFE000  }
0x56: {  	_ =	swait.ge [sflag:s20], $0x2700  }
0x57: {  	[sflag:s20] =	ssyncset.done $0x0  }
0x58: {  	[sflag:s20] =	ssyncadd.s32 $0xFFFFD900  }
0x59: {  	_ =	swait.ge [sflag:s21], $0x2700  }
0x5a: {  	[sflag:s21] =	ssyncset.done $0x0  }
0x5b: {  	[sflag:s21] =	ssyncadd.s32 $0xFFFFD900  }
0x5c: {  	[bflag:$0x0] =	sbarrier.arrive $0xFFFF  }
0x5d: {  	[tilespmem:s18], [sflag:$0x1] =	stream.indirect.gather [hbm4b:s4+s22], $0x40, s5, s22, $0xb8;
	[tilespmem:$0x1EF00] =	vst v63  }
0x5e: {  	s25 =	simm.s32 $0xA080;
	s3 =	simm.s32 $0x10E00  }
0x5f: {  	[tilespmem:s3], [sflag:$0x2] =	stream.indirect.gather [hbm4b:s4+s22], $0x40, s25, s22, $0xb8;
	[tilespmem:$0x1EF00] =	vst v63  }
0x60: {  	s5 =	simm.s32 $0xA100  }
0x61: {  	[tilespmem:s26], [sflag:$0x3] =	stream.indirect.gather [hbm4b:s4+s22], $0x40, s5, s22, $0xb8;
	[tilespmem:$0x1EF00] =	vst v63  }
0x62: {  	s6 =	simm.s32 $0xA180;
	s8 =	simm.s32 $0x14E00  }
0x63: {  	[tilespmem:s8], [sflag:$0x4] =	stream.indirect.gather [hbm4b:s4+s22], $0x40, s6, s22, $0xb8;
	[tilespmem:$0x1EF00] =	vst v63  }
0x64: {  	s9 =	simm.s32 $0xA200  }
0x65: {  	[tilespmem:s31], [sflag:$0x5] =	stream.indirect.gather [hbm4b:s4+s22], $0x40, s9, s22, $0xb8;
	[tilespmem:$0x1EF00] =	vst v63  }
0x66: {  	s10 =	simm.s32 $0xA280  }
0x67: {  	[tilespmem:s17], [sflag:$0x6] =	stream.indirect.gather [hbm4b:s4+s22], $0x40, s10, s22, $0xb8;
	[tilespmem:$0x1EF00] =	vst v63  }
0x68: {  	s11 =	simm.s32 $0xA300;
	s16 =	simm.s32 $0x1AE00  }
0x69: {  	[tilespmem:s16], [sflag:$0x7] =	stream.indirect.gather [hbm4b:s4+s22], $0x40, s11, s22, $0xb8;
	[tilespmem:$0x1EF00] =	vst v63  }
0x6a: {  	s24 =	simm.s32 $0xA380;
	s25 =	simm.s32 $0x1CE00  }
0x6b: {  	[tilespmem:s25], [sflag:$0x8] =	stream.indirect.gather [hbm4b:s4+s22], $0x40, s24, s22, $0xb8;
	[tilespmem:$0x1EF00] =	vst v63  }
0x6c: {  	s1 =	simm.s32 $0x6;
	s24 =	simm.s32 $0x0;
	s25 =	simm.s32 $0x0  }
.LBB2_4:
0x6d: {  	_ =	swait.ge [sflag:s28], $0x2000  }
0x6e: {  	s3 =	sshra.s32 s24, $0x2;
	[sflag:s28] =	ssyncset.done $0x0  }
0x6f: {  	s6 =	sadd.s32 $0xC700, s3;
	[sflag:s28] =	ssyncadd.s32 $0xFFFFE000  }
0x70: {  	[spmem:s2] =	stream.indirect.scatter.add.f32 [tilespmem:s18], [sflag:$0xB], $0x40, s6, s22, $0xb8;
	[tilespmem:$0x1EF00] =	vst v63  }
0x71: {  	_ =	swait.ge [sflag:s19], $0x2000  }
0x72: {  	p1 =	seq.s32 s24, $0x9000;
	[sflag:s19] =	ssyncset.done $0x0  }
0x73: {  	s6 =	simm.s32 @p1 $0x2;
	[sflag:s19] =	ssyncadd.s32 $0xFFFFE000  }
0x74: {  	_ =	swait.ge @p1 [sflag:s6], $0x2000  }
0x75: {  	[sflag:s6] =	ssyncset.done @p1 $0x0  }
0x76: {  	[sflag:s6] =	ssyncadd.s32 @p1 $0xFFFFE000;
	s6 =	sshra.s32 @p1 s24, $0x2  }
0x77: {  	s8 =	simm.s32 @p1 $0x80;
	s9 =	simm.s32 @p1 $0x10E00;
	s6 =	sadd.s32 @p1 $0xC780, s6  }
0x78: {  	[spmem:s2] =	stream.indirect.scatter.add.f32 @p1 [tilespmem:s9], [sflag:$0xB], $0x40, s6, s8, $0xb8;
	[tilespmem:$0x1EF00] =	vst v63  }
0x79: {  	s6 =	simm.s32 @p1 $0xB  }
0x7a: {  	_ =	swait.ge @p1 [sflag:s6], $0x2000  }
0x7b: {  	s5 =	simm.s32 @!p1 $0x80;
	s9 =	sshra.s32 @!p1 s24, $0x2;
	[sflag:s6] =	ssyncset.done @p1 $0x0  }
0x7c: {  	s11 =	simm.s32 @!p1 $0xEE00;
	s10 =	sadd.s32 @!p1 $0xA400, s9;
	[sflag:s6] =	ssyncadd.s32 @p1 $0xFFFFE000  }
0x7d: {  	[tilespmem:s11], [sflag:$0x1] =	stream.indirect.gather @!p1 [hbm4b:s4+s5], $0x40, s10, s5, $0xb8;
	[tilespmem:$0x1EF00] =	vst v63  }
0x7e: {  	s10 =	simm.s32 @!p1 $0x2  }
0x7f: {  	_ =	swait.ge @!p1 [sflag:s10], $0x2000  }
0x80: {  	[sflag:s10] =	ssyncset.done @!p1 $0x0  }
0x81: {  	s11 =	simm.s32 @!p1 $0x10E00;
	[sflag:s10] =	ssyncadd.s32 @!p1 $0xFFFFE000;
	s10 =	sadd.s32 @!p1 $0xC780, s9  }
0x82: {  	[spmem:s2] =	stream.indirect.scatter.add.f32 @!p1 [tilespmem:s11], [sflag:$0xB], $0x40, s10, s5, $0xb8;
	[tilespmem:$0x1EF00] =	vst v63  }
0x83: {  	s10 =	simm.s32 @!p1 $0xB  }
0x84: {  	_ =	swait.ge @!p1 [sflag:s10], $0x2000  }
0x85: {  	[sflag:s10] =	ssyncset.done @!p1 $0x0  }
0x86: {  	s16 =	sadd.s32 @!p1 $0xA480, s9;
	[sflag:s10] =	ssyncadd.s32 @!p1 $0xFFFFE000  }
0x87: {  	[tilespmem:s11], [sflag:$0x2] =	stream.indirect.gather @!p1 [hbm4b:s4+s5], $0x40, s16, s5, $0xb8;
	[tilespmem:$0x1EF00] =	vst v63  }
0x88: {  	s11 =	sadd.s32 @!p1 $0x400, s24  }
0x89: {  	s11 =	simm.s32 @p1 $0x9400;
	_ =	swait.ge [sflag:s29], $0x2000  }
0x8a: {  	[sflag:s29] =	ssyncset.done $0x0;
	s11 =	sshra.s32 s11, $0x2  }
0x8b: {  	[sflag:s29] =	ssyncadd.s32 $0xFFFFE000;
	s11 =	sadd.s32 $0xC700, s11  }
0x8c: {  	[spmem:s2] =	stream.indirect.scatter.add.f32 [tilespmem:s26], [sflag:$0xB], $0x40, s11, s22, $0xb8;
	[tilespmem:$0x1EF00] =	vst v63  }
0x8d: {  	_ =	swait.ge [sflag:s19], $0x2000  }
0x8e: {  	[sflag:s19] =	ssyncset.done $0x0  }
0x8f: {  	s11 =	simm.s32 @p1 $0x4;
	[sflag:s19] =	ssyncadd.s32 $0xFFFFE000  }
0x90: {  	_ =	swait.ge @p1 [sflag:s11], $0x2000  }
0x91: {  	[sflag:s11] =	ssyncset.done @p1 $0x0  }
0x92: {  	s16 =	simm.s32 @p1 $0x14E00;
	[sflag:s11] =	ssyncadd.s32 @p1 $0xFFFFE000;
	s11 =	simm.s32 @p1 $0xEC80  }
0x93: {  	[spmem:s2] =	stream.indirect.scatter.add.f32 @p1 [tilespmem:s16], [sflag:$0xB], $0x40, s11, s8, $0xb8;
	[tilespmem:$0x1EF00] =	vst v63  }
0x94: {  	_ =	swait.ge @p1 [sflag:s6], $0x2000  }
0x95: {  	[sflag:s6] =	ssyncset.done @p1 $0x0  }
0x96: {  	s8 =	simm.s32 @!p1 $0x12E00;
	[sflag:s6] =	ssyncadd.s32 @p1 $0xFFFFE000;
	s6 =	sadd.s32 @!p1 $0xA500, s9  }
0x97: {  	[tilespmem:s8], [sflag:$0x3] =	stream.indirect.gather @!p1 [hbm4b:s4+s5], $0x40, s6, s5, $0xb8;
	[tilespmem:$0x1EF00] =	vst v63  }
0x98: {  	s6 =	simm.s32 @!p1 $0x4  }
0x99: {  	_ =	swait.ge @!p1 [sflag:s6], $0x2000  }
0x9a: {  	[sflag:s6] =	ssyncset.done @!p1 $0x0  }
0x9b: {  	s8 =	simm.s32 @!p1 $0x14E00;
	[sflag:s6] =	ssyncadd.s32 @!p1 $0xFFFFE000;
	s6 =	sadd.s32 @!p1 $0xC880, s9  }
0x9c: {  	[spmem:s2] =	stream.indirect.scatter.add.f32 @!p1 [tilespmem:s8], [sflag:$0xB], $0x40, s6, s5, $0xb8;
	[tilespmem:$0x1EF00] =	vst v63  }
0x9d: {  	_ =	swait.ge @!p1 [sflag:s10], $0x2000  }
0x9e: {  	[sflag:s10] =	ssyncset.done @!p1 $0x0  }
0x9f: {  	s6 =	sadd.s32 @!p1 $0xA580, s9;
	[sflag:s10] =	ssyncadd.s32 @!p1 $0xFFFFE000  }
0xa0: {  	[tilespmem:s8], [sflag:$0x4] =	stream.indirect.gather @!p1 [hbm4b:s4+s5], $0x40, s6, s5, $0xb8;
	[tilespmem:$0x1EF00] =	vst v63  }
0xa1: {  	s5 =	sadd.s32 @!p1 $0x800, s24  }
0xa2: {  	s5 =	simm.s32 @p1 $0x9800;
	_ =	swait.ge [sflag:s30], $0x2000  }
0xa3: {  	[sflag:s30] =	ssyncset.done $0x0;
	s5 =	sshra.s32 s5, $0x2  }
.Ltmp3:
0xa4: {  	[sflag:s30] =	ssyncadd.s32 $0xFFFFE000;
	s5 =	sadd.s32 $0xC700, s5;
	(pc) =	sbr.rel @p1 .LBB2_8-.Ltmp3, $4  }
0xa5: {  	[spmem:s2] =	stream.indirect.scatter.add.f32 [tilespmem:s31], [sflag:$0xB], $0x40, s5, s22, $0xb8;
	[tilespmem:$0x1EF00] =	vst v63  }
0xa6: {  	_ =	swait.ge [sflag:s19], $0x2000  }
0xa7: {  	[sflag:s19] =	ssyncset.done $0x0  }
0xa8: {  	[sflag:s19] =	ssyncadd.s32 $0xFFFFE000  }
0xa9: {  	s5 =	sadd.s32 $0xA600, s3  }
0xaa: {  	[tilespmem:s31], [sflag:$0x5] =	stream.indirect.gather [hbm4b:s4+s22], $0x40, s5, s22, $0xb8;
	[tilespmem:$0x1EF00] =	vst v63  }
0xab: {  	_ =	swait.ge [sflag:s0], $0x2000  }
0xac: {  	[sflag:s0] =	ssyncset.done $0x0  }
0xad: {  	s11 =	sadd.s32 $0xC980, s3;
	[sflag:s0] =	ssyncadd.s32 $0xFFFFE000  }
0xae: {  	[spmem:s2] =	stream.indirect.scatter.add.f32 [tilespmem:s17], [sflag:$0xB], $0x40, s11, s22, $0xb8;
	[tilespmem:$0x1EF00] =	vst v63  }
0xaf: {  	_ =	swait.ge [sflag:s19], $0x2000  }
0xb0: {  	p1 =	sgt.u32 s1, $0x4D;
	[sflag:s19] =	ssyncset.done $0x0  }
0xb1: {  	s16 =	sadd.s32 $0xA680, s3;
	s3 =	simm.s32 @!p1 $0x7;
	[sflag:s19] =	ssyncadd.s32 $0xFFFFE000  }
0xb2: {  	[tilespmem:s17], [sflag:$0x6] =	stream.indirect.gather [hbm4b:s4+s22], $0x40, s16, s22, $0xb8;
	[tilespmem:$0x1EF00] =	vst v63  }
0xb3: {  	_ =	swait.ge @!p1 [sflag:s3], $0x2000  }
0xb4: {  	[sflag:s3] =	ssyncset.done @!p1 $0x0  }
0xb5: {  	[sflag:s3] =	ssyncadd.s32 @!p1 $0xFFFFE000;
	s3 =	sshra.s32 @!p1 s24, $0x2  }
0xb6: {  	s5 =	simm.s32 @!p1 $0x80;
	s6 =	simm.s32 @!p1 $0x1AE00;
	s3 =	sadd.s32 @!p1 $0xCA00, s3  }
0xb7: {  	[spmem:s2] =	stream.indirect.scatter.add.f32 @!p1 [tilespmem:s6], [sflag:$0xB], $0x40, s3, s5, $0xb8;
	[tilespmem:$0x1EF00] =	vst v63  }
0xb8: {  	s3 =	simm.s32 @!p1 $0xB  }
0xb9: {  	p2 =	sgt.u32 @!p1 s25, $0x7;
	_ =	swait.ge @!p1 [sflag:s3], $0x2000  }
0xba: {  	p3 =	por !p2, p1;
	[sflag:s3] =	ssyncset.done @!p1 $0x0  }
0xbb: {  	[sflag:s3] =	ssyncadd.s32 @!p1 $0xFFFFE000;
	s3 =	simm.s32 @!p3 $0x8  }
0xbc: {  	_ =	swait.ge @!p3 [sflag:s3], $0x2000  }
0xbd: {  	[sflag:s3] =	ssyncset.done @!p3 $0x0  }
0xbe: {  	[sflag:s3] =	ssyncadd.s32 @!p3 $0xFFFFE000;
	s3 =	sshra.s32 @!p3 s24, $0x2  }
0xbf: {  	s5 =	simm.s32 @!p3 $0x80;
	s6 =	simm.s32 @!p3 $0x1CE00;
	s3 =	sadd.s32 @!p3 $0xCA80, s3  }
0xc0: {  	[spmem:s2] =	stream.indirect.scatter.add.f32 @!p3 [tilespmem:s6], [sflag:$0xB], $0x40, s3, s5, $0xb8;
	[tilespmem:$0x1EF00] =	vst v63  }
0xc1: {  	s3 =	simm.s32 @!p3 $0xB  }
0xc2: {  	_ =	swait.ge @!p3 [sflag:s3], $0x2000  }
0xc3: {  	p1 =	por p2, p1;
	[sflag:s3] =	ssyncset.done @!p3 $0x0  }
0xc4: {  	[sflag:s3] =	ssyncadd.s32 @!p3 $0xFFFFE000;
	s3 =	sshra.s32 @!p1 s24, $0x2  }
0xc5: {  	s8 =	simm.s32 @!p1 $0x1AE00;
	s6 =	simm.s32 @!p1 $0x80;
	s5 =	sadd.s32 @!p1 $0xA700, s3  }
0xc6: {  	[tilespmem:s8], [sflag:$0x7] =	stream.indirect.gather @!p1 [hbm4b:s4+s6], $0x40, s5, s6, $0xb8;
	[tilespmem:$0x1EF00] =	vst v63  }
0xc7: {  	s5 =	simm.s32 @!p1 $0x8  }
0xc8: {  	_ =	swait.ge @!p1 [sflag:s5], $0x2000  }
0xc9: {  	[sflag:s5] =	ssyncset.done @!p1 $0x0  }
0xca: {  	s8 =	simm.s32 @!p1 $0x1CE00;
	[sflag:s5] =	ssyncadd.s32 @!p1 $0xFFFFE000;
	s5 =	sadd.s32 @!p1 $0xCA80, s3  }
0xcb: {  	[spmem:s2] =	stream.indirect.scatter.add.f32 @!p1 [tilespmem:s8], [sflag:$0xB], $0x40, s5, s6, $0xb8;
	[tilespmem:$0x1EF00] =	vst v63  }
0xcc: {  	s5 =	simm.s32 @!p1 $0xB  }
0xcd: {  	_ =	swait.ge @!p1 [sflag:s5], $0x2000  }
0xce: {  	[sflag:s5] =	ssyncset.done @!p1 $0x0  }
0xcf: {  	s24 =	sadd.s32 $0x1000, s24;
	s3 =	sadd.s32 @!p1 $0xA780, s3;
	[sflag:s5] =	ssyncadd.s32 @!p1 $0xFFFFE000  }
0xd0: {  	[tilespmem:s8], [sflag:$0x8] =	stream.indirect.gather @!p1 [hbm4b:s4+s6], $0x40, s3, s6, $0xb8;
	[tilespmem:$0x1EF00] =	vst v63  }
0xd1: {  	p1 =	sne.s32 s24, $0xA000  }
.Ltmp4:
0xd2: {  	_ = 	snop;
	(pc) =	sbr.rel @p1 .LBB2_4-.Ltmp4, $4  }
.Ltmp5:
0xd3: {  	_ = 	snop;
	(pc) =	sbr.rel @!p1 .LBB2_6-.Ltmp5, $4  }
0xd4: {  	_ = 	snop  }
0xd5: {  	_ = 	snop  }
0xd6: {  	s1 =	sadd.s32 $0x8, s1;
	s25 =	sadd.s32 $0x1, s25  }
0xd7: {  	_ = 	snop  }
.LBB2_7:
0xd8: {  	_ =	sfence.sel $0x180000  }
0xd9: {  	[bflag:$0x0] =	sbarrier.arrive $0xFFFF  }
0xda: {  	_ =	strace $0x9000004A  }
0xdb: {  	s0 =	stileid.u32;
	[bflag:$0x2] =	sbarrier.arrive $0xFFFF  }
0xdc: {  	p0 =	sne.s32 s0, $0x0;
	s0 =	rddreg [dreg:$0x2]  }
0xdd: {  	s0 =	sadd.s32 @!p0 $0x100000, s0  }
0xde: {  	[sflag:s0] =	ssyncadd.tile.s32 @!p0 $0x1;
	_ =	shalt  }
.Lfunc_end2:
_tile_overlayer_lowered:
.L_overlay_start_2:
0xdf: {  	(tag) =	ssettag $0x2  }
0xe0: {  	s0 =	rddreg [dreg:$0x0];
	s2 =	stileid.u32  }
0xe1: {  	s1 =	rddreg [dreg:$0x1];
	p0 =	sne.s32 s2, $0x0  }
0xe2: {  	s3 =	rddreg [dreg:$0x2];
	[bflag:$0x3] =	sbarrier.arrive $0xFFFF;
	s2 =	simm.s32 @!p0 $0x1C0B  }
0xe3: {  	[timem:s3], [sflag:s2] =	dma.local @!p0 [hbm:s0], s1  }
0xe4: {  	s0 =	simm.s32 @!p0 $0xB  }
0xe5: {  	_ =	swait.ge @!p0 [sflag:s0], s1  }
0xe6: {  	s1 =	ssub.s32 @!p0 $0x0, s1;
	[sflag:s0] =	ssyncset.done @!p0 $0x0  }
0xe7: {  	[sflag:s0] =	ssyncadd.s32 @!p0 s1  }
0xe8: {  	[bflag:$0x3] =	sbarrier.arrive $0xFFFF  }
0xe9: {  	_ =	shalt  }

// kernel: kernel.15.cloned.1.call-start
scs
__scs_entry_jumppad:
0x0: {  	(pc) =	sbr.rel $0x88, $3  }
0x1: {  	(tag) =	ssettag $0x0;
	lr =	simm.s32 $0x1  }
0x2: {  	[smem:$0x3F92] =	sst lr;
	_ =	strace $0xD0000000  }
0x3: {  	_ = 	snop  }
0x4: {  	_ = 	snop  }
0x5: {  	_ = 	snop  }
0x6: {  	_ = 	snop  }
0x7: {  	_ = 	snop  }
__scs_overlays_trampoline_lowered:
0x8: {  	[smem:$0x3FA1] =	sst s0  }
0x9: {  	[smem:$0x3FA2] =	sst s1  }
0xa: {  	[smem:$0x3FA3] =	sst s2  }
0xb: {  	[smem:$0x3FA4] =	sst s3  }
0xc: {  	[smem:$0x3FA5] =	sst s4  }
0xd: {  	[smem:$0x3FA6] =	sst s5  }
0xe: {  	[smem:$0x3FA7] =	sst s6  }
0xf: {  	[smem:$0x3FA8] =	sst s7  }
0x10: {  	[smem:$0x3FA9] =	sst s8  }
0x11: {  	[smem:$0x3FAA] =	sst s9;
	s0 =	simm.s32 @!p0 $0x0  }
0x12: {  	s1 =	sld [smem:$0x3F90];
	s0 =	simm.s32 @p0 $0x1  }
0x13: {  	[smem:$0x3FAB] =	sst s0;
	s0 =	simm.s32 @!p1 $0x0  }
0x14: {  	s2 =	sld [smem:$0x3F8F];
	s0 =	simm.s32 @p1 $0x1  }
0x15: {  	[smem:$0x3FAC] =	sst s0;
	s0 =	simm.s32 @!p2 $0x0  }
0x16: {  	s3 =	sld [smem:$0x3FDB];
	s0 =	simm.s32 @p2 $0x1  }
0x17: {  	s4 =	simm.s32 $0x1BF5;
	[smem:$0x3FAE] =	sst s0  }
0x18: {  	s0 =	sld [smem:$0x3F91];
	_ =	swait.ge [sflag:s4], $0x0  }
0x19: {  	s7 =	sld [smem:$0x3F92]  }
0x1a: {  	s8 =	sadd.s32 $0xFFFFE003, lr  }
0x1b: {  	s9 =	sadd.s32 $0xFFFFFEF7, lr;
	s5 =	simm.s32 $0xFFFFFFFF;
	p2 =	slt.u32 s8, $0xFFFFF086  }
0x1c: {  	p1 =	slt.u32 s9, $0xF7A;
	s5 =	simm.s32 @!p2 $0x0  }
0x1d: {  	s5 =	simm.s32 @p1 $0x1;
	p0 =	seq.s32 s7, s2  }
0x1e: {  	s7 =	smul.u32 @!p0 $0xF7A, s2;
	p2 =	seq.s32 @!p0 s5, $0x0  }
0x1f: {  	s9 =	smul.u32 $0xF7A, s1;
	s8 =	simm.s32 @!p0 $0x1BF5;
	p2 =	por !p2, p0  }
0x20: {  	[sflag:s8] =	ssyncset.s32 @!p0 $0xFFFFF086;
	s6 =	sadd.s32 @!p0 s3, s7;
	s7 =	simm.s32 @!p0 $0x108  }
0x21: {  	s3 =	sadd.s32 s3, s9;
	s6 =	sadd.s32 @!p0 $0x88, s6;
	s7 =	simm.s32 @p2 $0x1082  }
0x22: {  	[simem:s7], [sflag:s8] =	dma.local @!p0 [hbm:s6], $0xF7A  }
0x23: {  	s9 =	sor.u32 $0xD0000000, s2;
	s6 =	simm.s32 $0x108;
	_ =	swait.ge @!p0 [sflag:s8], $0x0  }
0x24: {  	s3 =	sadd.s32 $0x88, s3;
	s6 =	simm.s32 @!p1 $0x1082;
	[sflag:s4] =	ssyncset.s32 $0xFFFFF086  }
0x25: {  	[simem:s6], [sflag:s4] =	dma.local [hbm:s3], $0xF7A  }
0x26: {  	[smem:$0x3F92] =	sst s1;
	(tag) =	ssettag s2;
	_ =	strace s9  }
0x27: {  	s1 =	sld [smem:$0x3FA2]  }
0x28: {  	s2 =	sld [smem:$0x3FA3]  }
0x29: {  	s4 =	sld [smem:$0x3FA5]  }
0x2a: {  	p0 =	seq.s32 s5, $0x0;
	s5 =	sld [smem:$0x3FA6]  }
0x2b: {  	s6 =	sld [smem:$0x3FA7]  }
0x2c: {  	s7 =	sld [smem:$0x3FA8]  }
0x2d: {  	s3 =	simm.s32 $0x108;
	s8 =	sld [smem:$0x3FA9]  }
0x2e: {  	s3 =	simm.s32 @!p0 $0x1082;
	s9 =	sld [smem:$0x3FAA]  }
0x2f: {  	lr =	sadd.s32 s0, s3;
	s0 =	sld [smem:$0x3FA1]  }
0x30: {  	s3 =	sld [smem:$0x3FA4]  }
0x31: {  	[smem:$0x3FAD] =	sst s10  }
0x32: {  	s10 =	sld [smem:$0x3FAB];
	_ =	sdelay $0x3  }
0x33: {  	p0 =	seq.s32 s10, $0x1;
	s10 =	sld [smem:$0x3FAD];
	_ =	sdelay $0x3  }
0x34: {  	[smem:$0x3FAD] =	sst s10  }
0x35: {  	s10 =	sld [smem:$0x3FAC];
	_ =	sdelay $0x3  }
0x36: {  	p1 =	seq.s32 s10, $0x1;
	s10 =	sld [smem:$0x3FAD];
	_ =	sdelay $0x3  }
0x37: {  	[smem:$0x3FAD] =	sst s10  }
0x38: {  	s10 =	sld [smem:$0x3FAE]  }
0x39: {  	_ = 	snop;
	(pc) =	sbr.ind lr, $3  }
0x3a: {  	_ = 	snop  }
0x3b: {  	_ = 	snop  }
0x3c: {  	p2 =	seq.s32 s10, $0x1;
	s10 =	sld [smem:$0x3FAD]  }
0x3d: {  	_ =	shalt  }
0x3e: {  	_ =	shalt  }
0x3f: {  	_ =	shalt  }
0x40: {  	_ =	shalt  }
0x41: {  	_ =	shalt  }
0x42: {  	_ =	shalt  }
0x43: {  	_ =	shalt  }
0x44: {  	_ =	shalt  }
0x45: {  	_ =	shalt  }
0x46: {  	_ =	shalt  }
0x47: {  	_ =	shalt  }
0x48: {  	_ =	shalt  }
0x49: {  	_ =	shalt  }
0x4a: {  	_ =	shalt  }
0x4b: {  	_ =	shalt  }
0x4c: {  	_ =	shalt  }
0x4d: {  	_ =	shalt  }
0x4e: {  	_ =	shalt  }
0x4f: {  	_ =	shalt  }
0x50: {  	_ =	shalt  }
0x51: {  	_ =	shalt  }
0x52: {  	_ =	shalt  }
0x53: {  	_ =	shalt  }
0x54: {  	_ =	shalt  }
0x55: {  	_ =	shalt  }
0x56: {  	_ =	shalt  }
0x57: {  	_ =	shalt  }
0x58: {  	_ =	shalt  }
0x59: {  	_ =	shalt  }
0x5a: {  	_ =	shalt  }
0x5b: {  	_ =	shalt  }
0x5c: {  	_ =	shalt  }
0x5d: {  	_ =	shalt  }
0x5e: {  	_ =	shalt  }
0x5f: {  	_ =	shalt  }
0x60: {  	_ =	shalt  }
0x61: {  	_ =	shalt  }
0x62: {  	_ =	shalt  }
0x63: {  	_ =	shalt  }
0x64: {  	_ =	shalt  }
0x65: {  	_ =	shalt  }
0x66: {  	_ =	shalt  }
0x67: {  	_ =	shalt  }
0x68: {  	_ =	shalt  }
0x69: {  	_ =	shalt  }
0x6a: {  	_ =	shalt  }
0x6b: {  	_ =	shalt  }
0x6c: {  	_ =	shalt  }
0x6d: {  	_ =	shalt  }
0x6e: {  	_ =	shalt  }
0x6f: {  	_ =	shalt  }
0x70: {  	_ =	shalt  }
0x71: {  	_ =	shalt  }
0x72: {  	_ =	shalt  }
0x73: {  	_ =	shalt  }
0x74: {  	_ =	shalt  }
0x75: {  	_ =	shalt  }
0x76: {  	_ =	shalt  }
0x77: {  	_ =	shalt  }
0x78: {  	_ =	shalt  }
0x79: {  	_ =	shalt  }
0x7a: {  	_ =	shalt  }
0x7b: {  	_ =	shalt  }
0x7c: {  	_ =	shalt  }
0x7d: {  	_ =	shalt  }
0x7e: {  	_ =	shalt  }
0x7f: {  	_ =	shalt  }
0x80: {  	_ =	shalt  }
0x81: {  	_ =	shalt  }
0x82: {  	_ =	shalt  }
0x83: {  	_ =	shalt  }
0x84: {  	_ =	shalt  }
0x85: {  	_ =	shalt  }
0x86: {  	_ =	shalt  }
0x87: {  	_ =	shalt  }
.Lfunc_end0:
.L_simem_size_0:
called_computation.2_lowered:
.L_overlay_start_0:
0x88: {  	s2 =	sld [smem:$0x3FD9]  }
0x89: {  	s3 =	sld [smem:$0x3FFE];
	_ =	sdelay $0x1  }
0x8a: {  	s1 =	srdreg.scid  }
0x8b: {  	s0 =	sand.u32 $0x1, s1  }
0x8c: {  	s16 =	sshll.u32 s0, $0xA;
	s2 =	sadd.s32 s3, s2  }
0x8d: {  	s2 =	sadd.s32 s2, s16  }
0x8e: {  	[smem:$0x3FB9] =	sst s2  }
0x8f: {  	_ = 	snop  }
0x90: {  	(tm) =	ssettm $0x1  }
0x91: {  	s17 =	sld [smem:$0x3FFB];
	_ =	sdelay $0x3  }
0x92: {  	_ =	strace s17  }
0x93: {  	s2 =	sld [smem:$0x3FFC];
	_ =	sdelay $0x3  }
0x94: {  	_ =	strace s2  }
0x95: {  	s2 =	sld [smem:$0x3FFD];
	_ =	sdelay $0x3  }
0x96: {  	_ =	strace s2  }
0x97: {  	_ =	strace $0x8FFFFFFF  }
0x98: {  	s18 =	sld [smem:$0x3FDB];
	_ =	sdelay $0x1  }
0x99: {  	s19 =	simm.s32 $_scs_section_size  }
0x9a: {  	s4 =	simm.s32 $_size__tile_overlayer_lowered;
	s5 =	simm.s32 $_tile_overlayer_lowered  }
0x9b: {  	s22 =	simm.s32 $0x1BFF;
	s21 =	sshll.u32 s5, $0x1;
	s2 =	sadd.s32 s19, s18  }
0x9c: {  	s6 =	simm.s32 $0x0;
	s20 =	sshll.u32 s4, $0x1;
	s4 =	sadd.s32 s21, s2  }
0x9d: {  	[timem:s6], [sflag:s22] =	dma.local [hbm:s4], s20  }
0x9e: {  	_ =	swait.ge [sflag:s22], s20  }
0x9f: {  	s3 =	ssub.s32 $0x0, s20;
	[sflag:s22] =	ssyncset.done $0x0  }
0xa0: {  	[sflag:s22] =	ssyncadd.s32 s3;
	_ =	sdelay $0x1  }
0xa1: {  	s23 =	simm.s32 $0x1B8B  }
0xa2: {  	_ =	swait.ge [sflag:s23], $0x1  }
0xa3: {  	[sflag:s23] =	ssyncset.done $0x0  }
0xa4: {  	s25 =	simm.s32 $0x1B8E;
	s24 =	sld [smem:$0x3FFE];
	[sflag:s23] =	ssyncadd.s32 $0xFFFFFFFF  }
0xa5: {  	s26 =	simm.s32 $execute0_lowered;
	[smem:$0x3FD2] =	sst s25  }
0xa6: {  	s4 =	sshll.u32 s26, $0x1;
	_ =	strace $0x8000004C;
	[dreg:$0x1] =	wrdreg $0xFFFFFFFF  }
0xa7: {  	s28 =	simm.s32 $_size_execute0_lowered;
	s2 =	sadd.s32 s2, s4;
	[dreg:$0x0] =	wrdreg $0x0  }
0xa8: {  	s4 =	sshll.u32 s28, $0x1;
	[dreg:$0x2] =	wrdreg s2  }
0xa9: {  	[dreg:$0x3] =	wrdreg s4  }
0xaa: {  	[dreg:$0x4] =	wrdreg $0xC0  }
0xab: {  	_ =	task [dreg:s6], $0x5FFFF  }
0xac: {  	[dreg:$0x1] =	wrdreg $0xFFFFFFFF  }
0xad: {  	[dreg:$0x0] =	wrdreg $0x60  }
0xae: {  	[dreg:$0x2] =	wrdreg s24  }
0xaf: {  	[dreg:$0x3] =	wrdreg $0x0  }
0xb0: {  	[dreg:$0x4] =	wrdreg $0x9  }
0xb1: {  	_ =	task.clear_ibuf [dreg:s6], $0x5FFFF;
	_ =	strace $0x9000004C  }
0xb2: {  	s29 =	simm.s32 $0x9;
	_ =	strace $0x8000004E  }
0xb3: {  	_ =	swait.ge [sflag:s29], $0x1  }
0xb4: {  	[sflag:s29] =	ssyncadd.s32 $0xFFFFFFFF  }
0xb5: {  	_ =	strace $0x9000004E  }
0xb6: {  	_ =	sfence  }
0xb7: {  	s30 =	sld [smem:$0x0];
	_ =	sdelay $0x2  }
0xb8: {  	s31 =	sshll.u32 s1, $0xD;
	s1 =	sshrl.u32 s1, $0x2  }
0xb9: {  	s3 =	sand.u32 $0x4000, s31;
	s1 =	sadd.s32 s1, s30  }
0xba: {  	s0 =	sor.u32 s3, s0;
	s1 =	sshll.u32 s1, $0x11  }
0xbb: {  	s0 =	sor.u32 s1, s0  }
0xbc: {  	s0 =	sadd.s32 $0x8F2B, s0  }
0xbd: {  	[sflag:s0] =	ssyncadd.remote.s32 $0x1  }
0xbe: {  	_ =	sfence.sel $0xFFFF  }
0xbf: {  	[dreg:$0x0] =	wrdreg $0xFFFFFFFF;
	(pc) =	sbr.abs _section_cstart, $3  }
0xc0: {  	[dreg:$0x1] =	wrdreg $0xFFFFFFFF  }
0xc1: {  	_ =	task.clear_ibuf [dreg:s6], $0x2FFFF;
	_ =	strace $0x9FFFFFFF  }
0xc2: {  	(tm) =	ssettm $0x7FFFFFFF  }
0xc3: {  	_ =	shalt  }
tec
execute0_lowered:
.L_overlay_start_1:
0x0: {  	(tag) =	ssettag $0x1  }
0x1: {  	s0 =	rddreg [dreg:$0x0]  }
0x2: {  	s2 =	rddreg [dreg:$0x1];
	s1 =	srdreg.scid  }
0x3: {  	s8 =	stileid.u32;
	s4 =	simm.s32 $0x0;
	s18 =	simm.s32 $0x9E00  }
0x4: {  	s31 =	simm.s32 $0xDE00;
	s28 =	simm.s32 $0x1;
	s29 =	simm.s32 $0x3  }
0x5: {  	s30 =	simm.s32 $0x5;
	s1 =	sand.u32 $0x1, s1;
	s3 =	smul.u32 $0x5000, s8  }
0x6: {  	[smem:$0x7FF] =	sst s4;
	s4 =	sadd.s32 $0x16A00, s0;
	s7 =	smul.u32 $0x14000, s8  }
0x7: {  	s11 =	sadd.s32 $0x3000, s0;
	s23 =	sshll.u32 s8, $0x4;
	s5 =	smul.u32 $0x50000, s1  }
0x8: {  	s19 =	sshll.u32 s1, $0x4;
	_ =	strace $0x8000004D;
	s1 =	ssub.s32 $0x2, s1  }
0x9: {  	s17 =	sor.u32 s8, s19;
	s21 =	sshrl.u32 s1, $0x1;
	s7 =	sshrl.u32 s7, $0x2  }
0xa: {  	s19 =	simm.s32 $0xB;
	s5 =	sadd.s32 s3, s5;
	s6 =	smul.u32 $0x2700, s17  }
0xb: {  	s1 =	ssub.s32 s1, s21;
	s12 =	sadd.s32 s7, s2;
	s7 =	sadd.s32 s3, s2  }
0xc: {  	s3 =	sadd.s32 s23, s11;
	s21 =	simm.s32 $0xA;
	p0 =	sgt.u32 s17, $0x3  }
0xd: {  	s17 =	simm.s32 $0xEE00;
	s23 =	simm.s32 $0x0;
	s5 =	sshrl.u32 s5, $0x3  }
0xe: {  	s22 =	sadd.s32 $0x1000, s12;
	s24 =	sadd.s32 $0x2000, s12;
	s25 =	sadd.s32 $0x3000, s12  }
0xf: {  	s26 =	sadd.s32 $0x4000, s12;
	s12 =	sadd.s32 $0x9C00, s3;
	[dreg:$0x5] =	wrdreg s22  }
0x10: {  	s13 =	sadd.s32 $0x13840, s3;
	s15 =	smax.u32 s1, $0x1;
	[dreg:$0x6] =	wrdreg s24  }
.Ltmp0:
0x11: {  	s0 =	sadd.s32 s5, s0;
	[dreg:$0x7] =	wrdreg s25;
	(pc) =	sbr.rel .LBB2_1-.Ltmp0, $4  }
0x12: {  	s20 =	sshrl.u32 s6, $0x3;
	[dreg:$0x8] =	wrdreg s26;
	s22 =	simm.s32 $0x80  }
0x13: {  	s26 =	simm.s32 $0xBE00;
	s5 =	sadd.s32 s11, s20;
	s14 =	sadd.s32 $0x20800, s0  }
0x14: {  	s20 =	simm.s32 $0x9;
	[dreg:$0x3] =	wrdreg s5;
	s5 =	sadd.s32 $0x9C40, s5  }
0x15: {  	v0 =	vimm.f32 $0.0e+00;
	s0 =	simm.s32 $0x6;
	[dreg:$0x4] =	wrdreg s5;
	s5 =	simm.s32 $0x5000  }
.LBB2_8:
0x16: {  	_ =	swait.ge [sflag:s0], $0x1000  }
0x17: {  	[sflag:s0] =	ssyncset.done $0x0  }
0x18: {  	s1 =	simm.s32 $0x9D80;
	[sflag:s0] =	ssyncadd.s32 $0xFFFFF000  }
0x19: {  	[spmem:s2] =	stream.indirect.scatter.add.f32 [tilespmem:s17], [sflag:$0xB], $0x20, s1, s22, $0xb8;
	[tilespmem:$0x11F00] =	vst v63  }
0x1a: {  	_ =	swait.ge [sflag:s19], $0x1000  }
0x1b: {  	[sflag:s19] =	ssyncset.done $0x0  }
0x1c: {  	[sflag:s19] =	ssyncadd.s32 $0xFFFFF000  }
.LBB2_6:
0x1d: {  	s1 =	simm.s32 @!p0 $0x0;
	s3 =	simm.s32 @!p0 $0x11E00;
	s5 =	simm.s32 @!p0 $0xB  }
0x1e: {  	[tilespmem:s3], [sflag:$0xB] =	stream.linear.gather @!p0 [hbm4b:s12+s1], $0x80, $0x38;
	[tilespmem:$0x11F00] =	vst v63  }
0x1f: {  	_ =	swait.ge @!p0 [sflag:s5], $0x80  }
0x20: {  	[sflag:s5] =	ssyncset.done @!p0 $0x0  }
0x21: {  	s6 =	simm.s32 @!p0 $0x11E80;
	[sflag:s5] =	ssyncadd.s32 @!p0 $0xFFFFFF80  }
0x22: {  	[tilespmem:s6], [sflag:$0xB] =	stream.linear.gather @!p0 [hbm4b:s13+s1], $0x80, $0x38;
	[tilespmem:$0x11F00] =	vst v63  }
0x23: {  	_ =	swait.ge @!p0 [sflag:s5], $0x80  }
0x24: {  	[sflag:s5] =	ssyncset.done @!p0 $0x0  }
0x25: {  	s8 =	simm.s32 @!p0 $0x9E00;
	s1 =	simm.s32 @!p0 $0x80;
	[sflag:s5] =	ssyncadd.s32 @!p0 $0xFFFFFF80  }
0x26: {  	[tilespmem:s8], [sflag:$0x1] =	stream.indirect.gather @!p0 [hbm4b:s4+s1], $0x20, s3, s1, $0xb8;
	[tilespmem:$0x11F00] =	vst v63  }
0x27: {  	s3 =	simm.s32 @!p0 $0x1  }
0x28: {  	_ =	swait.ge @!p0 [sflag:s3], $0x1000  }
0x29: {  	[sflag:s3] =	ssyncset.done @!p0 $0x0  }
0x2a: {  	[sflag:s3] =	ssyncadd.s32 @!p0 $0xFFFFF000  }
0x2b: {  	[spmem:s2] =	stream.indirect.scatter.add.f32 @!p0 [tilespmem:s8], [sflag:$0xB], $0x20, s6, s1, $0xb8;
	[tilespmem:$0x11F00] =	vst v63  }
0x2c: {  	s24 =	stileid.u32;
	_ =	swait.ge @!p0 [sflag:s5], $0x1000  }
0x2d: {  	s25 =	sshrl.u32 s7, $0x3;
	s23 =	sadd.s32 $0x1, s23;
	[sflag:s5] =	ssyncset.done @!p0 $0x0  }
0x2e: {  	p1 =	sne.s32 s23, s15;
	s1 =	sshll.u32 s24, $0x6;
	[sflag:s5] =	ssyncadd.s32 @!p0 $0xFFFFF000  }
.Ltmp1:
0x2f: {  	s1 =	sor.u32 $0x1C0B, s1;
	[bflag:$0x0] =	sbarrier.arrive $0xFFFF;
	(pc) =	sbr.rel @!p1 .LBB2_7-.Ltmp1, $4  }
0x30: {  	[hbm:s14], [sflag:s1] =	dma.local [spmem:s25], $0xA00  }
0x31: {  	_ =	swait.ge [sflag:s19], $0xA00  }
0x32: {  	[sflag:s19] =	ssyncset.done $0x0  }
0x33: {  	s5 =	simm.s32 $0x5000;
	[sflag:s19] =	ssyncadd.s32 $0xFFFFF600  }
.LBB2_1:
0x34: {  	s1 =	simm.s32 $0x0;
	s3 =	rddreg [dreg:$0x3]  }
0x35: {  	[tilespmem:s5], [sflag:$0x9] =	stream.linear.gather [hbm4b:s3+s1], $0x2700, $0x38;
	[tilespmem:$0x11F00] =	vst v63  }
0x36: {  	s25 =	rddreg [dreg:$0x4];
	s6 =	simm.s32 $0x7700  }
0x37: {  	[tilespmem:s6], [sflag:$0xA] =	stream.linear.gather [hbm4b:s25+s1], $0x2700, $0x38;
	[tilespmem:$0x11F00] =	vst v63  }
0x38: {  	s3 =	simm.s32 $0x0;
	s1 =	simm.s32 $0x80  }
.LBB2_2:
0x39: {  	p1 =	sne.s32 s1, $0x3F80;
	[tilespmem:s3+$0x9E00] =	vst v0;
	s24 =	smov.u32 s1;
	s1 =	sadd.s32 $0x80, s1  }
.Ltmp2:
0x3a: {  	[tilespmem:s3+$0x9E10] =	vst v0;
	(pc) =	sbr.rel @p1 .LBB2_2-.Ltmp2, $2  }
0x3b: {  	_ =	sdelay $0x2  }
0x3c: {  	s3 =	sshra.s32 s24, $0x2  }
0x3d: {  	[tilespmem:s3+$0x9E00] =	vst v0  }
0x3e: {  	[tilespmem:s3+$0x9E10] =	vst v0  }
0x3f: {  	[spmem:s7] =	stream.linear.scatter [tilespmem:s18], [sflag:$0xB], $0x1000, $0x38;
	[tilespmem:$0x11F00] =	vst v63  }
0x40: {  	_ =	swait.ge [sflag:s19], $0x1000  }
0x41: {  	[sflag:s19] =	ssyncset.done $0x0  }
0x42: {  	s1 =	rddreg [dreg:$0x5];
	[sflag:s19] =	ssyncadd.s32 $0xFFFFF000  }
0x43: {  	[spmem:s1] =	stream.linear.scatter [tilespmem:s18], [sflag:$0xB], $0x1000, $0x38;
	[tilespmem:$0x11F00] =	vst v63  }
0x44: {  	_ =	swait.ge [sflag:s19], $0x1000  }
0x45: {  	[sflag:s19] =	ssyncset.done $0x0  }
0x46: {  	s10 =	rddreg [dreg:$0x6];
	[sflag:s19] =	ssyncadd.s32 $0xFFFFF000  }
0x47: {  	[spmem:s10] =	stream.linear.scatter [tilespmem:s18], [sflag:$0xB], $0x1000, $0x38;
	[tilespmem:$0x11F00] =	vst v63  }
0x48: {  	_ =	swait.ge [sflag:s19], $0x1000  }
0x49: {  	[sflag:s19] =	ssyncset.done $0x0  }
0x4a: {  	s11 =	rddreg [dreg:$0x7];
	[sflag:s19] =	ssyncadd.s32 $0xFFFFF000  }
0x4b: {  	[spmem:s11] =	stream.linear.scatter [tilespmem:s18], [sflag:$0xB], $0x1000, $0x38;
	[tilespmem:$0x11F00] =	vst v63  }
0x4c: {  	_ =	swait.ge [sflag:s19], $0x1000  }
0x4d: {  	[sflag:s19] =	ssyncset.done $0x0  }
0x4e: {  	s16 =	rddreg [dreg:$0x8];
	[sflag:s19] =	ssyncadd.s32 $0xFFFFF000  }
0x4f: {  	[spmem:s16] =	stream.linear.scatter [tilespmem:s18], [sflag:$0xB], $0x1000, $0x38;
	[tilespmem:$0x11F00] =	vst v63  }
0x50: {  	_ =	swait.ge [sflag:s19], $0x1000  }
0x51: {  	[sflag:s19] =	ssyncset.done $0x0  }
0x52: {  	[sflag:s19] =	ssyncadd.s32 $0xFFFFF000  }
0x53: {  	_ =	swait.ge [sflag:s20], $0x2700  }
0x54: {  	[sflag:s20] =	ssyncset.done $0x0  }
0x55: {  	[sflag:s20] =	ssyncadd.s32 $0xFFFFD900  }
0x56: {  	_ =	swait.ge [sflag:s21], $0x2700  }
0x57: {  	[sflag:s21] =	ssyncset.done $0x0  }
0x58: {  	[sflag:s21] =	ssyncadd.s32 $0xFFFFD900  }
0x59: {  	[bflag:$0x0] =	sbarrier.arrive $0xFFFF  }
0x5a: {  	[tilespmem:s18], [sflag:$0x1] =	stream.indirect.gather [hbm4b:s4+s22], $0x20, s5, s22, $0xb8;
	[tilespmem:$0x11F00] =	vst v63  }
0x5b: {  	s24 =	simm.s32 $0x5080;
	s25 =	simm.s32 $0xAE00  }
0x5c: {  	[tilespmem:s25], [sflag:$0x2] =	stream.indirect.gather [hbm4b:s4+s22], $0x20, s24, s22, $0xb8;
	[tilespmem:$0x11F00] =	vst v63  }
0x5d: {  	s5 =	simm.s32 $0x5100  }
0x5e: {  	[tilespmem:s26], [sflag:$0x3] =	stream.indirect.gather [hbm4b:s4+s22], $0x20, s5, s22, $0xb8;
	[tilespmem:$0x11F00] =	vst v63  }
0x5f: {  	s6 =	simm.s32 $0x5180;
	s8 =	simm.s32 $0xCE00  }
0x60: {  	[tilespmem:s8], [sflag:$0x4] =	stream.indirect.gather [hbm4b:s4+s22], $0x20, s6, s22, $0xb8;
	[tilespmem:$0x11F00] =	vst v63  }
0x61: {  	s9 =	simm.s32 $0x5200  }
0x62: {  	[tilespmem:s31], [sflag:$0x5] =	stream.indirect.gather [hbm4b:s4+s22], $0x20, s9, s22, $0xb8;
	[tilespmem:$0x11F00] =	vst v63  }
0x63: {  	s10 =	simm.s32 $0x5280  }
0x64: {  	[tilespmem:s17], [sflag:$0x6] =	stream.indirect.gather [hbm4b:s4+s22], $0x20, s10, s22, $0xb8;
	[tilespmem:$0x11F00] =	vst v63  }
0x65: {  	s11 =	simm.s32 $0x5300;
	s16 =	simm.s32 $0xFE00  }
0x66: {  	[tilespmem:s16], [sflag:$0x7] =	stream.indirect.gather [hbm4b:s4+s22], $0x20, s11, s22, $0xb8;
	[tilespmem:$0x11F00] =	vst v63  }
0x67: {  	s24 =	simm.s32 $0x5380;
	s25 =	simm.s32 $0x10E00  }
0x68: {  	[tilespmem:s25], [sflag:$0x8] =	stream.indirect.gather [hbm4b:s4+s22], $0x20, s24, s22, $0xb8;
	[tilespmem:$0x11F00] =	vst v63  }
0x69: {  	s1 =	simm.s32 $0x6;
	s24 =	simm.s32 $0x0;
	s25 =	simm.s32 $0x0  }
.LBB2_4:
0x6a: {  	_ =	swait.ge [sflag:s28], $0x1000  }
0x6b: {  	s3 =	sshra.s32 s24, $0x2;
	[sflag:s28] =	ssyncset.done $0x0  }
0x6c: {  	s6 =	sadd.s32 $0x7700, s3;
	[sflag:s28] =	ssyncadd.s32 $0xFFFFF000  }
0x6d: {  	[spmem:s2] =	stream.indirect.scatter.add.f32 [tilespmem:s18], [sflag:$0xB], $0x20, s6, s22, $0xb8;
	[tilespmem:$0x11F00] =	vst v63  }
0x6e: {  	_ =	swait.ge [sflag:s19], $0x1000  }
0x6f: {  	p1 =	seq.s32 s24, $0x9000;
	[sflag:s19] =	ssyncset.done $0x0  }
0x70: {  	s6 =	simm.s32 @p1 $0x2;
	[sflag:s19] =	ssyncadd.s32 $0xFFFFF000  }
0x71: {  	_ =	swait.ge @p1 [sflag:s6], $0x1000  }
0x72: {  	[sflag:s6] =	ssyncset.done @p1 $0x0  }
0x73: {  	[sflag:s6] =	ssyncadd.s32 @p1 $0xFFFFF000;
	s6 =	sshra.s32 @p1 s24, $0x2  }
0x74: {  	s8 =	simm.s32 @p1 $0x80;
	s9 =	simm.s32 @p1 $0xAE00;
	s6 =	sadd.s32 @p1 $0x7780, s6  }
0x75: {  	[spmem:s2] =	stream.indirect.scatter.add.f32 @p1 [tilespmem:s9], [sflag:$0xB], $0x20, s6, s8, $0xb8;
	[tilespmem:$0x11F00] =	vst v63  }
0x76: {  	s6 =	simm.s32 @p1 $0xB  }
0x77: {  	_ =	swait.ge @p1 [sflag:s6], $0x1000  }
0x78: {  	s5 =	simm.s32 @!p1 $0x80;
	s9 =	sshra.s32 @!p1 s24, $0x2;
	[sflag:s6] =	ssyncset.done @p1 $0x0  }
0x79: {  	s11 =	simm.s32 @!p1 $0x9E00;
	s10 =	sadd.s32 @!p1 $0x5400, s9;
	[sflag:s6] =	ssyncadd.s32 @p1 $0xFFFFF000  }
0x7a: {  	[tilespmem:s11], [sflag:$0x1] =	stream.indirect.gather @!p1 [hbm4b:s4+s5], $0x20, s10, s5, $0xb8;
	[tilespmem:$0x11F00] =	vst v63  }
0x7b: {  	s10 =	simm.s32 @!p1 $0x2  }
0x7c: {  	_ =	swait.ge @!p1 [sflag:s10], $0x1000  }
0x7d: {  	[sflag:s10] =	ssyncset.done @!p1 $0x0  }
0x7e: {  	s11 =	simm.s32 @!p1 $0xAE00;
	[sflag:s10] =	ssyncadd.s32 @!p1 $0xFFFFF000;
	s10 =	sadd.s32 @!p1 $0x7780, s9  }
0x7f: {  	[spmem:s2] =	stream.indirect.scatter.add.f32 @!p1 [tilespmem:s11], [sflag:$0xB], $0x20, s10, s5, $0xb8;
	[tilespmem:$0x11F00] =	vst v63  }
0x80: {  	s10 =	simm.s32 @!p1 $0xB  }
0x81: {  	_ =	swait.ge @!p1 [sflag:s10], $0x1000  }
0x82: {  	[sflag:s10] =	ssyncset.done @!p1 $0x0  }
0x83: {  	s16 =	sadd.s32 @!p1 $0x5480, s9;
	[sflag:s10] =	ssyncadd.s32 @!p1 $0xFFFFF000  }
0x84: {  	[tilespmem:s11], [sflag:$0x2] =	stream.indirect.gather @!p1 [hbm4b:s4+s5], $0x20, s16, s5, $0xb8;
	[tilespmem:$0x11F00] =	vst v63  }
0x85: {  	s11 =	sadd.s32 @!p1 $0x400, s24  }
0x86: {  	s11 =	simm.s32 @p1 $0x9400;
	_ =	swait.ge [sflag:s29], $0x1000  }
0x87: {  	[sflag:s29] =	ssyncset.done $0x0;
	s11 =	sshra.s32 s11, $0x2  }
0x88: {  	[sflag:s29] =	ssyncadd.s32 $0xFFFFF000;
	s11 =	sadd.s32 $0x7700, s11  }
0x89: {  	[spmem:s2] =	stream.indirect.scatter.add.f32 [tilespmem:s26], [sflag:$0xB], $0x20, s11, s22, $0xb8;
	[tilespmem:$0x11F00] =	vst v63  }
0x8a: {  	_ =	swait.ge [sflag:s19], $0x1000  }
0x8b: {  	[sflag:s19] =	ssyncset.done $0x0  }
0x8c: {  	s11 =	simm.s32 @p1 $0x4;
	[sflag:s19] =	ssyncadd.s32 $0xFFFFF000  }
0x8d: {  	_ =	swait.ge @p1 [sflag:s11], $0x1000  }
0x8e: {  	[sflag:s11] =	ssyncset.done @p1 $0x0  }
0x8f: {  	s16 =	simm.s32 @p1 $0xCE00;
	[sflag:s11] =	ssyncadd.s32 @p1 $0xFFFFF000;
	s11 =	simm.s32 @p1 $0x9C80  }
0x90: {  	[spmem:s2] =	stream.indirect.scatter.add.f32 @p1 [tilespmem:s16], [sflag:$0xB], $0x20, s11, s8, $0xb8;
	[tilespmem:$0x11F00] =	vst v63  }
0x91: {  	_ =	swait.ge @p1 [sflag:s6], $0x1000  }
0x92: {  	[sflag:s6] =	ssyncset.done @p1 $0x0  }
0x93: {  	s8 =	simm.s32 @!p1 $0xBE00;
	[sflag:s6] =	ssyncadd.s32 @p1 $0xFFFFF000;
	s6 =	sadd.s32 @!p1 $0x5500, s9  }
0x94: {  	[tilespmem:s8], [sflag:$0x3] =	stream.indirect.gather @!p1 [hbm4b:s4+s5], $0x20, s6, s5, $0xb8;
	[tilespmem:$0x11F00] =	vst v63  }
0x95: {  	s6 =	simm.s32 @!p1 $0x4  }
0x96: {  	_ =	swait.ge @!p1 [sflag:s6], $0x1000  }
0x97: {  	[sflag:s6] =	ssyncset.done @!p1 $0x0  }
0x98: {  	s8 =	simm.s32 @!p1 $0xCE00;
	[sflag:s6] =	ssyncadd.s32 @!p1 $0xFFFFF000;
	s6 =	sadd.s32 @!p1 $0x7880, s9  }
0x99: {  	[spmem:s2] =	stream.indirect.scatter.add.f32 @!p1 [tilespmem:s8], [sflag:$0xB], $0x20, s6, s5, $0xb8;
	[tilespmem:$0x11F00] =	vst v63  }
0x9a: {  	_ =	swait.ge @!p1 [sflag:s10], $0x1000  }
0x9b: {  	[sflag:s10] =	ssyncset.done @!p1 $0x0  }
0x9c: {  	s6 =	sadd.s32 @!p1 $0x5580, s9;
	[sflag:s10] =	ssyncadd.s32 @!p1 $0xFFFFF000  }
0x9d: {  	[tilespmem:s8], [sflag:$0x4] =	stream.indirect.gather @!p1 [hbm4b:s4+s5], $0x20, s6, s5, $0xb8;
	[tilespmem:$0x11F00] =	vst v63  }
0x9e: {  	s5 =	sadd.s32 @!p1 $0x800, s24  }
0x9f: {  	s5 =	simm.s32 @p1 $0x9800;
	_ =	swait.ge [sflag:s30], $0x1000  }
0xa0: {  	[sflag:s30] =	ssyncset.done $0x0;
	s5 =	sshra.s32 s5, $0x2  }
.Ltmp3:
0xa1: {  	[sflag:s30] =	ssyncadd.s32 $0xFFFFF000;
	s5 =	sadd.s32 $0x7700, s5;
	(pc) =	sbr.rel @p1 .LBB2_8-.Ltmp3, $4  }
0xa2: {  	[spmem:s2] =	stream.indirect.scatter.add.f32 [tilespmem:s31], [sflag:$0xB], $0x20, s5, s22, $0xb8;
	[tilespmem:$0x11F00] =	vst v63  }
0xa3: {  	_ =	swait.ge [sflag:s19], $0x1000  }
0xa4: {  	[sflag:s19] =	ssyncset.done $0x0  }
0xa5: {  	[sflag:s19] =	ssyncadd.s32 $0xFFFFF000  }
0xa6: {  	s5 =	sadd.s32 $0x5600, s3  }
0xa7: {  	[tilespmem:s31], [sflag:$0x5] =	stream.indirect.gather [hbm4b:s4+s22], $0x20, s5, s22, $0xb8;
	[tilespmem:$0x11F00] =	vst v63  }
0xa8: {  	_ =	swait.ge [sflag:s0], $0x1000  }
0xa9: {  	[sflag:s0] =	ssyncset.done $0x0  }
0xaa: {  	s11 =	sadd.s32 $0x7980, s3;
	[sflag:s0] =	ssyncadd.s32 $0xFFFFF000  }
0xab: {  	[spmem:s2] =	stream.indirect.scatter.add.f32 [tilespmem:s17], [sflag:$0xB], $0x20, s11, s22, $0xb8;
	[tilespmem:$0x11F00] =	vst v63  }
0xac: {  	_ =	swait.ge [sflag:s19], $0x1000  }
0xad: {  	p1 =	sgt.u32 s1, $0x4D;
	[sflag:s19] =	ssyncset.done $0x0  }
0xae: {  	s16 =	sadd.s32 $0x5680, s3;
	s3 =	simm.s32 @!p1 $0x7;
	[sflag:s19] =	ssyncadd.s32 $0xFFFFF000  }
0xaf: {  	[tilespmem:s17], [sflag:$0x6] =	stream.indirect.gather [hbm4b:s4+s22], $0x20, s16, s22, $0xb8;
	[tilespmem:$0x11F00] =	vst v63  }
0xb0: {  	_ =	swait.ge @!p1 [sflag:s3], $0x1000  }
0xb1: {  	[sflag:s3] =	ssyncset.done @!p1 $0x0  }
0xb2: {  	[sflag:s3] =	ssyncadd.s32 @!p1 $0xFFFFF000;
	s3 =	sshra.s32 @!p1 s24, $0x2  }
0xb3: {  	s5 =	simm.s32 @!p1 $0x80;
	s6 =	simm.s32 @!p1 $0xFE00;
	s3 =	sadd.s32 @!p1 $0x7A00, s3  }
0xb4: {  	[spmem:s2] =	stream.indirect.scatter.add.f32 @!p1 [tilespmem:s6], [sflag:$0xB], $0x20, s3, s5, $0xb8;
	[tilespmem:$0x11F00] =	vst v63  }
0xb5: {  	s3 =	simm.s32 @!p1 $0xB  }
0xb6: {  	p2 =	sgt.u32 @!p1 s25, $0x7;
	_ =	swait.ge @!p1 [sflag:s3], $0x1000  }
0xb7: {  	p3 =	por !p2, p1;
	[sflag:s3] =	ssyncset.done @!p1 $0x0  }
0xb8: {  	[sflag:s3] =	ssyncadd.s32 @!p1 $0xFFFFF000;
	s3 =	simm.s32 @!p3 $0x8  }
0xb9: {  	_ =	swait.ge @!p3 [sflag:s3], $0x1000  }
0xba: {  	[sflag:s3] =	ssyncset.done @!p3 $0x0  }
0xbb: {  	[sflag:s3] =	ssyncadd.s32 @!p3 $0xFFFFF000;
	s3 =	sshra.s32 @!p3 s24, $0x2  }
0xbc: {  	s5 =	simm.s32 @!p3 $0x80;
	s6 =	simm.s32 @!p3 $0x10E00;
	s3 =	sadd.s32 @!p3 $0x7A80, s3  }
0xbd: {  	[spmem:s2] =	stream.indirect.scatter.add.f32 @!p3 [tilespmem:s6], [sflag:$0xB], $0x20, s3, s5, $0xb8;
	[tilespmem:$0x11F00] =	vst v63  }
0xbe: {  	s3 =	simm.s32 @!p3 $0xB  }
0xbf: {  	_ =	swait.ge @!p3 [sflag:s3], $0x1000  }
0xc0: {  	p1 =	por p2, p1;
	[sflag:s3] =	ssyncset.done @!p3 $0x0  }
0xc1: {  	[sflag:s3] =	ssyncadd.s32 @!p3 $0xFFFFF000;
	s3 =	sshra.s32 @!p1 s24, $0x2  }
0xc2: {  	s8 =	simm.s32 @!p1 $0xFE00;
	s6 =	simm.s32 @!p1 $0x80;
	s5 =	sadd.s32 @!p1 $0x5700, s3  }
0xc3: {  	[tilespmem:s8], [sflag:$0x7] =	stream.indirect.gather @!p1 [hbm4b:s4+s6], $0x20, s5, s6, $0xb8;
	[tilespmem:$0x11F00] =	vst v63  }
0xc4: {  	s5 =	simm.s32 @!p1 $0x8  }
0xc5: {  	_ =	swait.ge @!p1 [sflag:s5], $0x1000  }
0xc6: {  	[sflag:s5] =	ssyncset.done @!p1 $0x0  }
0xc7: {  	s8 =	simm.s32 @!p1 $0x10E00;
	[sflag:s5] =	ssyncadd.s32 @!p1 $0xFFFFF000;
	s5 =	sadd.s32 @!p1 $0x7A80, s3  }
0xc8: {  	[spmem:s2] =	stream.indirect.scatter.add.f32 @!p1 [tilespmem:s8], [sflag:$0xB], $0x20, s5, s6, $0xb8;
	[tilespmem:$0x11F00] =	vst v63  }
0xc9: {  	s5 =	simm.s32 @!p1 $0xB  }
0xca: {  	_ =	swait.ge @!p1 [sflag:s5], $0x1000  }
0xcb: {  	[sflag:s5] =	ssyncset.done @!p1 $0x0  }
0xcc: {  	s24 =	sadd.s32 $0x1000, s24;
	s3 =	sadd.s32 @!p1 $0x5780, s3;
	[sflag:s5] =	ssyncadd.s32 @!p1 $0xFFFFF000  }
0xcd: {  	[tilespmem:s8], [sflag:$0x8] =	stream.indirect.gather @!p1 [hbm4b:s4+s6], $0x20, s3, s6, $0xb8;
	[tilespmem:$0x11F00] =	vst v63  }
0xce: {  	p1 =	sne.s32 s24, $0xA000  }
.Ltmp4:
0xcf: {  	_ = 	snop;
	(pc) =	sbr.rel @p1 .LBB2_4-.Ltmp4, $4  }
.Ltmp5:
0xd0: {  	_ = 	snop;
	(pc) =	sbr.rel @!p1 .LBB2_6-.Ltmp5, $4  }
0xd1: {  	_ = 	snop  }
0xd2: {  	_ = 	snop  }
0xd3: {  	s1 =	sadd.s32 $0x8, s1;
	s25 =	sadd.s32 $0x1, s25  }
0xd4: {  	_ = 	snop  }
.LBB2_7:
0xd5: {  	_ =	sfence.sel $0x180000  }
0xd6: {  	[bflag:$0x0] =	sbarrier.arrive $0xFFFF  }
0xd7: {  	_ =	strace $0x9000004D  }
0xd8: {  	s0 =	stileid.u32;
	[bflag:$0x2] =	sbarrier.arrive $0xFFFF  }
0xd9: {  	p0 =	sne.s32 s0, $0x0;
	s0 =	rddreg [dreg:$0x2]  }
0xda: {  	s0 =	sadd.s32 @!p0 $0x100000, s0  }
0xdb: {  	[sflag:s0] =	ssyncadd.tile.s32 @!p0 $0x1;
	_ =	shalt  }
.Lfunc_end2:
_tile_overlayer_lowered:
.L_overlay_start_2:
0xdc: {  	(tag) =	ssettag $0x2  }
0xdd: {  	s0 =	rddreg [dreg:$0x0];
	s2 =	stileid.u32  }
0xde: {  	s1 =	rddreg [dreg:$0x1];
	p0 =	sne.s32 s2, $0x0  }
0xdf: {  	s3 =	rddreg [dreg:$0x2];
	[bflag:$0x3] =	sbarrier.arrive $0xFFFF;
	s2 =	simm.s32 @!p0 $0x1C0B  }
0xe0: {  	[timem:s3], [sflag:s2] =	dma.local @!p0 [hbm:s0], s1  }
0xe1: {  	s0 =	simm.s32 @!p0 $0xB  }
0xe2: {  	_ =	swait.ge @!p0 [sflag:s0], s1  }
0xe3: {  	s1 =	ssub.s32 @!p0 $0x0, s1;
	[sflag:s0] =	ssyncset.done @!p0 $0x0  }
0xe4: {  	[sflag:s0] =	ssyncadd.s32 @!p0 s1  }
0xe5: {  	[bflag:$0x3] =	sbarrier.arrive $0xFFFF  }
0xe6: {  	_ =	shalt  }

// kernel: kernel.9.cloned.1.call-start
scs
__scs_entry_jumppad:
0x0: {  	(pc) =	sbr.rel $0x88, $3  }
0x1: {  	(tag) =	ssettag $0x0;
	lr =	simm.s32 $0x1  }
0x2: {  	[smem:$0x3F92] =	sst lr;
	_ =	strace $0xD0000000  }
0x3: {  	_ = 	snop  }
0x4: {  	_ = 	snop  }
0x5: {  	_ = 	snop  }
0x6: {  	_ = 	snop  }
0x7: {  	_ = 	snop  }
__scs_overlays_trampoline_lowered:
0x8: {  	[smem:$0x3FA1] =	sst s0  }
0x9: {  	[smem:$0x3FA2] =	sst s1  }
0xa: {  	[smem:$0x3FA3] =	sst s2  }
0xb: {  	[smem:$0x3FA4] =	sst s3  }
0xc: {  	[smem:$0x3FA5] =	sst s4  }
0xd: {  	[smem:$0x3FA6] =	sst s5  }
0xe: {  	[smem:$0x3FA7] =	sst s6  }
0xf: {  	[smem:$0x3FA8] =	sst s7  }
0x10: {  	[smem:$0x3FA9] =	sst s8  }
0x11: {  	[smem:$0x3FAA] =	sst s9;
	s0 =	simm.s32 @!p0 $0x0  }
0x12: {  	s1 =	sld [smem:$0x3F90];
	s0 =	simm.s32 @p0 $0x1  }
0x13: {  	[smem:$0x3FAB] =	sst s0;
	s0 =	simm.s32 @!p1 $0x0  }
0x14: {  	s2 =	sld [smem:$0x3F8F];
	s0 =	simm.s32 @p1 $0x1  }
0x15: {  	[smem:$0x3FAC] =	sst s0;
	s0 =	simm.s32 @!p2 $0x0  }
0x16: {  	s3 =	sld [smem:$0x3FDB];
	s0 =	simm.s32 @p2 $0x1  }
0x17: {  	s4 =	simm.s32 $0x1BF5;
	[smem:$0x3FAE] =	sst s0  }
0x18: {  	s0 =	sld [smem:$0x3F91];
	_ =	swait.ge [sflag:s4], $0x0  }
0x19: {  	s7 =	sld [smem:$0x3F92]  }
0x1a: {  	s8 =	sadd.s32 $0xFFFFE003, lr  }
0x1b: {  	s9 =	sadd.s32 $0xFFFFFEF7, lr;
	s5 =	simm.s32 $0xFFFFFFFF;
	p2 =	slt.u32 s8, $0xFFFFF086  }
0x1c: {  	p1 =	slt.u32 s9, $0xF7A;
	s5 =	simm.s32 @!p2 $0x0  }
0x1d: {  	s5 =	simm.s32 @p1 $0x1;
	p0 =	seq.s32 s7, s2  }
0x1e: {  	s7 =	smul.u32 @!p0 $0xF7A, s2;
	p2 =	seq.s32 @!p0 s5, $0x0  }
0x1f: {  	s9 =	smul.u32 $0xF7A, s1;
	s8 =	simm.s32 @!p0 $0x1BF5;
	p2 =	por !p2, p0  }
0x20: {  	[sflag:s8] =	ssyncset.s32 @!p0 $0xFFFFF086;
	s6 =	sadd.s32 @!p0 s3, s7;
	s7 =	simm.s32 @!p0 $0x108  }
0x21: {  	s3 =	sadd.s32 s3, s9;
	s6 =	sadd.s32 @!p0 $0x88, s6;
	s7 =	simm.s32 @p2 $0x1082  }
0x22: {  	[simem:s7], [sflag:s8] =	dma.local @!p0 [hbm:s6], $0xF7A  }
0x23: {  	s9 =	sor.u32 $0xD0000000, s2;
	s6 =	simm.s32 $0x108;
	_ =	swait.ge @!p0 [sflag:s8], $0x0  }
0x24: {  	s3 =	sadd.s32 $0x88, s3;
	s6 =	simm.s32 @!p1 $0x1082;
	[sflag:s4] =	ssyncset.s32 $0xFFFFF086  }
0x25: {  	[simem:s6], [sflag:s4] =	dma.local [hbm:s3], $0xF7A  }
0x26: {  	[smem:$0x3F92] =	sst s1;
	(tag) =	ssettag s2;
	_ =	strace s9  }
0x27: {  	s1 =	sld [smem:$0x3FA2]  }
0x28: {  	s2 =	sld [smem:$0x3FA3]  }
0x29: {  	s4 =	sld [smem:$0x3FA5]  }
0x2a: {  	p0 =	seq.s32 s5, $0x0;
	s5 =	sld [smem:$0x3FA6]  }
0x2b: {  	s6 =	sld [smem:$0x3FA7]  }
0x2c: {  	s7 =	sld [smem:$0x3FA8]  }
0x2d: {  	s3 =	simm.s32 $0x108;
	s8 =	sld [smem:$0x3FA9]  }
0x2e: {  	s3 =	simm.s32 @!p0 $0x1082;
	s9 =	sld [smem:$0x3FAA]  }
0x2f: {  	lr =	sadd.s32 s0, s3;
	s0 =	sld [smem:$0x3FA1]  }
0x30: {  	s3 =	sld [smem:$0x3FA4]  }
0x31: {  	[smem:$0x3FAD] =	sst s10  }
0x32: {  	s10 =	sld [smem:$0x3FAB];
	_ =	sdelay $0x3  }
0x33: {  	p0 =	seq.s32 s10, $0x1;
	s10 =	sld [smem:$0x3FAD];
	_ =	sdelay $0x3  }
0x34: {  	[smem:$0x3FAD] =	sst s10  }
0x35: {  	s10 =	sld [smem:$0x3FAC];
	_ =	sdelay $0x3  }
0x36: {  	p1 =	seq.s32 s10, $0x1;
	s10 =	sld [smem:$0x3FAD];
	_ =	sdelay $0x3  }
0x37: {  	[smem:$0x3FAD] =	sst s10  }
0x38: {  	s10 =	sld [smem:$0x3FAE]  }
0x39: {  	_ = 	snop;
	(pc) =	sbr.ind lr, $3  }
0x3a: {  	_ = 	snop  }
0x3b: {  	_ = 	snop  }
0x3c: {  	p2 =	seq.s32 s10, $0x1;
	s10 =	sld [smem:$0x3FAD]  }
0x3d: {  	_ =	shalt  }
0x3e: {  	_ =	shalt  }
0x3f: {  	_ =	shalt  }
0x40: {  	_ =	shalt  }
0x41: {  	_ =	shalt  }
0x42: {  	_ =	shalt  }
0x43: {  	_ =	shalt  }
0x44: {  	_ =	shalt  }
0x45: {  	_ =	shalt  }
0x46: {  	_ =	shalt  }
0x47: {  	_ =	shalt  }
0x48: {  	_ =	shalt  }
0x49: {  	_ =	shalt  }
0x4a: {  	_ =	shalt  }
0x4b: {  	_ =	shalt  }
0x4c: {  	_ =	shalt  }
0x4d: {  	_ =	shalt  }
0x4e: {  	_ =	shalt  }
0x4f: {  	_ =	shalt  }
0x50: {  	_ =	shalt  }
0x51: {  	_ =	shalt  }
0x52: {  	_ =	shalt  }
0x53: {  	_ =	shalt  }
0x54: {  	_ =	shalt  }
0x55: {  	_ =	shalt  }
0x56: {  	_ =	shalt  }
0x57: {  	_ =	shalt  }
0x58: {  	_ =	shalt  }
0x59: {  	_ =	shalt  }
0x5a: {  	_ =	shalt  }
0x5b: {  	_ =	shalt  }
0x5c: {  	_ =	shalt  }
0x5d: {  	_ =	shalt  }
0x5e: {  	_ =	shalt  }
0x5f: {  	_ =	shalt  }
0x60: {  	_ =	shalt  }
0x61: {  	_ =	shalt  }
0x62: {  	_ =	shalt  }
0x63: {  	_ =	shalt  }
0x64: {  	_ =	shalt  }
0x65: {  	_ =	shalt  }
0x66: {  	_ =	shalt  }
0x67: {  	_ =	shalt  }
0x68: {  	_ =	shalt  }
0x69: {  	_ =	shalt  }
0x6a: {  	_ =	shalt  }
0x6b: {  	_ =	shalt  }
0x6c: {  	_ =	shalt  }
0x6d: {  	_ =	shalt  }
0x6e: {  	_ =	shalt  }
0x6f: {  	_ =	shalt  }
0x70: {  	_ =	shalt  }
0x71: {  	_ =	shalt  }
0x72: {  	_ =	shalt  }
0x73: {  	_ =	shalt  }
0x74: {  	_ =	shalt  }
0x75: {  	_ =	shalt  }
0x76: {  	_ =	shalt  }
0x77: {  	_ =	shalt  }
0x78: {  	_ =	shalt  }
0x79: {  	_ =	shalt  }
0x7a: {  	_ =	shalt  }
0x7b: {  	_ =	shalt  }
0x7c: {  	_ =	shalt  }
0x7d: {  	_ =	shalt  }
0x7e: {  	_ =	shalt  }
0x7f: {  	_ =	shalt  }
0x80: {  	_ =	shalt  }
0x81: {  	_ =	shalt  }
0x82: {  	_ =	shalt  }
0x83: {  	_ =	shalt  }
0x84: {  	_ =	shalt  }
0x85: {  	_ =	shalt  }
0x86: {  	_ =	shalt  }
0x87: {  	_ =	shalt  }
.Lfunc_end0:
.L_simem_size_0:
called_computation_lowered:
.L_overlay_start_0:
0x88: {  	s2 =	sld [smem:$0x3FD9]  }
0x89: {  	s3 =	sld [smem:$0x3FFE];
	_ =	sdelay $0x1  }
0x8a: {  	s1 =	srdreg.scid  }
0x8b: {  	s0 =	sand.u32 $0x1, s1  }
0x8c: {  	s16 =	sshll.u32 s0, $0xA;
	s2 =	sadd.s32 s3, s2  }
0x8d: {  	s2 =	sadd.s32 s2, s16  }
0x8e: {  	[smem:$0x3FB9] =	sst s2  }
0x8f: {  	_ = 	snop  }
0x90: {  	(tm) =	ssettm $0x1  }
0x91: {  	s17 =	sld [smem:$0x3FFB];
	_ =	sdelay $0x3  }
0x92: {  	_ =	strace s17  }
0x93: {  	s2 =	sld [smem:$0x3FFC];
	_ =	sdelay $0x3  }
0x94: {  	_ =	strace s2  }
0x95: {  	s2 =	sld [smem:$0x3FFD];
	_ =	sdelay $0x3  }
0x96: {  	_ =	strace s2  }
0x97: {  	_ =	strace $0x8FFFFFFF  }
0x98: {  	s18 =	sld [smem:$0x3FDB];
	_ =	sdelay $0x1  }
0x99: {  	s19 =	simm.s32 $_scs_section_size  }
0x9a: {  	s4 =	simm.s32 $_size__tile_overlayer_lowered;
	s5 =	simm.s32 $_tile_overlayer_lowered  }
0x9b: {  	s22 =	simm.s32 $0x1BFF;
	s21 =	sshll.u32 s5, $0x1;
	s2 =	sadd.s32 s19, s18  }
0x9c: {  	s6 =	simm.s32 $0x0;
	s20 =	sshll.u32 s4, $0x1;
	s4 =	sadd.s32 s21, s2  }
0x9d: {  	[timem:s6], [sflag:s22] =	dma.local [hbm:s4], s20  }
0x9e: {  	_ =	swait.ge [sflag:s22], s20  }
0x9f: {  	s3 =	ssub.s32 $0x0, s20;
	[sflag:s22] =	ssyncset.done $0x0  }
0xa0: {  	[sflag:s22] =	ssyncadd.s32 s3;
	_ =	sdelay $0x1  }
0xa1: {  	s23 =	simm.s32 $0x1B8B  }
0xa2: {  	_ =	swait.ge [sflag:s23], $0x1  }
0xa3: {  	[sflag:s23] =	ssyncset.done $0x0  }
0xa4: {  	s25 =	simm.s32 $0x1B8E;
	s24 =	sld [smem:$0x3FFE];
	[sflag:s23] =	ssyncadd.s32 $0xFFFFFFFF  }
0xa5: {  	s26 =	simm.s32 $execute0_lowered;
	[smem:$0x3FD2] =	sst s25  }
0xa6: {  	s4 =	sshll.u32 s26, $0x1;
	_ =	strace $0x80000046;
	[dreg:$0x1] =	wrdreg $0xFFFFFFFF  }
0xa7: {  	s28 =	simm.s32 $_size_execute0_lowered;
	s2 =	sadd.s32 s2, s4;
	[dreg:$0x0] =	wrdreg $0x0  }
0xa8: {  	s4 =	sshll.u32 s28, $0x1;
	[dreg:$0x2] =	wrdreg s2  }
0xa9: {  	[dreg:$0x3] =	wrdreg s4  }
0xaa: {  	[dreg:$0x4] =	wrdreg $0xC0  }
0xab: {  	_ =	task [dreg:s6], $0x5FFFF  }
0xac: {  	[dreg:$0x1] =	wrdreg $0xFFFFFFFF  }
0xad: {  	[dreg:$0x0] =	wrdreg $0x60  }
0xae: {  	[dreg:$0x2] =	wrdreg s24  }
0xaf: {  	[dreg:$0x3] =	wrdreg $0x9  }
0xb0: {  	_ =	task.clear_ibuf [dreg:s6], $0x4FFFF;
	_ =	strace $0x90000046  }
0xb1: {  	s29 =	simm.s32 $0x9;
	_ =	strace $0x80000048  }
0xb2: {  	_ =	swait.ge [sflag:s29], $0x1  }
0xb3: {  	[sflag:s29] =	ssyncadd.s32 $0xFFFFFFFF  }
0xb4: {  	_ =	strace $0x90000048  }
0xb5: {  	_ =	sfence  }
0xb6: {  	s30 =	sld [smem:$0x0];
	_ =	sdelay $0x2  }
0xb7: {  	s31 =	sshll.u32 s1, $0xD;
	s1 =	sshrl.u32 s1, $0x2  }
0xb8: {  	s3 =	sand.u32 $0x4000, s31;
	s1 =	sadd.s32 s1, s30  }
0xb9: {  	s0 =	sor.u32 s3, s0;
	s1 =	sshll.u32 s1, $0x11  }
0xba: {  	s0 =	sor.u32 s1, s0  }
0xbb: {  	s0 =	sadd.s32 $0x8F2B, s0  }
0xbc: {  	[sflag:s0] =	ssyncadd.remote.s32 $0x1  }
0xbd: {  	_ =	sfence.sel $0xFFFF  }
0xbe: {  	[dreg:$0x0] =	wrdreg $0xFFFFFFFF;
	(pc) =	sbr.abs _section_cstart, $3  }
0xbf: {  	[dreg:$0x1] =	wrdreg $0xFFFFFFFF  }
0xc0: {  	_ =	task.clear_ibuf [dreg:s6], $0x2FFFF;
	_ =	strace $0x9FFFFFFF  }
0xc1: {  	(tm) =	ssettm $0x7FFFFFFF  }
tec
execute0_lowered:
.L_overlay_start_1:
0x0: {  	(tag) =	ssettag $0x1  }
0x1: {  	s0 =	srdreg.scid;
	s4 =	rddreg [dreg:$0x0]  }
0x2: {  	s2 =	simm.s32 $0x0;
	s3 =	sand.u32 $0x1, s0;
	s0 =	stileid.u32  }
0x3: {  	[smem:$0x7FF] =	sst s2;
	s7 =	sadd.s32 $0x3000, s4;
	s1 =	sshll.u32 s3, $0x4  }
0x4: {  	s3 =	ssub.s32 $0x2, s3;
	s30 =	sshll.u32 s0, $0x4;
	s9 =	sor.u32 s0, s1  }
0x5: {  	s1 =	rddreg [dreg:$0x1];
	s8 =	sshrl.u32 s3, $0x1;
	s5 =	smul.u32 $0x500, s9  }
0x6: {  	_ =	strace $0x80000047;
	s6 =	smul.u32 $0x2700, s9;
	s31 =	ssub.s32 s3, s8  }
0x7: {  	s8 =	simm.s32 $0x1;
	p0 =	sgt.u32 s9, $0x3;
	s9 =	simm.s32 $0x0  }
0x8: {  	s5 =	sadd.s32 s5, s4;
	s29 =	sshrl.u32 s6, $0x3;
	s6 =	sadd.s32 s30, s7  }
0x9: {  	s4 =	sadd.s32 s7, s29;
	s5 =	sadd.s32 $0x16A00, s5;
	s7 =	simm.s32 $0x2800  }
0xa: {  	v0 =	vimm.f32 $0.0e+00;
	v1 =	vimm.f32 $1.000000000e+00;
	s3 =	sadd.s32 $0x9C40, s4;
	s4 =	sadd.s32 $0x13840, s6;
	s6 =	smax.u32 s31, $0x1  }
.LBB2_1:
0xb: {  	s10 =	simm.s32 $0x40;
	s11 =	simm.s32 $0x0  }
.LBB2_2:
0xc: {  	p1 =	sne.s32 s10, $0x9FC0;
	[tilespmem:s11+$0x0] =	vst v0;
	s11 =	smov.u32 s10;
	s10 =	sadd.s32 $0x40, s10  }
.Ltmp0:
0xd: {  	(pc) =	sbr.rel @p1 .LBB2_2-.Ltmp0, $2  }
0xe: {  	_ =	sdelay $0x2  }
0xf: {  	s11 =	sshra.s32 s11, $0x2  }
0x10: {  	[tilespmem:s11+$0x0] =	vst v0  }
0x11: {  	[tilespmem:s7], [sflag:$0x1] =	stream.linear.gather [hbm4b:s3+s2], $0x2700, $0x38;
	[tilespmem:$0x4F80] =	vst v63  }
0x12: {  	_ =	swait.ge [sflag:s8], $0x2700  }
0x13: {  	[sflag:s8] =	ssyncset.done $0x0  }
0x14: {  	s10 =	simm.s32 $0x1C0;
	[sflag:s8] =	ssyncadd.s32 $0xFFFFD900  }
.LBB2_4:
0x15: {  	s11 =	sshra.s32 s10, $0x2  }
0x16: {  	v2 =	vld [tilespmem:s11+$0x2790];
	_ =	sdelay $0x7  }
0x17: {  	[tilespmem:v2+s2+$0x0] =	vst.idx.add.f32.msk $0xffff, v1  }
0x18: {  	v2 =	vld [tilespmem:s11+$0x27A0];
	_ =	sdelay $0x7  }
0x19: {  	[tilespmem:v2+s2+$0x0] =	vst.idx.add.f32.msk $0xffff, v1  }
0x1a: {  	v2 =	vld [tilespmem:s11+$0x27B0];
	_ =	sdelay $0x7  }
0x1b: {  	[tilespmem:v2+s2+$0x0] =	vst.idx.add.f32.msk $0xffff, v1  }
0x1c: {  	v2 =	vld [tilespmem:s11+$0x27C0];
	_ =	sdelay $0x7  }
0x1d: {  	[tilespmem:v2+s2+$0x0] =	vst.idx.add.f32.msk $0xffff, v1  }
0x1e: {  	v2 =	vld [tilespmem:s11+$0x27D0];
	_ =	sdelay $0x7  }
0x1f: {  	[tilespmem:v2+s2+$0x0] =	vst.idx.add.f32.msk $0xffff, v1  }
0x20: {  	v2 =	vld [tilespmem:s11+$0x27E0];
	_ =	sdelay $0x7  }
0x21: {  	[tilespmem:v2+s2+$0x0] =	vst.idx.add.f32.msk $0xffff, v1  }
0x22: {  	v2 =	vld [tilespmem:s11+$0x27F0];
	_ =	sdelay $0x7  }
0x23: {  	[tilespmem:v2+s2+$0x0] =	vst.idx.add.f32.msk $0xffff, v1  }
0x24: {  	v2 =	vld [tilespmem:s11+$0x2800];
	_ =	sdelay $0x2  }
0x25: {  	p1 =	sne.s32 s10, $0x9BC0  }
.Ltmp1:
0x26: {  	_ = 	snop;
	(pc) =	sbr.rel @p1 .LBB2_4-.Ltmp1, $2  }
0x27: {  	_ =	sdelay $0x2  }
0x28: {  	s10 =	sadd.s32 $0x200, s10;
	[tilespmem:v2+s2+$0x0] =	vst.idx.add.f32.msk $0xffff, v1  }
0x29: {  	s10 =	simm.s32 @!p0 $0x0;
	s11 =	simm.s32 @!p0 $0x4F00  }
0x2a: {  	[tilespmem:s11], [sflag:$0x1] =	stream.linear.gather @!p0 [hbm4b:s4+s10], $0x80, $0x38;
	[tilespmem:$0x4F80] =	vst v63  }
0x2b: {  	s11 =	simm.s32 @!p0 $0x1  }
0x2c: {  	_ =	swait.ge @!p0 [sflag:s11], $0x80  }
0x2d: {  	[sflag:s11] =	ssyncset.done @!p0 $0x0  }
0x2e: {  	[sflag:s11] =	ssyncadd.s32 @!p0 $0xFFFFFF80  }
0x2f: {  	v2 =	vld @!p0 [tilespmem:$0x4F00];
	_ =	sdelay $0x6  }
0x30: {  	v3 =	vimm.f32 @!p0 $1.000000000e+00  }
0x31: {  	[tilespmem:v2+s10+$0x0] =	vst.idx.add.f32.msk @!p0 $0xffff, v3  }
0x32: {  	v2 =	vld @!p0 [tilespmem:$0x4F10];
	_ =	sdelay $0x7  }
0x33: {  	[tilespmem:v2+s10+$0x0] =	vst.idx.add.f32.msk @!p0 $0xffff, v3  }
0x34: {  	v2 =	vld @!p0 [tilespmem:$0x4F20];
	_ =	sdelay $0x7  }
0x35: {  	[tilespmem:v2+s10+$0x0] =	vst.idx.add.f32.msk @!p0 $0xffff, v3  }
0x36: {  	v2 =	vld @!p0 [tilespmem:$0x4F30];
	_ =	sdelay $0x7  }
0x37: {  	[tilespmem:v2+s10+$0x0] =	vst.idx.add.f32.msk @!p0 $0xffff, v3  }
0x38: {  	v2 =	vld @!p0 [tilespmem:$0x4F40];
	_ =	sdelay $0x7  }
0x39: {  	[tilespmem:v2+s10+$0x0] =	vst.idx.add.f32.msk @!p0 $0xffff, v3  }
0x3a: {  	v2 =	vld @!p0 [tilespmem:$0x4F50];
	_ =	sdelay $0x7  }
0x3b: {  	[tilespmem:v2+s10+$0x0] =	vst.idx.add.f32.msk @!p0 $0xffff, v3  }
0x3c: {  	v2 =	vld @!p0 [tilespmem:$0x4F60];
	_ =	sdelay $0x7  }
0x3d: {  	[tilespmem:v2+s10+$0x0] =	vst.idx.add.f32.msk @!p0 $0xffff, v3  }
0x3e: {  	v2 =	vld @!p0 [tilespmem:$0x4F70];
	_ =	sdelay $0x5  }
0x3f: {  	s9 =	sadd.s32 $0x1, s9  }
0x40: {  	p1 =	sne.s32 s9, s6  }
.Ltmp2:
0x41: {  	[tilespmem:v2+s10+$0x0] =	vst.idx.add.f32.msk @!p0 $0xffff, v3;
	(pc) =	sbr.rel @p1 .LBB2_1-.Ltmp2, $4  }
0x42: {  	[hbm4b:s5+s2] =	stream.linear.scatter [tilespmem:s2], [sflag:$0x1], $0x2800, $0x38;
	[tilespmem:$0x4F80] =	vst v63  }
0x43: {  	_ =	swait.ge [sflag:s8], $0x2800  }
0x44: {  	[sflag:s8] =	ssyncset.done $0x0  }
0x45: {  	[sflag:s8] =	ssyncadd.s32 $0xFFFFD800  }
0x46: {  	_ =	sfence.sel $0x180000  }
0x47: {  	[bflag:$0x0] =	sbarrier.arrive $0xFFFF  }
0x48: {  	p0 =	sne.s32 s0, $0x0;
	_ =	strace $0x90000047  }
0x49: {  	s0 =	sadd.s32 @!p0 $0x100000, s1;
	[bflag:$0x2] =	sbarrier.arrive $0xFFFF  }
0x4a: {  	[sflag:s0] =	ssyncadd.tile.s32 @!p0 $0x1;
	_ =	shalt  }
.Lfunc_end2:
_tile_overlayer_lowered:
.L_overlay_start_2:
0x4b: {  	(tag) =	ssettag $0x2  }
0x4c: {  	s0 =	rddreg [dreg:$0x0];
	s2 =	stileid.u32  }
0x4d: {  	s1 =	rddreg [dreg:$0x1];
	p0 =	sne.s32 s2, $0x0  }
0x4e: {  	s3 =	rddreg [dreg:$0x2];
	[bflag:$0x3] =	sbarrier.arrive $0xFFFF;
	s2 =	simm.s32 @!p0 $0x1C01  }
0x4f: {  	[timem:s3], [sflag:s2] =	dma.local @!p0 [hbm:s0], s1  }
0x50: {  	s0 =	simm.s32 @!p0 $0x1  }
0x51: {  	_ =	swait.ge @!p0 [sflag:s0], s1  }
0x52: {  	s1 =	ssub.s32 @!p0 $0x0, s1;
	[sflag:s0] =	ssyncset.done @!p0 $0x0  }
0x53: {  	[sflag:s0] =	ssyncadd.s32 @!p0 s1  }
0x54: {  	[bflag:$0x3] =	sbarrier.arrive $0xFFFF  }
0x55: {  	_ =	shalt  }

</sc_bundles>
